<compile_context>
chip_gen: v7x
topology: tpu7x:2x2x1
jax: 0.10.2.dev20260603
libtpu: 0.0.44.dev20260713+nightly
codegen_flags: <defaults>
</compile_context>

<pallas_src>
import functools

import jax
import jax.numpy as jnp
from jax import lax
from jax.experimental import pallas as pl
from jax.experimental.pallas import tpu as pltpu
from jax.experimental.pallas import tpu_sc as plsc

N = 100000
E = 1600000
FEAT = 128
HID = 32
HALF = 16
MAX_DEG = 5

LANES = 128
ROWS = 8
CHUNK = ROWS * LANES
NQ = 98
EPT = NQ * CHUNK
EPAD = 16 * EPT
ROWS_PER_TILE = 6256
NPAD = 16 * ROWS_PER_TILE

CW = 8
RBLK = 2000
GRID = N // RBLK




def _sc_seg_body(src3, sel3, table, zrow_f, out, idx_v, sel_v, rows_v, acc,
                 gsem):
    c = lax.axis_index("c")
    s = lax.axis_index("s")
    base = s * ROWS_PER_TILE

    pltpu.sync_copy(zrow_f, acc.at[pl.ds(base, ROWS_PER_TILE)])
    plsc.subcore_barrier()

    def body(q, carry):
        pltpu.sync_copy(src3.at[c, s, q], idx_v)
        pltpu.sync_copy(sel3.at[s, q], sel_v)
        got = [
            pltpu.async_copy(table.at[idx_v.at[j]],
                             rows_v.at[pl.ds(j * LANES, LANES)], gsem)
            for j in range(ROWS)
        ]
        for g in got:
            g.wait()
        for j in range(ROWS):
            pltpu.sync_copy(rows_v.at[pl.ds(j * LANES, LANES)],
                            acc.at[sel_v.at[j]], add=True)
        return carry

    lax.fori_loop(0, NQ, body, 0)
    plsc.subcore_barrier()

    pltpu.sync_copy(acc.at[pl.ds(base, ROWS_PER_TILE)],
                    out.at[c, pl.ds(base, ROWS_PER_TILE)])


@functools.cache
def _sc_segsum_kernel():
  return pl.kernel(
    _sc_seg_body,
    out_type=jax.ShapeDtypeStruct((2, NPAD, HALF), jnp.float32),
    mesh=plsc.VectorSubcoreMesh(core_axis_name="c", subcore_axis_name="s"),
    scratch_types=[
        pltpu.VMEM((ROWS, LANES), jnp.int32),
        pltpu.VMEM((ROWS, LANES), jnp.int32),
        pltpu.VMEM((CHUNK, HALF), jnp.float32),
        pltpu.VMEM_SHARED((NPAD, HALF), jnp.float32),
        pltpu.SemaphoreType.DMA,
    ],
    compiler_params=pltpu.CompilerParams(use_tc_tiling_on_sc=False),
  )


def _sc_cnt_body(sel3, zrow_i, ones_h, cnt_out, sel_v, ones_v, cnt):
    c = lax.axis_index("c")
    s = lax.axis_index("s")
    base = s * ROWS_PER_TILE
    pltpu.sync_copy(zrow_i, cnt.at[pl.ds(base, ROWS_PER_TILE)])
    pltpu.sync_copy(ones_h, ones_v)
    plsc.subcore_barrier()

    def body(q, carry):
        pltpu.sync_copy(sel3.at[s, q], sel_v)
        for j in range(ROWS):
            pltpu.sync_copy(ones_v, cnt.at[sel_v.at[j]], add=True)
        return carry

    q0 = c * (NQ // 2)
    lax.fori_loop(q0, q0 + NQ // 2, body, 0)
    plsc.subcore_barrier()

    pltpu.sync_copy(cnt.at[pl.ds(base, ROWS_PER_TILE)],
                    cnt_out.at[c, pl.ds(base, ROWS_PER_TILE)])


@functools.cache
def _sc_count_kernel():
  return pl.kernel(
    _sc_cnt_body,
    out_type=jax.ShapeDtypeStruct((2, NPAD, CW), jnp.int32),
    mesh=plsc.VectorSubcoreMesh(core_axis_name="c", subcore_axis_name="s"),
    scratch_types=[
        pltpu.VMEM((ROWS, LANES), jnp.int32),
        pltpu.VMEM((LANES, CW), jnp.int32),
        pltpu.VMEM_SHARED((NPAD, CW), jnp.int32),
    ],
    compiler_params=pltpu.CompilerParams(use_tc_tiling_on_sc=False),
  )


def _sc_segsum(src3, sel3, table, zrow_f):
    return _sc_segsum_kernel()(src3, sel3, table, zrow_f)


def _sc_count(sel3, zrow_i, ones_h):
    return _sc_count_kernel()(sel3, zrow_i, ones_h)




def _tc_first_body(x_ref, w_ref, b_ref, o_ref):
    acc = lax.dot_general(x_ref[...], w_ref[...],
                          (((1,), (1,)), ((), ())),
                          preferred_element_type=jnp.float32)
    o_ref[...] = jnp.maximum(acc + b_ref[...], 0.0)


def _tc_first(x, w, b):
    return pl.pallas_call(
        _tc_first_body,
        grid=(GRID,),
        in_specs=[
            pl.BlockSpec((RBLK, FEAT), lambda i: (i, 0)),
            pl.BlockSpec((HID, FEAT), lambda i: (0, 0)),
            pl.BlockSpec((1, HID), lambda i: (0, 0)),
        ],
        out_specs=pl.BlockSpec((RBLK, HID), lambda i: (i, 0)),
        out_shape=jax.ShapeDtypeStruct((N, HID), jnp.float32),
    )(x, w, b.reshape(1, HID))


def _deg_select(agg0, agg1, cur, cnt, w_ref, b_ref):
    hagg = jnp.concatenate([agg0, agg1], axis=1) + cur
    deg = jnp.minimum(cnt, MAX_DEG)
    acc = jnp.zeros((RBLK, HID), jnp.float32)
    for k in range(MAX_DEG + 1):
        ok = lax.dot_general(hagg, w_ref[k], (((1,), (1,)), ((), ())),
                             preferred_element_type=jnp.float32) + b_ref[k]
        acc = acc + jnp.where(deg == k, ok, 0.0)
    return acc


def _tc_mid_body(a0_ref, a1_ref, cur_ref, xf_ref, cnt_ref, w_ref, b_ref,
                 fw_ref, o_ref):
    acc = _deg_select(a0_ref[...], a1_ref[...], cur_ref[...], cnt_ref[...],
                      w_ref, b_ref)
    o_ref[...] = acc + fw_ref[0, 0] * xf_ref[...]


def _tc_final_body(a0_ref, a1_ref, cur_ref, xf_ref, cnt_ref, w_ref, b_ref,
                   fw_ref, wo_ref, bo_ref, o_ref):
    acc = _deg_select(a0_ref[...], a1_ref[...], cur_ref[...], cnt_ref[...],
                      w_ref, b_ref)
    o = acc + fw_ref[0, 0] * xf_ref[...]
    l0 = jnp.sum(o * wo_ref[0], axis=1, keepdims=True) + bo_ref[0, 0]
    l1 = jnp.sum(o * wo_ref[1], axis=1, keepdims=True) + bo_ref[0, 1]
    m = jnp.maximum(l0, l1)
    lse = m + jnp.log(jnp.exp(l0 - m) + jnp.exp(l1 - m))
    o_ref[...] = jnp.concatenate([l0 - lse, l1 - lse], axis=1)


_ROW_SPECS = [
    pl.BlockSpec((RBLK, HALF), lambda i: (i, 0)),
    pl.BlockSpec((RBLK, HALF), lambda i: (i, 0)),
    pl.BlockSpec((RBLK, HID), lambda i: (i, 0)),
    pl.BlockSpec((RBLK, HID), lambda i: (i, 0)),
    pl.BlockSpec((RBLK, 1), lambda i: (i, 0)),
    pl.BlockSpec((MAX_DEG + 1, HID, HID), lambda i: (0, 0, 0)),
    pl.BlockSpec((MAX_DEG + 1, 1, HID), lambda i: (0, 0, 0)),
    pl.BlockSpec((1, 1), lambda i: (0, 0)),
]


def _tc_mid(a0, a1, cur, xf, cnt, w, b, fw):
    return pl.pallas_call(
        _tc_mid_body,
        grid=(GRID,),
        in_specs=_ROW_SPECS,
        out_specs=pl.BlockSpec((RBLK, HID), lambda i: (i, 0)),
        out_shape=jax.ShapeDtypeStruct((N, HID), jnp.float32),
    )(a0, a1, cur, xf, cnt, w, b.reshape(MAX_DEG + 1, 1, HID),
      fw.reshape(1, 1))


def _tc_final(a0, a1, cur, xf, cnt, w, b, fw, wo, bo):
    return pl.pallas_call(
        _tc_final_body,
        grid=(GRID,),
        in_specs=_ROW_SPECS + [
            pl.BlockSpec((2, HID), lambda i: (0, 0)),
            pl.BlockSpec((1, 2), lambda i: (0, 0)),
        ],
        out_specs=pl.BlockSpec((RBLK, 2), lambda i: (i, 0)),
        out_shape=jax.ShapeDtypeStruct((N, 2), jnp.float32),
    )(a0, a1, cur, xf, cnt, w, b.reshape(MAX_DEG + 1, 1, HID),
      fw.reshape(1, 1), wo, bo.reshape(1, 2))




def kernel(x, edge_index, edge_weight, W_first, b_first, W_rel, b_rel,
           fuse_weight, W_out, b_out):
    src = edge_index[0].astype(jnp.int32)
    dst = edge_index[1].astype(jnp.int32)
    sel = jnp.where(src == dst, jnp.int32(N), dst)
    src_p = jnp.concatenate([src, jnp.zeros((EPAD - E,), jnp.int32)])
    sel_p = jnp.concatenate([sel, jnp.full((EPAD - E,), N, jnp.int32)])
    src3 = jnp.stack([src_p, src_p + N]).reshape(2, 16, NQ, ROWS, LANES)
    sel3 = sel_p.reshape(16, NQ, ROWS, LANES)

    zrow_f = jnp.zeros((ROWS_PER_TILE, HALF), jnp.float32)
    zrow_i = jnp.zeros((ROWS_PER_TILE, CW), jnp.int32)
    ones_h = jnp.ones((LANES, CW), jnp.int32)

    h = _tc_first(x, W_first, b_first)

    cnt = _sc_count(sel3, zrow_i, ones_h)
    cnt2 = (cnt[0, :N, 0] + cnt[1, :N, 0]).reshape(N, 1)

    table1 = jnp.concatenate([h[:, :HALF], h[:, HALF:]], axis=0)
    agg1 = _sc_segsum(src3, sel3, table1, zrow_f)

    cur1 = _tc_mid(agg1[0, :N], agg1[1, :N], h, h, cnt2,
                   W_rel[0], b_rel[0], fuse_weight[0])

    table2 = jnp.concatenate([cur1[:, :HALF], cur1[:, HALF:]], axis=0)
    agg2 = _sc_segsum(src3, sel3, table2, zrow_f)

    return _tc_final(agg2[0, :N], agg2[1, :N], cur1, h, cnt2,
                     W_rel[1], b_rel[1], fuse_weight[1], W_out, b_out)

# --- scband reference (transcript-rebuilt; emitter-appended) ---
"""Pipeline reference for scband-mf-73658689126810 (READ-ONLY COPY).

The authoritative reference and input builder live on the scoring server;
editing this copy changes nothing except your own understanding.
"""

import jax, jax.numpy as jnp
import numpy as np

N = 100000
E = 1600000
FEAT = 128
HID = 32
NUM_CLASS = 2
NUM_LAYERS = 2
MAX_DEG = 5


def setup_inputs(seed: int = 0) -> dict:
    key = jax.random.key(seed)
    ks = jax.random.split(key, 12)
    x = jax.random.normal(ks[0], (N, FEAT), dtype=jnp.float32)
    edge_index = jax.random.randint(ks[1], (2, E), 0, N, dtype=jnp.int32)
    edge_weight = jax.random.uniform(ks[2], (E,), dtype=jnp.float32)
    W_first = jax.random.normal(ks[3], (HID, FEAT), dtype=jnp.float32) / np.sqrt(FEAT)
    b_first = jnp.zeros((HID,), dtype=jnp.float32)
    W_rel = jax.random.normal(ks[4], (NUM_LAYERS, MAX_DEG + 1, HID, HID), dtype=jnp.float32) / np.sqrt(HID)
    b_rel = jnp.zeros((NUM_LAYERS, MAX_DEG + 1, HID), dtype=jnp.float32)
    fuse_weight = jnp.full((NUM_LAYERS,), 1.0 / (NUM_LAYERS + 1), dtype=jnp.float32)
    W_out = jax.random.normal(ks[5], (NUM_CLASS, HID), dtype=jnp.float32) / np.sqrt(HID)
    b_out = jnp.zeros((NUM_CLASS,), dtype=jnp.float32)
    return {
        "x": x,
        "edge_index": edge_index,
        "edge_weight": edge_weight,
        "W_first": W_first,
        "b_first": b_first,
        "W_rel": W_rel,
        "b_rel": b_rel,
        "fuse_weight": fuse_weight,
        "W_out": W_out,
        "b_out": b_out,
    }


def _mfconv(x, src, dst, W, b):
    # remove self loops (mask them out), degree of dst nodes
    mask = (src != dst)
    deg = jax.ops.segment_sum(mask.astype(jnp.int32), dst, num_segments=N)
    deg = jnp.minimum(deg, MAX_DEG)
    # root_weight=False -> add self loops: sum_{j->i} x_j + x_i
    contrib = x[src] * mask[:, None].astype(x.dtype)
    h = jax.ops.segment_sum(contrib, dst, num_segments=N) + x
    # per-degree linear: outs[k] = h @ W_k^T + b_k, then select by node degree
    outs = jnp.einsum('nd,kod->kno', h, W) + b[:, None, :]
    return outs[deg, jnp.arange(N), :]


def reference(x, edge_index, edge_weight, W_first, b_first, W_rel, b_rel, fuse_weight, W_out, b_out):
    src = edge_index[0]
    dst = edge_index[1]
    h = jax.nn.relu(x @ W_first.T + b_first)
    # dropout is identity in eval mode
    x_first = h
    cur = h
    for l in range(NUM_LAYERS):
        cur = _mfconv(cur, src, dst, W_rel[l], b_rel[l])
        cur = cur + fuse_weight[l] * x_first
    logits = cur @ W_out.T + b_out
    return jax.nn.log_softmax(logits, axis=-1)

if __name__ == "__main__":
    import jax
    _d = setup_inputs()
    print(jax.jit(kernel)(*tuple(_d.values())))

</pallas_src>

<mosaic_0001>
#map = affine_map<(d0, d1) -> (0, 0, 0, 0, 0)>
#map1 = affine_map<(d0, d1) -> (0, 0, 0, 0)>
#map2 = affine_map<(d0, d1) -> (0, 0)>
#map3 = affine_map<(d0, d1) -> (0, 0, 0)>
module attributes {stable_mosaic.version = 14 : i64} {
  func.func @_sc_seg_body(%arg0: i32, %arg1: i32, %arg2: memref<2x16x98x8x128xi32, #tpu.memory_space<hbm>>, %arg3: memref<16x98x8x128xi32, #tpu.memory_space<hbm>>, %arg4: memref<200000x16xf32, #tpu.memory_space<hbm>>, %arg5: memref<6256x16xf32, #tpu.memory_space<hbm>>, %arg6: memref<2x100096x16xf32, #tpu.memory_space<hbm>>, %arg7: memref<8x128xi32, #tpu.memory_space<vmem>>, %arg8: memref<8x128xi32, #tpu.memory_space<vmem>>, %arg9: memref<1024x16xf32, #tpu.memory_space<vmem>>, %arg10: memref<100096x16xf32, #tpu.memory_space<vmem_shared>>, %arg11: memref<!tpu.dma_semaphore, #tpu.memory_space<semaphore_mem>>) attributes {dimension_semantics = [#tpu.dimension_semantics<core_parallel>, #tpu.dimension_semantics<subcore_parallel>], iteration_bounds = array<i64: 2, 16>, scalar_prefetch = 0 : i64, scratch_operands = 5 : i64, tpu.core_type = #tpu.core_type<sc_vector_subcore>, window_params = [{transform_indices = #map}, {transform_indices = #map1}, {transform_indices = #map2}, {transform_indices = #map2}, {transform_indices = #map3}]} {
    %mul3A = arith.constant 6256 : i32
    %mul3A_0 = arith.muli %arg1, %mul3A : i32
    "tpu.region"() ({
      %run_scoped3A = tpu.sem_alloc : memref<!tpu.dma_semaphore, #tpu.memory_space<semaphore_mem>>
      %dma_start3A = arith.constant 0 : i32
      %dma_start3A_7 = tpu.memref_slice %arg10[%mul3A_0, %dma_start3A] : memref<100096x16xf32, #tpu.memory_space<vmem_shared>> -> memref<6256x16xf32, #tpu.memory_space<vmem_shared>>
      tpu.enqueue_dma source(%arg5 : memref<6256x16xf32, #tpu.memory_space<hbm>>) target(%dma_start3A_7 : memref<6256x16xf32, #tpu.memory_space<vmem_shared>>) target_semaphore(%run_scoped3A : memref<!tpu.dma_semaphore, #tpu.memory_space<semaphore_mem>>)
      %dma_wait3A = arith.constant 0 : i32
      %dma_wait3A_8 = tpu.memref_slice %arg10[%mul3A_0, %dma_wait3A] : memref<100096x16xf32, #tpu.memory_space<vmem_shared>> -> memref<6256x16xf32, #tpu.memory_space<vmem_shared>>
      tpu.wait_dma2 semaphore(%run_scoped3A : memref<!tpu.dma_semaphore, #tpu.memory_space<semaphore_mem>>) src(%arg5 : memref<6256x16xf32, #tpu.memory_space<hbm>>) dst(%dma_wait3A_8 : memref<6256x16xf32, #tpu.memory_space<vmem_shared>>)
      tpu.yield
    }) : () -> ()
    %barrier3A = arith.constant 0 : index
    tpu.barrier barrier_id(%barrier3A)
    %scan3A = arith.constant 0 : i32
    %scan3A_1 = arith.constant 0 : i32
    %scan3A_2 = arith.constant 98 : i32
    %scan3A_3 = arith.addi %scan3A_1, %scan3A_2 : i32
    %scan3A_4 = arith.constant 1 : i32
    scf.for %scan3A_7 = %scan3A_1 to %scan3A_3 step %scan3A_4  : i32 {
      "tpu.region"() ({
        %run_scoped3A_173 = tpu.sem_alloc : memref<!tpu.dma_semaphore, #tpu.memory_space<semaphore_mem>>
        %dma_start3A_174 = arith.constant 0 : i32
        %dma_start3A_175 = arith.constant 0 : i32
        %dma_start3A_176 = tpu.memref_slice %arg2[%arg0, %arg1, %scan3A_7, %dma_start3A_174, %dma_start3A_175] : memref<2x16x98x8x128xi32, #tpu.memory_space<hbm>> -> memref<1x1x1x8x128xi32, #tpu.memory_space<hbm>>
        %dma_start3A_177 = tpu.memref_squeeze %dma_start3A_176 : memref<1x1x1x8x128xi32, #tpu.memory_space<hbm>> -> memref<8x128xi32, #tpu.memory_space<hbm>>
        %dma_start3A_178 = arith.constant 0 : i32
        %dma_start3A_179 = arith.constant 0 : i32
        %dma_start3A_180 = tpu.memref_slice %arg2[%arg0, %arg1, %scan3A_7, %dma_start3A_178, %dma_start3A_179] : memref<2x16x98x8x128xi32, #tpu.memory_space<hbm>> -> memref<1x1x1x8x128xi32, #tpu.memory_space<hbm>>
        %dma_start3A_181 = tpu.memref_squeeze %dma_start3A_180 : memref<1x1x1x8x128xi32, #tpu.memory_space<hbm>> -> memref<8x128xi32, #tpu.memory_space<hbm>>
        tpu.enqueue_dma source(%dma_start3A_181 : memref<8x128xi32, #tpu.memory_space<hbm>>) target(%arg7 : memref<8x128xi32, #tpu.memory_space<vmem>>) target_semaphore(%run_scoped3A_173 : memref<!tpu.dma_semaphore, #tpu.memory_space<semaphore_mem>>)
        %dma_wait3A_182 = arith.constant 0 : i32
        %dma_wait3A_183 = arith.constant 0 : i32
        %dma_wait3A_184 = tpu.memref_slice %arg2[%arg0, %arg1, %scan3A_7, %dma_wait3A_182, %dma_wait3A_183] : memref<2x16x98x8x128xi32, #tpu.memory_space<hbm>> -> memref<1x1x1x8x128xi32, #tpu.memory_space<hbm>>
        %dma_wait3A_185 = tpu.memref_squeeze %dma_wait3A_184 : memref<1x1x1x8x128xi32, #tpu.memory_space<hbm>> -> memref<8x128xi32, #tpu.memory_space<hbm>>
        %dma_wait3A_186 = arith.constant 0 : i32
        %dma_wait3A_187 = arith.constant 0 : i32
        %dma_wait3A_188 = tpu.memref_slice %arg2[%arg0, %arg1, %scan3A_7, %dma_wait3A_186, %dma_wait3A_187] : memref<2x16x98x8x128xi32, #tpu.memory_space<hbm>> -> memref<1x1x1x8x128xi32, #tpu.memory_space<hbm>>
        %dma_wait3A_189 = tpu.memref_squeeze %dma_wait3A_188 : memref<1x1x1x8x128xi32, #tpu.memory_space<hbm>> -> memref<8x128xi32, #tpu.memory_space<hbm>>
        tpu.wait_dma2 semaphore(%run_scoped3A_173 : memref<!tpu.dma_semaphore, #tpu.memory_space<semaphore_mem>>) src(%dma_wait3A_189 : memref<8x128xi32, #tpu.memory_space<hbm>>) dst(%arg7 : memref<8x128xi32, #tpu.memory_space<vmem>>)
        tpu.yield
      }) : () -> ()
      "tpu.region"() ({
        %run_scoped3A_173 = tpu.sem_alloc : memref<!tpu.dma_semaphore, #tpu.memory_space<semaphore_mem>>
        %dma_start3A_174 = arith.constant 0 : i32
        %dma_start3A_175 = arith.constant 0 : i32
        %dma_start3A_176 = tpu.memref_slice %arg3[%arg1, %scan3A_7, %dma_start3A_174, %dma_start3A_175] : memref<16x98x8x128xi32, #tpu.memory_space<hbm>> -> memref<1x1x8x128xi32, #tpu.memory_space<hbm>>
        %dma_start3A_177 = tpu.memref_squeeze %dma_start3A_176 : memref<1x1x8x128xi32, #tpu.memory_space<hbm>> -> memref<8x128xi32, #tpu.memory_space<hbm>>
        %dma_start3A_178 = arith.constant 0 : i32
        %dma_start3A_179 = arith.constant 0 : i32
        %dma_start3A_180 = tpu.memref_slice %arg3[%arg1, %scan3A_7, %dma_start3A_178, %dma_start3A_179] : memref<16x98x8x128xi32, #tpu.memory_space<hbm>> -> memref<1x1x8x128xi32, #tpu.memory_space<hbm>>
        %dma_start3A_181 = tpu.memref_squeeze %dma_start3A_180 : memref<1x1x8x128xi32, #tpu.memory_space<hbm>> -> memref<8x128xi32, #tpu.memory_space<hbm>>
        tpu.enqueue_dma source(%dma_start3A_181 : memref<8x128xi32, #tpu.memory_space<hbm>>) target(%arg8 : memref<8x128xi32, #tpu.memory_space<vmem>>) target_semaphore(%run_scoped3A_173 : memref<!tpu.dma_semaphore, #tpu.memory_space<semaphore_mem>>)
        %dma_wait3A_182 = arith.constant 0 : i32
        %dma_wait3A_183 = arith.constant 0 : i32
        %dma_wait3A_184 = tpu.memref_slice %arg3[%arg1, %scan3A_7, %dma_wait3A_182, %dma_wait3A_183] : memref<16x98x8x128xi32, #tpu.memory_space<hbm>> -> memref<1x1x8x128xi32, #tpu.memory_space<hbm>>
        %dma_wait3A_185 = tpu.memref_squeeze %dma_wait3A_184 : memref<1x1x8x128xi32, #tpu.memory_space<hbm>> -> memref<8x128xi32, #tpu.memory_space<hbm>>
        %dma_wait3A_186 = arith.constant 0 : i32
        %dma_wait3A_187 = arith.constant 0 : i32
        %dma_wait3A_188 = tpu.memref_slice %arg3[%arg1, %scan3A_7, %dma_wait3A_186, %dma_wait3A_187] : memref<16x98x8x128xi32, #tpu.memory_space<hbm>> -> memref<1x1x8x128xi32, #tpu.memory_space<hbm>>
        %dma_wait3A_189 = tpu.memref_squeeze %dma_wait3A_188 : memref<1x1x8x128xi32, #tpu.memory_space<hbm>> -> memref<8x128xi32, #tpu.memory_space<hbm>>
        tpu.wait_dma2 semaphore(%run_scoped3A_173 : memref<!tpu.dma_semaphore, #tpu.memory_space<semaphore_mem>>) src(%dma_wait3A_189 : memref<8x128xi32, #tpu.memory_space<hbm>>) dst(%arg8 : memref<8x128xi32, #tpu.memory_space<vmem>>)
        tpu.yield
      }) : () -> ()
      %dma_start3A = arith.constant 0 : i32
      %dma_start3A_8 = arith.constant 0 : i32
      %dma_start3A_9 = arith.constant 0 : i32
      %dma_start3A_10 = tpu.memref_slice %arg9[%dma_start3A_8, %dma_start3A_9] : memref<1024x16xf32, #tpu.memory_space<vmem>> -> memref<128x16xf32, #tpu.memory_space<vmem>>
      %dma_start3A_11 = arith.constant 0 : i32
      %dma_start3A_12 = tpu.memref_slice %arg7[%dma_start3A, %dma_start3A_11] : memref<8x128xi32, #tpu.memory_space<vmem>> -> memref<1x128xi32, #tpu.memory_space<vmem>>
      %dma_start3A_13 = tpu.memref_squeeze %dma_start3A_12 : memref<1x128xi32, #tpu.memory_space<vmem>> -> memref<128xi32, #tpu.memory_space<vmem>>
      %dma_start3A_14 = arith.constant 0 : i32
      %dma_start3A_15 = arith.constant 0 : i32
      %dma_start3A_16 = tpu.memref_slice %arg4[%dma_start3A_14, %dma_start3A_15] : memref<200000x16xf32, #tpu.memory_space<hbm>> -> memref<200000x16xf32, #tpu.memory_space<hbm>>
      tpu.enqueue_indirect_dma source(%dma_start3A_16 : memref<200000x16xf32, #tpu.memory_space<hbm>>) target(%dma_start3A_10 : memref<128x16xf32, #tpu.memory_space<vmem>>) offsets(%dma_start3A_13 : memref<128xi32, #tpu.memory_space<vmem>>) semaphore(%arg11 : memref<!tpu.dma_semaphore, #tpu.memory_space<semaphore_mem>>)
      %dma_start3A_17 = arith.constant 1 : i32
      %dma_start3A_18 = arith.constant 128 : i32
      %dma_start3A_19 = arith.constant 0 : i32
      %dma_start3A_20 = tpu.memref_slice %arg9[%dma_start3A_18, %dma_start3A_19] : memref<1024x16xf32, #tpu.memory_space<vmem>> -> memref<128x16xf32, #tpu.memory_space<vmem>>
      %dma_start3A_21 = arith.constant 0 : i32
      %dma_start3A_22 = tpu.memref_slice %arg7[%dma_start3A_17, %dma_start3A_21] : memref<8x128xi32, #tpu.memory_space<vmem>> -> memref<1x128xi32, #tpu.memory_space<vmem>>
      %dma_start3A_23 = tpu.memref_squeeze %dma_start3A_22 : memref<1x128xi32, #tpu.memory_space<vmem>> -> memref<128xi32, #tpu.memory_space<vmem>>
      %dma_start3A_24 = arith.constant 0 : i32
      %dma_start3A_25 = arith.constant 0 : i32
      %dma_start3A_26 = tpu.memref_slice %arg4[%dma_start3A_24, %dma_start3A_25] : memref<200000x16xf32, #tpu.memory_space<hbm>> -> memref<200000x16xf32, #tpu.memory_space<hbm>>
      tpu.enqueue_indirect_dma source(%dma_start3A_26 : memref<200000x16xf32, #tpu.memory_space<hbm>>) target(%dma_start3A_20 : memref<128x16xf32, #tpu.memory_space<vmem>>) offsets(%dma_start3A_23 : memref<128xi32, #tpu.memory_space<vmem>>) semaphore(%arg11 : memref<!tpu.dma_semaphore, #tpu.memory_space<semaphore_mem>>)
      %dma_start3A_27 = arith.constant 2 : i32
      %dma_start3A_28 = arith.constant 256 : i32
      %dma_start3A_29 = arith.constant 0 : i32
      %dma_start3A_30 = tpu.memref_slice %arg9[%dma_start3A_28, %dma_start3A_29] : memref<1024x16xf32, #tpu.memory_space<vmem>> -> memref<128x16xf32, #tpu.memory_space<vmem>>
      %dma_start3A_31 = arith.constant 0 : i32
      %dma_start3A_32 = tpu.memref_slice %arg7[%dma_start3A_27, %dma_start3A_31] : memref<8x128xi32, #tpu.memory_space<vmem>> -> memref<1x128xi32, #tpu.memory_space<vmem>>
      %dma_start3A_33 = tpu.memref_squeeze %dma_start3A_32 : memref<1x128xi32, #tpu.memory_space<vmem>> -> memref<128xi32, #tpu.memory_space<vmem>>
      %dma_start3A_34 = arith.constant 0 : i32
      %dma_start3A_35 = arith.constant 0 : i32
      %dma_start3A_36 = tpu.memref_slice %arg4[%dma_start3A_34, %dma_start3A_35] : memref<200000x16xf32, #tpu.memory_space<hbm>> -> memref<200000x16xf32, #tpu.memory_space<hbm>>
      tpu.enqueue_indirect_dma source(%dma_start3A_36 : memref<200000x16xf32, #tpu.memory_space<hbm>>) target(%dma_start3A_30 : memref<128x16xf32, #tpu.memory_space<vmem>>) offsets(%dma_start3A_33 : memref<128xi32, #tpu.memory_space<vmem>>) semaphore(%arg11 : memref<!tpu.dma_semaphore, #tpu.memory_space<semaphore_mem>>)
      %dma_start3A_37 = arith.constant 3 : i32
      %dma_start3A_38 = arith.constant 384 : i32
      %dma_start3A_39 = arith.constant 0 : i32
      %dma_start3A_40 = tpu.memref_slice %arg9[%dma_start3A_38, %dma_start3A_39] : memref<1024x16xf32, #tpu.memory_space<vmem>> -> memref<128x16xf32, #tpu.memory_space<vmem>>
      %dma_start3A_41 = arith.constant 0 : i32
      %dma_start3A_42 = tpu.memref_slice %arg7[%dma_start3A_37, %dma_start3A_41] : memref<8x128xi32, #tpu.memory_space<vmem>> -> memref<1x128xi32, #tpu.memory_space<vmem>>
      %dma_start3A_43 = tpu.memref_squeeze %dma_start3A_42 : memref<1x128xi32, #tpu.memory_space<vmem>> -> memref<128xi32, #tpu.memory_space<vmem>>
      %dma_start3A_44 = arith.constant 0 : i32
      %dma_start3A_45 = arith.constant 0 : i32
      %dma_start3A_46 = tpu.memref_slice %arg4[%dma_start3A_44, %dma_start3A_45] : memref<200000x16xf32, #tpu.memory_space<hbm>> -> memref<200000x16xf32, #tpu.memory_space<hbm>>
      tpu.enqueue_indirect_dma source(%dma_start3A_46 : memref<200000x16xf32, #tpu.memory_space<hbm>>) target(%dma_start3A_40 : memref<128x16xf32, #tpu.memory_space<vmem>>) offsets(%dma_start3A_43 : memref<128xi32, #tpu.memory_space<vmem>>) semaphore(%arg11 : memref<!tpu.dma_semaphore, #tpu.memory_space<semaphore_mem>>)
      %dma_start3A_47 = arith.constant 4 : i32
      %dma_start3A_48 = arith.constant 512 : i32
      %dma_start3A_49 = arith.constant 0 : i32
      %dma_start3A_50 = tpu.memref_slice %arg9[%dma_start3A_48, %dma_start3A_49] : memref<1024x16xf32, #tpu.memory_space<vmem>> -> memref<128x16xf32, #tpu.memory_space<vmem>>
      %dma_start3A_51 = arith.constant 0 : i32
      %dma_start3A_52 = tpu.memref_slice %arg7[%dma_start3A_47, %dma_start3A_51] : memref<8x128xi32, #tpu.memory_space<vmem>> -> memref<1x128xi32, #tpu.memory_space<vmem>>
      %dma_start3A_53 = tpu.memref_squeeze %dma_start3A_52 : memref<1x128xi32, #tpu.memory_space<vmem>> -> memref<128xi32, #tpu.memory_space<vmem>>
      %dma_start3A_54 = arith.constant 0 : i32
      %dma_start3A_55 = arith.constant 0 : i32
      %dma_start3A_56 = tpu.memref_slice %arg4[%dma_start3A_54, %dma_start3A_55] : memref<200000x16xf32, #tpu.memory_space<hbm>> -> memref<200000x16xf32, #tpu.memory_space<hbm>>
      tpu.enqueue_indirect_dma source(%dma_start3A_56 : memref<200000x16xf32, #tpu.memory_space<hbm>>) target(%dma_start3A_50 : memref<128x16xf32, #tpu.memory_space<vmem>>) offsets(%dma_start3A_53 : memref<128xi32, #tpu.memory_space<vmem>>) semaphore(%arg11 : memref<!tpu.dma_semaphore, #tpu.memory_space<semaphore_mem>>)
      %dma_start3A_57 = arith.constant 5 : i32
      %dma_start3A_58 = arith.constant 640 : i32
      %dma_start3A_59 = arith.constant 0 : i32
      %dma_start3A_60 = tpu.memref_slice %arg9[%dma_start3A_58, %dma_start3A_59] : memref<1024x16xf32, #tpu.memory_space<vmem>> -> memref<128x16xf32, #tpu.memory_space<vmem>>
      %dma_start3A_61 = arith.constant 0 : i32
      %dma_start3A_62 = tpu.memref_slice %arg7[%dma_start3A_57, %dma_start3A_61] : memref<8x128xi32, #tpu.memory_space<vmem>> -> memref<1x128xi32, #tpu.memory_space<vmem>>
      %dma_start3A_63 = tpu.memref_squeeze %dma_start3A_62 : memref<1x128xi32, #tpu.memory_space<vmem>> -> memref<128xi32, #tpu.memory_space<vmem>>
      %dma_start3A_64 = arith.constant 0 : i32
      %dma_start3A_65 = arith.constant 0 : i32
      %dma_start3A_66 = tpu.memref_slice %arg4[%dma_start3A_64, %dma_start3A_65] : memref<200000x16xf32, #tpu.memory_space<hbm>> -> memref<200000x16xf32, #tpu.memory_space<hbm>>
      tpu.enqueue_indirect_dma source(%dma_start3A_66 : memref<200000x16xf32, #tpu.memory_space<hbm>>) target(%dma_start3A_60 : memref<128x16xf32, #tpu.memory_space<vmem>>) offsets(%dma_start3A_63 : memref<128xi32, #tpu.memory_space<vmem>>) semaphore(%arg11 : memref<!tpu.dma_semaphore, #tpu.memory_space<semaphore_mem>>)
      %dma_start3A_67 = arith.constant 6 : i32
      %dma_start3A_68 = arith.constant 768 : i32
      %dma_start3A_69 = arith.constant 0 : i32
      %dma_start3A_70 = tpu.memref_slice %arg9[%dma_start3A_68, %dma_start3A_69] : memref<1024x16xf32, #tpu.memory_space<vmem>> -> memref<128x16xf32, #tpu.memory_space<vmem>>
      %dma_start3A_71 = arith.constant 0 : i32
      %dma_start3A_72 = tpu.memref_slice %arg7[%dma_start3A_67, %dma_start3A_71] : memref<8x128xi32, #tpu.memory_space<vmem>> -> memref<1x128xi32, #tpu.memory_space<vmem>>
      %dma_start3A_73 = tpu.memref_squeeze %dma_start3A_72 : memref<1x128xi32, #tpu.memory_space<vmem>> -> memref<128xi32, #tpu.memory_space<vmem>>
      %dma_start3A_74 = arith.constant 0 : i32
      %dma_start3A_75 = arith.constant 0 : i32
      %dma_start3A_76 = tpu.memref_slice %arg4[%dma_start3A_74, %dma_start3A_75] : memref<200000x16xf32, #tpu.memory_space<hbm>> -> memref<200000x16xf32, #tpu.memory_space<hbm>>
      tpu.enqueue_indirect_dma source(%dma_start3A_76 : memref<200000x16xf32, #tpu.memory_space<hbm>>) target(%dma_start3A_70 : memref<128x16xf32, #tpu.memory_space<vmem>>) offsets(%dma_start3A_73 : memref<128xi32, #tpu.memory_space<vmem>>) semaphore(%arg11 : memref<!tpu.dma_semaphore, #tpu.memory_space<semaphore_mem>>)
      %dma_start3A_77 = arith.constant 7 : i32
      %dma_start3A_78 = arith.constant 896 : i32
      %dma_start3A_79 = arith.constant 0 : i32
      %dma_start3A_80 = tpu.memref_slice %arg9[%dma_start3A_78, %dma_start3A_79] : memref<1024x16xf32, #tpu.memory_space<vmem>> -> memref<128x16xf32, #tpu.memory_space<vmem>>
      %dma_start3A_81 = arith.constant 0 : i32
      %dma_start3A_82 = tpu.memref_slice %arg7[%dma_start3A_77, %dma_start3A_81] : memref<8x128xi32, #tpu.memory_space<vmem>> -> memref<1x128xi32, #tpu.memory_space<vmem>>
      %dma_start3A_83 = tpu.memref_squeeze %dma_start3A_82 : memref<1x128xi32, #tpu.memory_space<vmem>> -> memref<128xi32, #tpu.memory_space<vmem>>
      %dma_start3A_84 = arith.constant 0 : i32
      %dma_start3A_85 = arith.constant 0 : i32
      %dma_start3A_86 = tpu.memref_slice %arg4[%dma_start3A_84, %dma_start3A_85] : memref<200000x16xf32, #tpu.memory_space<hbm>> -> memref<200000x16xf32, #tpu.memory_space<hbm>>
      tpu.enqueue_indirect_dma source(%dma_start3A_86 : memref<200000x16xf32, #tpu.memory_space<hbm>>) target(%dma_start3A_80 : memref<128x16xf32, #tpu.memory_space<vmem>>) offsets(%dma_start3A_83 : memref<128xi32, #tpu.memory_space<vmem>>) semaphore(%arg11 : memref<!tpu.dma_semaphore, #tpu.memory_space<semaphore_mem>>)
      %dma_wait3A = arith.constant 0 : i32
      %dma_wait3A_87 = arith.constant 0 : i32
      %dma_wait3A_88 = arith.constant 0 : i32
      %dma_wait3A_89 = tpu.memref_slice %arg9[%dma_wait3A_87, %dma_wait3A_88] : memref<1024x16xf32, #tpu.memory_space<vmem>> -> memref<128x16xf32, #tpu.memory_space<vmem>>
      %dma_wait3A_90 = arith.constant 0 : i32
      %dma_wait3A_91 = tpu.memref_slice %arg7[%dma_wait3A, %dma_wait3A_90] : memref<8x128xi32, #tpu.memory_space<vmem>> -> memref<1x128xi32, #tpu.memory_space<vmem>>
      %dma_wait3A_92 = tpu.memref_squeeze %dma_wait3A_91 : memref<1x128xi32, #tpu.memory_space<vmem>> -> memref<128xi32, #tpu.memory_space<vmem>>
      %dma_wait3A_93 = arith.constant 0 : i32
      %dma_wait3A_94 = arith.constant 0 : i32
      %dma_wait3A_95 = tpu.memref_slice %arg4[%dma_wait3A_93, %dma_wait3A_94] : memref<200000x16xf32, #tpu.memory_space<hbm>> -> memref<200000x16xf32, #tpu.memory_space<hbm>>
      tpu.wait_indirect_dma semaphore(%arg11 : memref<!tpu.dma_semaphore, #tpu.memory_space<semaphore_mem>>) src(%dma_wait3A_95 : memref<200000x16xf32, #tpu.memory_space<hbm>>) dst(%dma_wait3A_89 : memref<128x16xf32, #tpu.memory_space<vmem>>)
      %dma_wait3A_96 = arith.constant 1 : i32
      %dma_wait3A_97 = arith.constant 128 : i32
      %dma_wait3A_98 = arith.constant 0 : i32
      %dma_wait3A_99 = tpu.memref_slice %arg9[%dma_wait3A_97, %dma_wait3A_98] : memref<1024x16xf32, #tpu.memory_space<vmem>> -> memref<128x16xf32, #tpu.memory_space<vmem>>
      %dma_wait3A_100 = arith.constant 0 : i32
      %dma_wait3A_101 = tpu.memref_slice %arg7[%dma_wait3A_96, %dma_wait3A_100] : memref<8x128xi32, #tpu.memory_space<vmem>> -> memref<1x128xi32, #tpu.memory_space<vmem>>
      %dma_wait3A_102 = tpu.memref_squeeze %dma_wait3A_101 : memref<1x128xi32, #tpu.memory_space<vmem>> -> memref<128xi32, #tpu.memory_space<vmem>>
      %dma_wait3A_103 = arith.constant 0 : i32
      %dma_wait3A_104 = arith.constant 0 : i32
      %dma_wait3A_105 = tpu.memref_slice %arg4[%dma_wait3A_103, %dma_wait3A_104] : memref<200000x16xf32, #tpu.memory_space<hbm>> -> memref<200000x16xf32, #tpu.memory_space<hbm>>
      tpu.wait_indirect_dma semaphore(%arg11 : memref<!tpu.dma_semaphore, #tpu.memory_space<semaphore_mem>>) src(%dma_wait3A_105 : memref<200000x16xf32, #tpu.memory_space<hbm>>) dst(%dma_wait3A_99 : memref<128x16xf32, #tpu.memory_space<vmem>>)
      %dma_wait3A_106 = arith.constant 2 : i32
      %dma_wait3A_107 = arith.constant 256 : i32
      %dma_wait3A_108 = arith.constant 0 : i32
      %dma_wait3A_109 = tpu.memref_slice %arg9[%dma_wait3A_107, %dma_wait3A_108] : memref<1024x16xf32, #tpu.memory_space<vmem>> -> memref<128x16xf32, #tpu.memory_space<vmem>>
      %dma_wait3A_110 = arith.constant 0 : i32
      %dma_wait3A_111 = tpu.memref_slice %arg7[%dma_wait3A_106, %dma_wait3A_110] : memref<8x128xi32, #tpu.memory_space<vmem>> -> memref<1x128xi32, #tpu.memory_space<vmem>>
      %dma_wait3A_112 = tpu.memref_squeeze %dma_wait3A_111 : memref<1x128xi32, #tpu.memory_space<vmem>> -> memref<128xi32, #tpu.memory_space<vmem>>
      %dma_wait3A_113 = arith.constant 0 : i32
      %dma_wait3A_114 = arith.constant 0 : i32
      %dma_wait3A_115 = tpu.memref_slice %arg4[%dma_wait3A_113, %dma_wait3A_114] : memref<200000x16xf32, #tpu.memory_space<hbm>> -> memref<200000x16xf32, #tpu.memory_space<hbm>>
      tpu.wait_indirect_dma semaphore(%arg11 : memref<!tpu.dma_semaphore, #tpu.memory_space<semaphore_mem>>) src(%dma_wait3A_115 : memref<200000x16xf32, #tpu.memory_space<hbm>>) dst(%dma_wait3A_109 : memref<128x16xf32, #tpu.memory_space<vmem>>)
      %dma_wait3A_116 = arith.constant 3 : i32
      %dma_wait3A_117 = arith.constant 384 : i32
      %dma_wait3A_118 = arith.constant 0 : i32
      %dma_wait3A_119 = tpu.memref_slice %arg9[%dma_wait3A_117, %dma_wait3A_118] : memref<1024x16xf32, #tpu.memory_space<vmem>> -> memref<128x16xf32, #tpu.memory_space<vmem>>
      %dma_wait3A_120 = arith.constant 0 : i32
      %dma_wait3A_121 = tpu.memref_slice %arg7[%dma_wait3A_116, %dma_wait3A_120] : memref<8x128xi32, #tpu.memory_space<vmem>> -> memref<1x128xi32, #tpu.memory_space<vmem>>
      %dma_wait3A_122 = tpu.memref_squeeze %dma_wait3A_121 : memref<1x128xi32, #tpu.memory_space<vmem>> -> memref<128xi32, #tpu.memory_space<vmem>>
      %dma_wait3A_123 = arith.constant 0 : i32
      %dma_wait3A_124 = arith.constant 0 : i32
      %dma_wait3A_125 = tpu.memref_slice %arg4[%dma_wait3A_123, %dma_wait3A_124] : memref<200000x16xf32, #tpu.memory_space<hbm>> -> memref<200000x16xf32, #tpu.memory_space<hbm>>
      tpu.wait_indirect_dma semaphore(%arg11 : memref<!tpu.dma_semaphore, #tpu.memory_space<semaphore_mem>>) src(%dma_wait3A_125 : memref<200000x16xf32, #tpu.memory_space<hbm>>) dst(%dma_wait3A_119 : memref<128x16xf32, #tpu.memory_space<vmem>>)
      %dma_wait3A_126 = arith.constant 4 : i32
      %dma_wait3A_127 = arith.constant 512 : i32
      %dma_wait3A_128 = arith.constant 0 : i32
      %dma_wait3A_129 = tpu.memref_slice %arg9[%dma_wait3A_127, %dma_wait3A_128] : memref<1024x16xf32, #tpu.memory_space<vmem>> -> memref<128x16xf32, #tpu.memory_space<vmem>>
      %dma_wait3A_130 = arith.constant 0 : i32
      %dma_wait3A_131 = tpu.memref_slice %arg7[%dma_wait3A_126, %dma_wait3A_130] : memref<8x128xi32, #tpu.memory_space<vmem>> -> memref<1x128xi32, #tpu.memory_space<vmem>>
      %dma_wait3A_132 = tpu.memref_squeeze %dma_wait3A_131 : memref<1x128xi32, #tpu.memory_space<vmem>> -> memref<128xi32, #tpu.memory_space<vmem>>
      %dma_wait3A_133 = arith.constant 0 : i32
      %dma_wait3A_134 = arith.constant 0 : i32
      %dma_wait3A_135 = tpu.memref_slice %arg4[%dma_wait3A_133, %dma_wait3A_134] : memref<200000x16xf32, #tpu.memory_space<hbm>> -> memref<200000x16xf32, #tpu.memory_space<hbm>>
      tpu.wait_indirect_dma semaphore(%arg11 : memref<!tpu.dma_semaphore, #tpu.memory_space<semaphore_mem>>) src(%dma_wait3A_135 : memref<200000x16xf32, #tpu.memory_space<hbm>>) dst(%dma_wait3A_129 : memref<128x16xf32, #tpu.memory_space<vmem>>)
      %dma_wait3A_136 = arith.constant 5 : i32
      %dma_wait3A_137 = arith.constant 640 : i32
      %dma_wait3A_138 = arith.constant 0 : i32
      %dma_wait3A_139 = tpu.memref_slice %arg9[%dma_wait3A_137, %dma_wait3A_138] : memref<1024x16xf32, #tpu.memory_space<vmem>> -> memref<128x16xf32, #tpu.memory_space<vmem>>
      %dma_wait3A_140 = arith.constant 0 : i32
      %dma_wait3A_141 = tpu.memref_slice %arg7[%dma_wait3A_136, %dma_wait3A_140] : memref<8x128xi32, #tpu.memory_space<vmem>> -> memref<1x128xi32, #tpu.memory_space<vmem>>
      %dma_wait3A_142 = tpu.memref_squeeze %dma_wait3A_141 : memref<1x128xi32, #tpu.memory_space<vmem>> -> memref<128xi32, #tpu.memory_space<vmem>>
      %dma_wait3A_143 = arith.constant 0 : i32
      %dma_wait3A_144 = arith.constant 0 : i32
      %dma_wait3A_145 = tpu.memref_slice %arg4[%dma_wait3A_143, %dma_wait3A_144] : memref<200000x16xf32, #tpu.memory_space<hbm>> -> memref<200000x16xf32, #tpu.memory_space<hbm>>
      tpu.wait_indirect_dma semaphore(%arg11 : memref<!tpu.dma_semaphore, #tpu.memory_space<semaphore_mem>>) src(%dma_wait3A_145 : memref<200000x16xf32, #tpu.memory_space<hbm>>) dst(%dma_wait3A_139 : memref<128x16xf32, #tpu.memory_space<vmem>>)
      %dma_wait3A_146 = arith.constant 6 : i32
      %dma_wait3A_147 = arith.constant 768 : i32
      %dma_wait3A_148 = arith.constant 0 : i32
      %dma_wait3A_149 = tpu.memref_slice %arg9[%dma_wait3A_147, %dma_wait3A_148] : memref<1024x16xf32, #tpu.memory_space<vmem>> -> memref<128x16xf32, #tpu.memory_space<vmem>>
      %dma_wait3A_150 = arith.constant 0 : i32
      %dma_wait3A_151 = tpu.memref_slice %arg7[%dma_wait3A_146, %dma_wait3A_150] : memref<8x128xi32, #tpu.memory_space<vmem>> -> memref<1x128xi32, #tpu.memory_space<vmem>>
      %dma_wait3A_152 = tpu.memref_squeeze %dma_wait3A_151 : memref<1x128xi32, #tpu.memory_space<vmem>> -> memref<128xi32, #tpu.memory_space<vmem>>
      %dma_wait3A_153 = arith.constant 0 : i32
      %dma_wait3A_154 = arith.constant 0 : i32
      %dma_wait3A_155 = tpu.memref_slice %arg4[%dma_wait3A_153, %dma_wait3A_154] : memref<200000x16xf32, #tpu.memory_space<hbm>> -> memref<200000x16xf32, #tpu.memory_space<hbm>>
      tpu.wait_indirect_dma semaphore(%arg11 : memref<!tpu.dma_semaphore, #tpu.memory_space<semaphore_mem>>) src(%dma_wait3A_155 : memref<200000x16xf32, #tpu.memory_space<hbm>>) dst(%dma_wait3A_149 : memref<128x16xf32, #tpu.memory_space<vmem>>)
      %dma_wait3A_156 = arith.constant 7 : i32
      %dma_wait3A_157 = arith.constant 896 : i32
      %dma_wait3A_158 = arith.constant 0 : i32
      %dma_wait3A_159 = tpu.memref_slice %arg9[%dma_wait3A_157, %dma_wait3A_158] : memref<1024x16xf32, #tpu.memory_space<vmem>> -> memref<128x16xf32, #tpu.memory_space<vmem>>
      %dma_wait3A_160 = arith.constant 0 : i32
      %dma_wait3A_161 = tpu.memref_slice %arg7[%dma_wait3A_156, %dma_wait3A_160] : memref<8x128xi32, #tpu.memory_space<vmem>> -> memref<1x128xi32, #tpu.memory_space<vmem>>
      %dma_wait3A_162 = tpu.memref_squeeze %dma_wait3A_161 : memref<1x128xi32, #tpu.memory_space<vmem>> -> memref<128xi32, #tpu.memory_space<vmem>>
      %dma_wait3A_163 = arith.constant 0 : i32
      %dma_wait3A_164 = arith.constant 0 : i32
      %dma_wait3A_165 = tpu.memref_slice %arg4[%dma_wait3A_163, %dma_wait3A_164] : memref<200000x16xf32, #tpu.memory_space<hbm>> -> memref<200000x16xf32, #tpu.memory_space<hbm>>
      tpu.wait_indirect_dma semaphore(%arg11 : memref<!tpu.dma_semaphore, #tpu.memory_space<semaphore_mem>>) src(%dma_wait3A_165 : memref<200000x16xf32, #tpu.memory_space<hbm>>) dst(%dma_wait3A_159 : memref<128x16xf32, #tpu.memory_space<vmem>>)
      %run_scoped3A = arith.constant 0 : i32
      "tpu.region"() ({
        %run_scoped3A_173 = tpu.sem_alloc : memref<!tpu.dma_semaphore, #tpu.memory_space<semaphore_mem>>
        %dma_start3A_174 = arith.constant 0 : i32
        %dma_start3A_175 = arith.constant 0 : i32
        %dma_start3A_176 = tpu.memref_slice %arg9[%dma_start3A_174, %dma_start3A_175] : memref<1024x16xf32, #tpu.memory_space<vmem>> -> memref<128x16xf32, #tpu.memory_space<vmem>>
        %dma_start3A_177 = arith.constant 0 : i32
        %dma_start3A_178 = tpu.memref_slice %arg8[%run_scoped3A, %dma_start3A_177] : memref<8x128xi32, #tpu.memory_space<vmem>> -> memref<1x128xi32, #tpu.memory_space<vmem>>
        %dma_start3A_179 = tpu.memref_squeeze %dma_start3A_178 : memref<1x128xi32, #tpu.memory_space<vmem>> -> memref<128xi32, #tpu.memory_space<vmem>>
        %dma_start3A_180 = arith.constant 0 : i32
        %dma_start3A_181 = arith.constant 0 : i32
        %dma_start3A_182 = tpu.memref_slice %arg10[%dma_start3A_180, %dma_start3A_181] : memref<100096x16xf32, #tpu.memory_space<vmem_shared>> -> memref<100096x16xf32, #tpu.memory_space<vmem_shared>>
        tpu.enqueue_indirect_dma source(%dma_start3A_176 : memref<128x16xf32, #tpu.memory_space<vmem>>) target(%dma_start3A_182 : memref<100096x16xf32, #tpu.memory_space<vmem_shared>>) offsets(%dma_start3A_179 : memref<128xi32, #tpu.memory_space<vmem>>) semaphore(%run_scoped3A_173 : memref<!tpu.dma_semaphore, #tpu.memory_space<semaphore_mem>>) {add = true}
        %dma_wait3A_183 = arith.constant 0 : i32
        %dma_wait3A_184 = arith.constant 0 : i32
        %dma_wait3A_185 = tpu.memref_slice %arg9[%dma_wait3A_183, %dma_wait3A_184] : memref<1024x16xf32, #tpu.memory_space<vmem>> -> memref<128x16xf32, #tpu.memory_space<vmem>>
        %dma_wait3A_186 = arith.constant 0 : i32
        %dma_wait3A_187 = tpu.memref_slice %arg8[%run_scoped3A, %dma_wait3A_186] : memref<8x128xi32, #tpu.memory_space<vmem>> -> memref<1x128xi32, #tpu.memory_space<vmem>>
        %dma_wait3A_188 = tpu.memref_squeeze %dma_wait3A_187 : memref<1x128xi32, #tpu.memory_space<vmem>> -> memref<128xi32, #tpu.memory_space<vmem>>
        %dma_wait3A_189 = arith.constant 0 : i32
        %dma_wait3A_190 = arith.constant 0 : i32
        %dma_wait3A_191 = tpu.memref_slice %arg10[%dma_wait3A_189, %dma_wait3A_190] : memref<100096x16xf32, #tpu.memory_space<vmem_shared>> -> memref<100096x16xf32, #tpu.memory_space<vmem_shared>>
        tpu.wait_indirect_dma semaphore(%run_scoped3A_173 : memref<!tpu.dma_semaphore, #tpu.memory_space<semaphore_mem>>) src(%dma_wait3A_185 : memref<128x16xf32, #tpu.memory_space<vmem>>) dst(%dma_wait3A_191 : memref<100096x16xf32, #tpu.memory_space<vmem_shared>>)
        tpu.yield
      }) : () -> ()
      %run_scoped3A_166 = arith.constant 1 : i32
      "tpu.region"() ({
        %run_scoped3A_173 = tpu.sem_alloc : memref<!tpu.dma_semaphore, #tpu.memory_space<semaphore_mem>>
        %dma_start3A_174 = arith.constant 128 : i32
        %dma_start3A_175 = arith.constant 0 : i32
        %dma_start3A_176 = tpu.memref_slice %arg9[%dma_start3A_174, %dma_start3A_175] : memref<1024x16xf32, #tpu.memory_space<vmem>> -> memref<128x16xf32, #tpu.memory_space<vmem>>
        %dma_start3A_177 = arith.constant 0 : i32
        %dma_start3A_178 = tpu.memref_slice %arg8[%run_scoped3A_166, %dma_start3A_177] : memref<8x128xi32, #tpu.memory_space<vmem>> -> memref<1x128xi32, #tpu.memory_space<vmem>>
        %dma_start3A_179 = tpu.memref_squeeze %dma_start3A_178 : memref<1x128xi32, #tpu.memory_space<vmem>> -> memref<128xi32, #tpu.memory_space<vmem>>
        %dma_start3A_180 = arith.constant 0 : i32
        %dma_start3A_181 = arith.constant 0 : i32
        %dma_start3A_182 = tpu.memref_slice %arg10[%dma_start3A_180, %dma_start3A_181] : memref<100096x16xf32, #tpu.memory_space<vmem_shared>> -> memref<100096x16xf32, #tpu.memory_space<vmem_shared>>
        tpu.enqueue_indirect_dma source(%dma_start3A_176 : memref<128x16xf32, #tpu.memory_space<vmem>>) target(%dma_start3A_182 : memref<100096x16xf32, #tpu.memory_space<vmem_shared>>) offsets(%dma_start3A_179 : memref<128xi32, #tpu.memory_space<vmem>>) semaphore(%run_scoped3A_173 : memref<!tpu.dma_semaphore, #tpu.memory_space<semaphore_mem>>) {add = true}
        %dma_wait3A_183 = arith.constant 128 : i32
        %dma_wait3A_184 = arith.constant 0 : i32
        %dma_wait3A_185 = tpu.memref_slice %arg9[%dma_wait3A_183, %dma_wait3A_184] : memref<1024x16xf32, #tpu.memory_space<vmem>> -> memref<128x16xf32, #tpu.memory_space<vmem>>
        %dma_wait3A_186 = arith.constant 0 : i32
        %dma_wait3A_187 = tpu.memref_slice %arg8[%run_scoped3A_166, %dma_wait3A_186] : memref<8x128xi32, #tpu.memory_space<vmem>> -> memref<1x128xi32, #tpu.memory_space<vmem>>
        %dma_wait3A_188 = tpu.memref_squeeze %dma_wait3A_187 : memref<1x128xi32, #tpu.memory_space<vmem>> -> memref<128xi32, #tpu.memory_space<vmem>>
        %dma_wait3A_189 = arith.constant 0 : i32
        %dma_wait3A_190 = arith.constant 0 : i32
        %dma_wait3A_191 = tpu.memref_slice %arg10[%dma_wait3A_189, %dma_wait3A_190] : memref<100096x16xf32, #tpu.memory_space<vmem_shared>> -> memref<100096x16xf32, #tpu.memory_space<vmem_shared>>
        tpu.wait_indirect_dma semaphore(%run_scoped3A_173 : memref<!tpu.dma_semaphore, #tpu.memory_space<semaphore_mem>>) src(%dma_wait3A_185 : memref<128x16xf32, #tpu.memory_space<vmem>>) dst(%dma_wait3A_191 : memref<100096x16xf32, #tpu.memory_space<vmem_shared>>)
        tpu.yield
      }) : () -> ()
      %run_scoped3A_167 = arith.constant 2 : i32
      "tpu.region"() ({
        %run_scoped3A_173 = tpu.sem_alloc : memref<!tpu.dma_semaphore, #tpu.memory_space<semaphore_mem>>
        %dma_start3A_174 = arith.constant 256 : i32
        %dma_start3A_175 = arith.constant 0 : i32
        %dma_start3A_176 = tpu.memref_slice %arg9[%dma_start3A_174, %dma_start3A_175] : memref<1024x16xf32, #tpu.memory_space<vmem>> -> memref<128x16xf32, #tpu.memory_space<vmem>>
        %dma_start3A_177 = arith.constant 0 : i32
        %dma_start3A_178 = tpu.memref_slice %arg8[%run_scoped3A_167, %dma_start3A_177] : memref<8x128xi32, #tpu.memory_space<vmem>> -> memref<1x128xi32, #tpu.memory_space<vmem>>
        %dma_start3A_179 = tpu.memref_squeeze %dma_start3A_178 : memref<1x128xi32, #tpu.memory_space<vmem>> -> memref<128xi32, #tpu.memory_space<vmem>>
        %dma_start3A_180 = arith.constant 0 : i32
        %dma_start3A_181 = arith.constant 0 : i32
        %dma_start3A_182 = tpu.memref_slice %arg10[%dma_start3A_180, %dma_start3A_181] : memref<100096x16xf32, #tpu.memory_space<vmem_shared>> -> memref<100096x16xf32, #tpu.memory_space<vmem_shared>>
        tpu.enqueue_indirect_dma source(%dma_start3A_176 : memref<128x16xf32, #tpu.memory_space<vmem>>) target(%dma_start3A_182 : memref<100096x16xf32, #tpu.memory_space<vmem_shared>>) offsets(%dma_start3A_179 : memref<128xi32, #tpu.memory_space<vmem>>) semaphore(%run_scoped3A_173 : memref<!tpu.dma_semaphore, #tpu.memory_space<semaphore_mem>>) {add = true}
        %dma_wait3A_183 = arith.constant 256 : i32
        %dma_wait3A_184 = arith.constant 0 : i32
        %dma_wait3A_185 = tpu.memref_slice %arg9[%dma_wait3A_183, %dma_wait3A_184] : memref<1024x16xf32, #tpu.memory_space<vmem>> -> memref<128x16xf32, #tpu.memory_space<vmem>>
        %dma_wait3A_186 = arith.constant 0 : i32
        %dma_wait3A_187 = tpu.memref_slice %arg8[%run_scoped3A_167, %dma_wait3A_186] : memref<8x128xi32, #tpu.memory_space<vmem>> -> memref<1x128xi32, #tpu.memory_space<vmem>>
        %dma_wait3A_188 = tpu.memref_squeeze %dma_wait3A_187 : memref<1x128xi32, #tpu.memory_space<vmem>> -> memref<128xi32, #tpu.memory_space<vmem>>
        %dma_wait3A_189 = arith.constant 0 : i32
        %dma_wait3A_190 = arith.constant 0 : i32
        %dma_wait3A_191 = tpu.memref_slice %arg10[%dma_wait3A_189, %dma_wait3A_190] : memref<100096x16xf32, #tpu.memory_space<vmem_shared>> -> memref<100096x16xf32, #tpu.memory_space<vmem_shared>>
        tpu.wait_indirect_dma semaphore(%run_scoped3A_173 : memref<!tpu.dma_semaphore, #tpu.memory_space<semaphore_mem>>) src(%dma_wait3A_185 : memref<128x16xf32, #tpu.memory_space<vmem>>) dst(%dma_wait3A_191 : memref<100096x16xf32, #tpu.memory_space<vmem_shared>>)
        tpu.yield
      }) : () -> ()
      %run_scoped3A_168 = arith.constant 3 : i32
      "tpu.region"() ({
        %run_scoped3A_173 = tpu.sem_alloc : memref<!tpu.dma_semaphore, #tpu.memory_space<semaphore_mem>>
        %dma_start3A_174 = arith.constant 384 : i32
        %dma_start3A_175 = arith.constant 0 : i32
        %dma_start3A_176 = tpu.memref_slice %arg9[%dma_start3A_174, %dma_start3A_175] : memref<1024x16xf32, #tpu.memory_space<vmem>> -> memref<128x16xf32, #tpu.memory_space<vmem>>
        %dma_start3A_177 = arith.constant 0 : i32
        %dma_start3A_178 = tpu.memref_slice %arg8[%run_scoped3A_168, %dma_start3A_177] : memref<8x128xi32, #tpu.memory_space<vmem>> -> memref<1x128xi32, #tpu.memory_space<vmem>>
        %dma_start3A_179 = tpu.memref_squeeze %dma_start3A_178 : memref<1x128xi32, #tpu.memory_space<vmem>> -> memref<128xi32, #tpu.memory_space<vmem>>
        %dma_start3A_180 = arith.constant 0 : i32
        %dma_start3A_181 = arith.constant 0 : i32
        %dma_start3A_182 = tpu.memref_slice %arg10[%dma_start3A_180, %dma_start3A_181] : memref<100096x16xf32, #tpu.memory_space<vmem_shared>> -> memref<100096x16xf32, #tpu.memory_space<vmem_shared>>
        tpu.enqueue_indirect_dma source(%dma_start3A_176 : memref<128x16xf32, #tpu.memory_space<vmem>>) target(%dma_start3A_182 : memref<100096x16xf32, #tpu.memory_space<vmem_shared>>) offsets(%dma_start3A_179 : memref<128xi32, #tpu.memory_space<vmem>>) semaphore(%run_scoped3A_173 : memref<!tpu.dma_semaphore, #tpu.memory_space<semaphore_mem>>) {add = true}
        %dma_wait3A_183 = arith.constant 384 : i32
        %dma_wait3A_184 = arith.constant 0 : i32
        %dma_wait3A_185 = tpu.memref_slice %arg9[%dma_wait3A_183, %dma_wait3A_184] : memref<1024x16xf32, #tpu.memory_space<vmem>> -> memref<128x16xf32, #tpu.memory_space<vmem>>
        %dma_wait3A_186 = arith.constant 0 : i32
        %dma_wait3A_187 = tpu.memref_slice %arg8[%run_scoped3A_168, %dma_wait3A_186] : memref<8x128xi32, #tpu.memory_space<vmem>> -> memref<1x128xi32, #tpu.memory_space<vmem>>
        %dma_wait3A_188 = tpu.memref_squeeze %dma_wait3A_187 : memref<1x128xi32, #tpu.memory_space<vmem>> -> memref<128xi32, #tpu.memory_space<vmem>>
        %dma_wait3A_189 = arith.constant 0 : i32
        %dma_wait3A_190 = arith.constant 0 : i32
        %dma_wait3A_191 = tpu.memref_slice %arg10[%dma_wait3A_189, %dma_wait3A_190] : memref<100096x16xf32, #tpu.memory_space<vmem_shared>> -> memref<100096x16xf32, #tpu.memory_space<vmem_shared>>
        tpu.wait_indirect_dma semaphore(%run_scoped3A_173 : memref<!tpu.dma_semaphore, #tpu.memory_space<semaphore_mem>>) src(%dma_wait3A_185 : memref<128x16xf32, #tpu.memory_space<vmem>>) dst(%dma_wait3A_191 : memref<100096x16xf32, #tpu.memory_space<vmem_shared>>)
        tpu.yield
      }) : () -> ()
      %run_scoped3A_169 = arith.constant 4 : i32
      "tpu.region"() ({
        %run_scoped3A_173 = tpu.sem_alloc : memref<!tpu.dma_semaphore, #tpu.memory_space<semaphore_mem>>
        %dma_start3A_174 = arith.constant 512 : i32
        %dma_start3A_175 = arith.constant 0 : i32
        %dma_start3A_176 = tpu.memref_slice %arg9[%dma_start3A_174, %dma_start3A_175] : memref<1024x16xf32, #tpu.memory_space<vmem>> -> memref<128x16xf32, #tpu.memory_space<vmem>>
        %dma_start3A_177 = arith.constant 0 : i32
        %dma_start3A_178 = tpu.memref_slice %arg8[%run_scoped3A_169, %dma_start3A_177] : memref<8x128xi32, #tpu.memory_space<vmem>> -> memref<1x128xi32, #tpu.memory_space<vmem>>
        %dma_start3A_179 = tpu.memref_squeeze %dma_start3A_178 : memref<1x128xi32, #tpu.memory_space<vmem>> -> memref<128xi32, #tpu.memory_space<vmem>>
        %dma_start3A_180 = arith.constant 0 : i32
        %dma_start3A_181 = arith.constant 0 : i32
        %dma_start3A_182 = tpu.memref_slice %arg10[%dma_start3A_180, %dma_start3A_181] : memref<100096x16xf32, #tpu.memory_space<vmem_shared>> -> memref<100096x16xf32, #tpu.memory_space<vmem_shared>>
        tpu.enqueue_indirect_dma source(%dma_start3A_176 : memref<128x16xf32, #tpu.memory_space<vmem>>) target(%dma_start3A_182 : memref<100096x16xf32, #tpu.memory_space<vmem_shared>>) offsets(%dma_start3A_179 : memref<128xi32, #tpu.memory_space<vmem>>) semaphore(%run_scoped3A_173 : memref<!tpu.dma_semaphore, #tpu.memory_space<semaphore_mem>>) {add = true}
        %dma_wait3A_183 = arith.constant 512 : i32
        %dma_wait3A_184 = arith.constant 0 : i32
        %dma_wait3A_185 = tpu.memref_slice %arg9[%dma_wait3A_183, %dma_wait3A_184] : memref<1024x16xf32, #tpu.memory_space<vmem>> -> memref<128x16xf32, #tpu.memory_space<vmem>>
        %dma_wait3A_186 = arith.constant 0 : i32
        %dma_wait3A_187 = tpu.memref_slice %arg8[%run_scoped3A_169, %dma_wait3A_186] : memref<8x128xi32, #tpu.memory_space<vmem>> -> memref<1x128xi32, #tpu.memory_space<vmem>>
        %dma_wait3A_188 = tpu.memref_squeeze %dma_wait3A_187 : memref<1x128xi32, #tpu.memory_space<vmem>> -> memref<128xi32, #tpu.memory_space<vmem>>
        %dma_wait3A_189 = arith.constant 0 : i32
        %dma_wait3A_190 = arith.constant 0 : i32
        %dma_wait3A_191 = tpu.memref_slice %arg10[%dma_wait3A_189, %dma_wait3A_190] : memref<100096x16xf32, #tpu.memory_space<vmem_shared>> -> memref<100096x16xf32, #tpu.memory_space<vmem_shared>>
        tpu.wait_indirect_dma semaphore(%run_scoped3A_173 : memref<!tpu.dma_semaphore, #tpu.memory_space<semaphore_mem>>) src(%dma_wait3A_185 : memref<128x16xf32, #tpu.memory_space<vmem>>) dst(%dma_wait3A_191 : memref<100096x16xf32, #tpu.memory_space<vmem_shared>>)
        tpu.yield
      }) : () -> ()
      %run_scoped3A_170 = arith.constant 5 : i32
      "tpu.region"() ({
        %run_scoped3A_173 = tpu.sem_alloc : memref<!tpu.dma_semaphore, #tpu.memory_space<semaphore_mem>>
        %dma_start3A_174 = arith.constant 640 : i32
        %dma_start3A_175 = arith.constant 0 : i32
        %dma_start3A_176 = tpu.memref_slice %arg9[%dma_start3A_174, %dma_start3A_175] : memref<1024x16xf32, #tpu.memory_space<vmem>> -> memref<128x16xf32, #tpu.memory_space<vmem>>
        %dma_start3A_177 = arith.constant 0 : i32
        %dma_start3A_178 = tpu.memref_slice %arg8[%run_scoped3A_170, %dma_start3A_177] : memref<8x128xi32, #tpu.memory_space<vmem>> -> memref<1x128xi32, #tpu.memory_space<vmem>>
        %dma_start3A_179 = tpu.memref_squeeze %dma_start3A_178 : memref<1x128xi32, #tpu.memory_space<vmem>> -> memref<128xi32, #tpu.memory_space<vmem>>
        %dma_start3A_180 = arith.constant 0 : i32
        %dma_start3A_181 = arith.constant 0 : i32
        %dma_start3A_182 = tpu.memref_slice %arg10[%dma_start3A_180, %dma_start3A_181] : memref<100096x16xf32, #tpu.memory_space<vmem_shared>> -> memref<100096x16xf32, #tpu.memory_space<vmem_shared>>
        tpu.enqueue_indirect_dma source(%dma_start3A_176 : memref<128x16xf32, #tpu.memory_space<vmem>>) target(%dma_start3A_182 : memref<100096x16xf32, #tpu.memory_space<vmem_shared>>) offsets(%dma_start3A_179 : memref<128xi32, #tpu.memory_space<vmem>>) semaphore(%run_scoped3A_173 : memref<!tpu.dma_semaphore, #tpu.memory_space<semaphore_mem>>) {add = true}
        %dma_wait3A_183 = arith.constant 640 : i32
        %dma_wait3A_184 = arith.constant 0 : i32
        %dma_wait3A_185 = tpu.memref_slice %arg9[%dma_wait3A_183, %dma_wait3A_184] : memref<1024x16xf32, #tpu.memory_space<vmem>> -> memref<128x16xf32, #tpu.memory_space<vmem>>
        %dma_wait3A_186 = arith.constant 0 : i32
        %dma_wait3A_187 = tpu.memref_slice %arg8[%run_scoped3A_170, %dma_wait3A_186] : memref<8x128xi32, #tpu.memory_space<vmem>> -> memref<1x128xi32, #tpu.memory_space<vmem>>
        %dma_wait3A_188 = tpu.memref_squeeze %dma_wait3A_187 : memref<1x128xi32, #tpu.memory_space<vmem>> -> memref<128xi32, #tpu.memory_space<vmem>>
        %dma_wait3A_189 = arith.constant 0 : i32
        %dma_wait3A_190 = arith.constant 0 : i32
        %dma_wait3A_191 = tpu.memref_slice %arg10[%dma_wait3A_189, %dma_wait3A_190] : memref<100096x16xf32, #tpu.memory_space<vmem_shared>> -> memref<100096x16xf32, #tpu.memory_space<vmem_shared>>
        tpu.wait_indirect_dma semaphore(%run_scoped3A_173 : memref<!tpu.dma_semaphore, #tpu.memory_space<semaphore_mem>>) src(%dma_wait3A_185 : memref<128x16xf32, #tpu.memory_space<vmem>>) dst(%dma_wait3A_191 : memref<100096x16xf32, #tpu.memory_space<vmem_shared>>)
        tpu.yield
      }) : () -> ()
      %run_scoped3A_171 = arith.constant 6 : i32
      "tpu.region"() ({
        %run_scoped3A_173 = tpu.sem_alloc : memref<!tpu.dma_semaphore, #tpu.memory_space<semaphore_mem>>
        %dma_start3A_174 = arith.constant 768 : i32
        %dma_start3A_175 = arith.constant 0 : i32
        %dma_start3A_176 = tpu.memref_slice %arg9[%dma_start3A_174, %dma_start3A_175] : memref<1024x16xf32, #tpu.memory_space<vmem>> -> memref<128x16xf32, #tpu.memory_space<vmem>>
        %dma_start3A_177 = arith.constant 0 : i32
        %dma_start3A_178 = tpu.memref_slice %arg8[%run_scoped3A_171, %dma_start3A_177] : memref<8x128xi32, #tpu.memory_space<vmem>> -> memref<1x128xi32, #tpu.memory_space<vmem>>
        %dma_start3A_179 = tpu.memref_squeeze %dma_start3A_178 : memref<1x128xi32, #tpu.memory_space<vmem>> -> memref<128xi32, #tpu.memory_space<vmem>>
        %dma_start3A_180 = arith.constant 0 : i32
        %dma_start3A_181 = arith.constant 0 : i32
        %dma_start3A_182 = tpu.memref_slice %arg10[%dma_start3A_180, %dma_start3A_181] : memref<100096x16xf32, #tpu.memory_space<vmem_shared>> -> memref<100096x16xf32, #tpu.memory_space<vmem_shared>>
        tpu.enqueue_indirect_dma source(%dma_start3A_176 : memref<128x16xf32, #tpu.memory_space<vmem>>) target(%dma_start3A_182 : memref<100096x16xf32, #tpu.memory_space<vmem_shared>>) offsets(%dma_start3A_179 : memref<128xi32, #tpu.memory_space<vmem>>) semaphore(%run_scoped3A_173 : memref<!tpu.dma_semaphore, #tpu.memory_space<semaphore_mem>>) {add = true}
        %dma_wait3A_183 = arith.constant 768 : i32
        %dma_wait3A_184 = arith.constant 0 : i32
        %dma_wait3A_185 = tpu.memref_slice %arg9[%dma_wait3A_183, %dma_wait3A_184] : memref<1024x16xf32, #tpu.memory_space<vmem>> -> memref<128x16xf32, #tpu.memory_space<vmem>>
        %dma_wait3A_186 = arith.constant 0 : i32
        %dma_wait3A_187 = tpu.memref_slice %arg8[%run_scoped3A_171, %dma_wait3A_186] : memref<8x128xi32, #tpu.memory_space<vmem>> -> memref<1x128xi32, #tpu.memory_space<vmem>>
        %dma_wait3A_188 = tpu.memref_squeeze %dma_wait3A_187 : memref<1x128xi32, #tpu.memory_space<vmem>> -> memref<128xi32, #tpu.memory_space<vmem>>
        %dma_wait3A_189 = arith.constant 0 : i32
        %dma_wait3A_190 = arith.constant 0 : i32
        %dma_wait3A_191 = tpu.memref_slice %arg10[%dma_wait3A_189, %dma_wait3A_190] : memref<100096x16xf32, #tpu.memory_space<vmem_shared>> -> memref<100096x16xf32, #tpu.memory_space<vmem_shared>>
        tpu.wait_indirect_dma semaphore(%run_scoped3A_173 : memref<!tpu.dma_semaphore, #tpu.memory_space<semaphore_mem>>) src(%dma_wait3A_185 : memref<128x16xf32, #tpu.memory_space<vmem>>) dst(%dma_wait3A_191 : memref<100096x16xf32, #tpu.memory_space<vmem_shared>>)
        tpu.yield
      }) : () -> ()
      %run_scoped3A_172 = arith.constant 7 : i32
      "tpu.region"() ({
        %run_scoped3A_173 = tpu.sem_alloc : memref<!tpu.dma_semaphore, #tpu.memory_space<semaphore_mem>>
        %dma_start3A_174 = arith.constant 896 : i32
        %dma_start3A_175 = arith.constant 0 : i32
        %dma_start3A_176 = tpu.memref_slice %arg9[%dma_start3A_174, %dma_start3A_175] : memref<1024x16xf32, #tpu.memory_space<vmem>> -> memref<128x16xf32, #tpu.memory_space<vmem>>
        %dma_start3A_177 = arith.constant 0 : i32
        %dma_start3A_178 = tpu.memref_slice %arg8[%run_scoped3A_172, %dma_start3A_177] : memref<8x128xi32, #tpu.memory_space<vmem>> -> memref<1x128xi32, #tpu.memory_space<vmem>>
        %dma_start3A_179 = tpu.memref_squeeze %dma_start3A_178 : memref<1x128xi32, #tpu.memory_space<vmem>> -> memref<128xi32, #tpu.memory_space<vmem>>
        %dma_start3A_180 = arith.constant 0 : i32
        %dma_start3A_181 = arith.constant 0 : i32
        %dma_start3A_182 = tpu.memref_slice %arg10[%dma_start3A_180, %dma_start3A_181] : memref<100096x16xf32, #tpu.memory_space<vmem_shared>> -> memref<100096x16xf32, #tpu.memory_space<vmem_shared>>
        tpu.enqueue_indirect_dma source(%dma_start3A_176 : memref<128x16xf32, #tpu.memory_space<vmem>>) target(%dma_start3A_182 : memref<100096x16xf32, #tpu.memory_space<vmem_shared>>) offsets(%dma_start3A_179 : memref<128xi32, #tpu.memory_space<vmem>>) semaphore(%run_scoped3A_173 : memref<!tpu.dma_semaphore, #tpu.memory_space<semaphore_mem>>) {add = true}
        %dma_wait3A_183 = arith.constant 896 : i32
        %dma_wait3A_184 = arith.constant 0 : i32
        %dma_wait3A_185 = tpu.memref_slice %arg9[%dma_wait3A_183, %dma_wait3A_184] : memref<1024x16xf32, #tpu.memory_space<vmem>> -> memref<128x16xf32, #tpu.memory_space<vmem>>
        %dma_wait3A_186 = arith.constant 0 : i32
        %dma_wait3A_187 = tpu.memref_slice %arg8[%run_scoped3A_172, %dma_wait3A_186] : memref<8x128xi32, #tpu.memory_space<vmem>> -> memref<1x128xi32, #tpu.memory_space<vmem>>
        %dma_wait3A_188 = tpu.memref_squeeze %dma_wait3A_187 : memref<1x128xi32, #tpu.memory_space<vmem>> -> memref<128xi32, #tpu.memory_space<vmem>>
        %dma_wait3A_189 = arith.constant 0 : i32
        %dma_wait3A_190 = arith.constant 0 : i32
        %dma_wait3A_191 = tpu.memref_slice %arg10[%dma_wait3A_189, %dma_wait3A_190] : memref<100096x16xf32, #tpu.memory_space<vmem_shared>> -> memref<100096x16xf32, #tpu.memory_space<vmem_shared>>
        tpu.wait_indirect_dma semaphore(%run_scoped3A_173 : memref<!tpu.dma_semaphore, #tpu.memory_space<semaphore_mem>>) src(%dma_wait3A_185 : memref<128x16xf32, #tpu.memory_space<vmem>>) dst(%dma_wait3A_191 : memref<100096x16xf32, #tpu.memory_space<vmem_shared>>)
        tpu.yield
      }) : () -> ()
    }
    %scan3A_5 = arith.constant 98 : i32
    %barrier3A_6 = arith.constant 0 : index
    tpu.barrier barrier_id(%barrier3A_6)
    "tpu.region"() ({
      %run_scoped3A = tpu.sem_alloc : memref<!tpu.dma_semaphore, #tpu.memory_space<semaphore_mem>>
      %dma_start3A = arith.constant 0 : i32
      %dma_start3A_7 = tpu.memref_slice %arg6[%arg0, %mul3A_0, %dma_start3A] : memref<2x100096x16xf32, #tpu.memory_space<hbm>> -> memref<1x6256x16xf32, #tpu.memory_space<hbm>>
      %dma_start3A_8 = tpu.memref_squeeze %dma_start3A_7 : memref<1x6256x16xf32, #tpu.memory_space<hbm>> -> memref<6256x16xf32, #tpu.memory_space<hbm>>
      %dma_start3A_9 = arith.constant 0 : i32
      %dma_start3A_10 = tpu.memref_slice %arg10[%mul3A_0, %dma_start3A_9] : memref<100096x16xf32, #tpu.memory_space<vmem_shared>> -> memref<6256x16xf32, #tpu.memory_space<vmem_shared>>
      tpu.enqueue_dma source(%dma_start3A_10 : memref<6256x16xf32, #tpu.memory_space<vmem_shared>>) target(%dma_start3A_8 : memref<6256x16xf32, #tpu.memory_space<hbm>>) target_semaphore(%run_scoped3A : memref<!tpu.dma_semaphore, #tpu.memory_space<semaphore_mem>>)
      %dma_wait3A = arith.constant 0 : i32
      %dma_wait3A_11 = tpu.memref_slice %arg6[%arg0, %mul3A_0, %dma_wait3A] : memref<2x100096x16xf32, #tpu.memory_space<hbm>> -> memref<1x6256x16xf32, #tpu.memory_space<hbm>>
      %dma_wait3A_12 = tpu.memref_squeeze %dma_wait3A_11 : memref<1x6256x16xf32, #tpu.memory_space<hbm>> -> memref<6256x16xf32, #tpu.memory_space<hbm>>
      %dma_wait3A_13 = arith.constant 0 : i32
      %dma_wait3A_14 = tpu.memref_slice %arg10[%mul3A_0, %dma_wait3A_13] : memref<100096x16xf32, #tpu.memory_space<vmem_shared>> -> memref<6256x16xf32, #tpu.memory_space<vmem_shared>>
      tpu.wait_dma2 semaphore(%run_scoped3A : memref<!tpu.dma_semaphore, #tpu.memory_space<semaphore_mem>>) src(%dma_wait3A_14 : memref<6256x16xf32, #tpu.memory_space<vmem_shared>>) dst(%dma_wait3A_12 : memref<6256x16xf32, #tpu.memory_space<hbm>>)
      tpu.yield
    }) : () -> ()
    return
  }
}

#map = affine_map<(d0, d1) -> (0, 0, 0, 0, 0)>
#map1 = affine_map<(d0, d1) -> (0, 0, 0, 0)>
#map2 = affine_map<(d0, d1) -> (0, 0)>
#map3 = affine_map<(d0, d1) -> (0, 0, 0)>
module attributes {stable_mosaic.version = 14 : i64} {
  func.func @_sc_seg_body(%arg0: i32, %arg1: i32, %arg2: memref<2x16x98x8x128xi32, #tpu.memory_space<hbm>>, %arg3: memref<16x98x8x128xi32, #tpu.memory_space<hbm>>, %arg4: memref<200000x16xf32, #tpu.memory_space<hbm>>, %arg5: memref<6256x16xf32, #tpu.memory_space<hbm>>, %arg6: memref<2x100096x16xf32, #tpu.memory_space<hbm>>, %arg7: memref<8x128xi32, #tpu.memory_space<vmem>>, %arg8: memref<8x128xi32, #tpu.memory_space<vmem>>, %arg9: memref<1024x16xf32, #tpu.memory_space<vmem>>, %arg10: memref<100096x16xf32, #tpu.memory_space<vmem_shared>>, %arg11: memref<!tpu.dma_semaphore, #tpu.memory_space<semaphore_mem>>) attributes {dimension_semantics = [#tpu.dimension_semantics<core_parallel>, #tpu.dimension_semantics<subcore_parallel>], iteration_bounds = array<i64: 2, 16>, scalar_prefetch = 0 : i64, scratch_operands = 5 : i64, tpu.core_type = #tpu.core_type<sc_vector_subcore>, window_params = [{transform_indices = #map}, {transform_indices = #map1}, {transform_indices = #map2}, {transform_indices = #map2}, {transform_indices = #map3}]} {
    %mul3A = arith.constant 6256 : i32
    %mul3A_0 = arith.muli %arg1, %mul3A : i32
    "tpu.region"() ({
      %run_scoped3A = tpu.sem_alloc : memref<!tpu.dma_semaphore, #tpu.memory_space<semaphore_mem>>
      %dma_start3A = arith.constant 0 : i32
      %dma_start3A_7 = tpu.memref_slice %arg10[%mul3A_0, %dma_start3A] : memref<100096x16xf32, #tpu.memory_space<vmem_shared>> -> memref<6256x16xf32, #tpu.memory_space<vmem_shared>>
      tpu.enqueue_dma source(%arg5 : memref<6256x16xf32, #tpu.memory_space<hbm>>) target(%dma_start3A_7 : memref<6256x16xf32, #tpu.memory_space<vmem_shared>>) target_semaphore(%run_scoped3A : memref<!tpu.dma_semaphore, #tpu.memory_space<semaphore_mem>>)
      %dma_wait3A = arith.constant 0 : i32
      %dma_wait3A_8 = tpu.memref_slice %arg10[%mul3A_0, %dma_wait3A] : memref<100096x16xf32, #tpu.memory_space<vmem_shared>> -> memref<6256x16xf32, #tpu.memory_space<vmem_shared>>
      tpu.wait_dma2 semaphore(%run_scoped3A : memref<!tpu.dma_semaphore, #tpu.memory_space<semaphore_mem>>) src(%arg5 : memref<6256x16xf32, #tpu.memory_space<hbm>>) dst(%dma_wait3A_8 : memref<6256x16xf32, #tpu.memory_space<vmem_shared>>)
      tpu.yield
    }) : () -> ()
    %barrier3A = arith.constant 0 : index
    tpu.barrier barrier_id(%barrier3A)
    %scan3A = arith.constant 0 : i32
    %scan3A_1 = arith.constant 0 : i32
    %scan3A_2 = arith.constant 98 : i32
    %scan3A_3 = arith.addi %scan3A_1, %scan3A_2 : i32
    %scan3A_4 = arith.constant 1 : i32
    scf.for %scan3A_7 = %scan3A_1 to %scan3A_3 step %scan3A_4  : i32 {
      "tpu.region"() ({
        %run_scoped3A_173 = tpu.sem_alloc : memref<!tpu.dma_semaphore, #tpu.memory_space<semaphore_mem>>
        %dma_start3A_174 = arith.constant 0 : i32
        %dma_start3A_175 = arith.constant 0 : i32
        %dma_start3A_176 = tpu.memref_slice %arg2[%arg0, %arg1, %scan3A_7, %dma_start3A_174, %dma_start3A_175] : memref<2x16x98x8x128xi32, #tpu.memory_space<hbm>> -> memref<1x1x1x8x128xi32, #tpu.memory_space<hbm>>
        %dma_start3A_177 = tpu.memref_squeeze %dma_start3A_176 : memref<1x1x1x8x128xi32, #tpu.memory_space<hbm>> -> memref<8x128xi32, #tpu.memory_space<hbm>>
        %dma_start3A_178 = arith.constant 0 : i32
        %dma_start3A_179 = arith.constant 0 : i32
        %dma_start3A_180 = tpu.memref_slice %arg2[%arg0, %arg1, %scan3A_7, %dma_start3A_178, %dma_start3A_179] : memref<2x16x98x8x128xi32, #tpu.memory_space<hbm>> -> memref<1x1x1x8x128xi32, #tpu.memory_space<hbm>>
        %dma_start3A_181 = tpu.memref_squeeze %dma_start3A_180 : memref<1x1x1x8x128xi32, #tpu.memory_space<hbm>> -> memref<8x128xi32, #tpu.memory_space<hbm>>
        tpu.enqueue_dma source(%dma_start3A_181 : memref<8x128xi32, #tpu.memory_space<hbm>>) target(%arg7 : memref<8x128xi32, #tpu.memory_space<vmem>>) target_semaphore(%run_scoped3A_173 : memref<!tpu.dma_semaphore, #tpu.memory_space<semaphore_mem>>)
        %dma_wait3A_182 = arith.constant 0 : i32
        %dma_wait3A_183 = arith.constant 0 : i32
        %dma_wait3A_184 = tpu.memref_slice %arg2[%arg0, %arg1, %scan3A_7, %dma_wait3A_182, %dma_wait3A_183] : memref<2x16x98x8x128xi32, #tpu.memory_space<hbm>> -> memref<1x1x1x8x128xi32, #tpu.memory_space<hbm>>
        %dma_wait3A_185 = tpu.memref_squeeze %dma_wait3A_184 : memref<1x1x1x8x128xi32, #tpu.memory_space<hbm>> -> memref<8x128xi32, #tpu.memory_space<hbm>>
        %dma_wait3A_186 = arith.constant 0 : i32
        %dma_wait3A_187 = arith.constant 0 : i32
        %dma_wait3A_188 = tpu.memref_slice %arg2[%arg0, %arg1, %scan3A_7, %dma_wait3A_186, %dma_wait3A_187] : memref<2x16x98x8x128xi32, #tpu.memory_space<hbm>> -> memref<1x1x1x8x128xi32, #tpu.memory_space<hbm>>
        %dma_wait3A_189 = tpu.memref_squeeze %dma_wait3A_188 : memref<1x1x1x8x128xi32, #tpu.memory_space<hbm>> -> memref<8x128xi32, #tpu.memory_space<hbm>>
        tpu.wait_dma2 semaphore(%run_scoped3A_173 : memref<!tpu.dma_semaphore, #tpu.memory_space<semaphore_mem>>) src(%dma_wait3A_189 : memref<8x128xi32, #tpu.memory_space<hbm>>) dst(%arg7 : memref<8x128xi32, #tpu.memory_space<vmem>>)
        tpu.yield
      }) : () -> ()
      "tpu.region"() ({
        %run_scoped3A_173 = tpu.sem_alloc : memref<!tpu.dma_semaphore, #tpu.memory_space<semaphore_mem>>
        %dma_start3A_174 = arith.constant 0 : i32
        %dma_start3A_175 = arith.constant 0 : i32
        %dma_start3A_176 = tpu.memref_slice %arg3[%arg1, %scan3A_7, %dma_start3A_174, %dma_start3A_175] : memref<16x98x8x128xi32, #tpu.memory_space<hbm>> -> memref<1x1x8x128xi32, #tpu.memory_space<hbm>>
        %dma_start3A_177 = tpu.memref_squeeze %dma_start3A_176 : memref<1x1x8x128xi32, #tpu.memory_space<hbm>> -> memref<8x128xi32, #tpu.memory_space<hbm>>
        %dma_start3A_178 = arith.constant 0 : i32
        %dma_start3A_179 = arith.constant 0 : i32
        %dma_start3A_180 = tpu.memref_slice %arg3[%arg1, %scan3A_7, %dma_start3A_178, %dma_start3A_179] : memref<16x98x8x128xi32, #tpu.memory_space<hbm>> -> memref<1x1x8x128xi32, #tpu.memory_space<hbm>>
        %dma_start3A_181 = tpu.memref_squeeze %dma_start3A_180 : memref<1x1x8x128xi32, #tpu.memory_space<hbm>> -> memref<8x128xi32, #tpu.memory_space<hbm>>
        tpu.enqueue_dma source(%dma_start3A_181 : memref<8x128xi32, #tpu.memory_space<hbm>>) target(%arg8 : memref<8x128xi32, #tpu.memory_space<vmem>>) target_semaphore(%run_scoped3A_173 : memref<!tpu.dma_semaphore, #tpu.memory_space<semaphore_mem>>)
        %dma_wait3A_182 = arith.constant 0 : i32
        %dma_wait3A_183 = arith.constant 0 : i32
        %dma_wait3A_184 = tpu.memref_slice %arg3[%arg1, %scan3A_7, %dma_wait3A_182, %dma_wait3A_183] : memref<16x98x8x128xi32, #tpu.memory_space<hbm>> -> memref<1x1x8x128xi32, #tpu.memory_space<hbm>>
        %dma_wait3A_185 = tpu.memref_squeeze %dma_wait3A_184 : memref<1x1x8x128xi32, #tpu.memory_space<hbm>> -> memref<8x128xi32, #tpu.memory_space<hbm>>
        %dma_wait3A_186 = arith.constant 0 : i32
        %dma_wait3A_187 = arith.constant 0 : i32
        %dma_wait3A_188 = tpu.memref_slice %arg3[%arg1, %scan3A_7, %dma_wait3A_186, %dma_wait3A_187] : memref<16x98x8x128xi32, #tpu.memory_space<hbm>> -> memref<1x1x8x128xi32, #tpu.memory_space<hbm>>
        %dma_wait3A_189 = tpu.memref_squeeze %dma_wait3A_188 : memref<1x1x8x128xi32, #tpu.memory_space<hbm>> -> memref<8x128xi32, #tpu.memory_space<hbm>>
        tpu.wait_dma2 semaphore(%run_scoped3A_173 : memref<!tpu.dma_semaphore, #tpu.memory_space<semaphore_mem>>) src(%dma_wait3A_189 : memref<8x128xi32, #tpu.memory_space<hbm>>) dst(%arg8 : memref<8x128xi32, #tpu.memory_space<vmem>>)
        tpu.yield
      }) : () -> ()
      %dma_start3A = arith.constant 0 : i32
      %dma_start3A_8 = arith.constant 0 : i32
      %dma_start3A_9 = arith.constant 0 : i32
      %dma_start3A_10 = tpu.memref_slice %arg9[%dma_start3A_8, %dma_start3A_9] : memref<1024x16xf32, #tpu.memory_space<vmem>> -> memref<128x16xf32, #tpu.memory_space<vmem>>
      %dma_start3A_11 = arith.constant 0 : i32
      %dma_start3A_12 = tpu.memref_slice %arg7[%dma_start3A, %dma_start3A_11] : memref<8x128xi32, #tpu.memory_space<vmem>> -> memref<1x128xi32, #tpu.memory_space<vmem>>
      %dma_start3A_13 = tpu.memref_squeeze %dma_start3A_12 : memref<1x128xi32, #tpu.memory_space<vmem>> -> memref<128xi32, #tpu.memory_space<vmem>>
      %dma_start3A_14 = arith.constant 0 : i32
      %dma_start3A_15 = arith.constant 0 : i32
      %dma_start3A_16 = tpu.memref_slice %arg4[%dma_start3A_14, %dma_start3A_15] : memref<200000x16xf32, #tpu.memory_space<hbm>> -> memref<200000x16xf32, #tpu.memory_space<hbm>>
      tpu.enqueue_indirect_dma source(%dma_start3A_16 : memref<200000x16xf32, #tpu.memory_space<hbm>>) target(%dma_start3A_10 : memref<128x16xf32, #tpu.memory_space<vmem>>) offsets(%dma_start3A_13 : memref<128xi32, #tpu.memory_space<vmem>>) semaphore(%arg11 : memref<!tpu.dma_semaphore, #tpu.memory_space<semaphore_mem>>)
      %dma_start3A_17 = arith.constant 1 : i32
      %dma_start3A_18 = arith.constant 128 : i32
      %dma_start3A_19 = arith.constant 0 : i32
      %dma_start3A_20 = tpu.memref_slice %arg9[%dma_start3A_18, %dma_start3A_19] : memref<1024x16xf32, #tpu.memory_space<vmem>> -> memref<128x16xf32, #tpu.memory_space<vmem>>
      %dma_start3A_21 = arith.constant 0 : i32
      %dma_start3A_22 = tpu.memref_slice %arg7[%dma_start3A_17, %dma_start3A_21] : memref<8x128xi32, #tpu.memory_space<vmem>> -> memref<1x128xi32, #tpu.memory_space<vmem>>
      %dma_start3A_23 = tpu.memref_squeeze %dma_start3A_22 : memref<1x128xi32, #tpu.memory_space<vmem>> -> memref<128xi32, #tpu.memory_space<vmem>>
      %dma_start3A_24 = arith.constant 0 : i32
      %dma_start3A_25 = arith.constant 0 : i32
      %dma_start3A_26 = tpu.memref_slice %arg4[%dma_start3A_24, %dma_start3A_25] : memref<200000x16xf32, #tpu.memory_space<hbm>> -> memref<200000x16xf32, #tpu.memory_space<hbm>>
      tpu.enqueue_indirect_dma source(%dma_start3A_26 : memref<200000x16xf32, #tpu.memory_space<hbm>>) target(%dma_start3A_20 : memref<128x16xf32, #tpu.memory_space<vmem>>) offsets(%dma_start3A_23 : memref<128xi32, #tpu.memory_space<vmem>>) semaphore(%arg11 : memref<!tpu.dma_semaphore, #tpu.memory_space<semaphore_mem>>)
      %dma_start3A_27 = arith.constant 2 : i32
      %dma_start3A_28 = arith.constant 256 : i32
      %dma_start3A_29 = arith.constant 0 : i32
      %dma_start3A_30 = tpu.memref_slice %arg9[%dma_start3A_28, %dma_start3A_29] : memref<1024x16xf32, #tpu.memory_space<vmem>> -> memref<128x16xf32, #tpu.memory_space<vmem>>
      %dma_start3A_31 = arith.constant 0 : i32
      %dma_start3A_32 = tpu.memref_slice %arg7[%dma_start3A_27, %dma_start3A_31] : memref<8x128xi32, #tpu.memory_space<vmem>> -> memref<1x128xi32, #tpu.memory_space<vmem>>
      %dma_start3A_33 = tpu.memref_squeeze %dma_start3A_32 : memref<1x128xi32, #tpu.memory_space<vmem>> -> memref<128xi32, #tpu.memory_space<vmem>>
      %dma_start3A_34 = arith.constant 0 : i32
      %dma_start3A_35 = arith.constant 0 : i32
      %dma_start3A_36 = tpu.memref_slice %arg4[%dma_start3A_34, %dma_start3A_35] : memref<200000x16xf32, #tpu.memory_space<hbm>> -> memref<200000x16xf32, #tpu.memory_space<hbm>>
      tpu.enqueue_indirect_dma source(%dma_start3A_36 : memref<200000x16xf32, #tpu.memory_space<hbm>>) target(%dma_start3A_30 : memref<128x16xf32, #tpu.memory_space<vmem>>) offsets(%dma_start3A_33 : memref<128xi32, #tpu.memory_space<vmem>>) semaphore(%arg11 : memref<!tpu.dma_semaphore, #tpu.memory_space<semaphore_mem>>)
      %dma_start3A_37 = arith.constant 3 : i32
      %dma_start3A_38 = arith.constant 384 : i32
      %dma_start3A_39 = arith.constant 0 : i32
      %dma_start3A_40 = tpu.memref_slice %arg9[%dma_start3A_38, %dma_start3A_39] : memref<1024x16xf32, #tpu.memory_space<vmem>> -> memref<128x16xf32, #tpu.memory_space<vmem>>
      %dma_start3A_41 = arith.constant 0 : i32
      %dma_start3A_42 = tpu.memref_slice %arg7[%dma_start3A_37, %dma_start3A_41] : memref<8x128xi32, #tpu.memory_space<vmem>> -> memref<1x128xi32, #tpu.memory_space<vmem>>
      %dma_start3A_43 = tpu.memref_squeeze %dma_start3A_42 : memref<1x128xi32, #tpu.memory_space<vmem>> -> memref<128xi32, #tpu.memory_space<vmem>>
      %dma_start3A_44 = arith.constant 0 : i32
      %dma_start3A_45 = arith.constant 0 : i32
      %dma_start3A_46 = tpu.memref_slice %arg4[%dma_start3A_44, %dma_start3A_45] : memref<200000x16xf32, #tpu.memory_space<hbm>> -> memref<200000x16xf32, #tpu.memory_space<hbm>>
      tpu.enqueue_indirect_dma source(%dma_start3A_46 : memref<200000x16xf32, #tpu.memory_space<hbm>>) target(%dma_start3A_40 : memref<128x16xf32, #tpu.memory_space<vmem>>) offsets(%dma_start3A_43 : memref<128xi32, #tpu.memory_space<vmem>>) semaphore(%arg11 : memref<!tpu.dma_semaphore, #tpu.memory_space<semaphore_mem>>)
      %dma_start3A_47 = arith.constant 4 : i32
      %dma_start3A_48 = arith.constant 512 : i32
      %dma_start3A_49 = arith.constant 0 : i32
      %dma_start3A_50 = tpu.memref_slice %arg9[%dma_start3A_48, %dma_start3A_49] : memref<1024x16xf32, #tpu.memory_space<vmem>> -> memref<128x16xf32, #tpu.memory_space<vmem>>
      %dma_start3A_51 = arith.constant 0 : i32
      %dma_start3A_52 = tpu.memref_slice %arg7[%dma_start3A_47, %dma_start3A_51] : memref<8x128xi32, #tpu.memory_space<vmem>> -> memref<1x128xi32, #tpu.memory_space<vmem>>
      %dma_start3A_53 = tpu.memref_squeeze %dma_start3A_52 : memref<1x128xi32, #tpu.memory_space<vmem>> -> memref<128xi32, #tpu.memory_space<vmem>>
      %dma_start3A_54 = arith.constant 0 : i32
      %dma_start3A_55 = arith.constant 0 : i32
      %dma_start3A_56 = tpu.memref_slice %arg4[%dma_start3A_54, %dma_start3A_55] : memref<200000x16xf32, #tpu.memory_space<hbm>> -> memref<200000x16xf32, #tpu.memory_space<hbm>>
      tpu.enqueue_indirect_dma source(%dma_start3A_56 : memref<200000x16xf32, #tpu.memory_space<hbm>>) target(%dma_start3A_50 : memref<128x16xf32, #tpu.memory_space<vmem>>) offsets(%dma_start3A_53 : memref<128xi32, #tpu.memory_space<vmem>>) semaphore(%arg11 : memref<!tpu.dma_semaphore, #tpu.memory_space<semaphore_mem>>)
      %dma_start3A_57 = arith.constant 5 : i32
      %dma_start3A_58 = arith.constant 640 : i32
      %dma_start3A_59 = arith.constant 0 : i32
      %dma_start3A_60 = tpu.memref_slice %arg9[%dma_start3A_58, %dma_start3A_59] : memref<1024x16xf32, #tpu.memory_space<vmem>> -> memref<128x16xf32, #tpu.memory_space<vmem>>
      %dma_start3A_61 = arith.constant 0 : i32
      %dma_start3A_62 = tpu.memref_slice %arg7[%dma_start3A_57, %dma_start3A_61] : memref<8x128xi32, #tpu.memory_space<vmem>> -> memref<1x128xi32, #tpu.memory_space<vmem>>
      %dma_start3A_63 = tpu.memref_squeeze %dma_start3A_62 : memref<1x128xi32, #tpu.memory_space<vmem>> -> memref<128xi32, #tpu.memory_space<vmem>>
      %dma_start3A_64 = arith.constant 0 : i32
      %dma_start3A_65 = arith.constant 0 : i32
      %dma_start3A_66 = tpu.memref_slice %arg4[%dma_start3A_64, %dma_start3A_65] : memref<200000x16xf32, #tpu.memory_space<hbm>> -> memref<200000x16xf32, #tpu.memory_space<hbm>>
      tpu.enqueue_indirect_dma source(%dma_start3A_66 : memref<200000x16xf32, #tpu.memory_space<hbm>>) target(%dma_start3A_60 : memref<128x16xf32, #tpu.memory_space<vmem>>) offsets(%dma_start3A_63 : memref<128xi32, #tpu.memory_space<vmem>>) semaphore(%arg11 : memref<!tpu.dma_semaphore, #tpu.memory_space<semaphore_mem>>)
      %dma_start3A_67 = arith.constant 6 : i32
      %dma_start3A_68 = arith.constant 768 : i32
      %dma_start3A_69 = arith.constant 0 : i32
      %dma_start3A_70 = tpu.memref_slice %arg9[%dma_start3A_68, %dma_start3A_69] : memref<1024x16xf32, #tpu.memory_space<vmem>> -> memref<128x16xf32, #tpu.memory_space<vmem>>
      %dma_start3A_71 = arith.constant 0 : i32
      %dma_start3A_72 = tpu.memref_slice %arg7[%dma_start3A_67, %dma_start3A_71] : memref<8x128xi32, #tpu.memory_space<vmem>> -> memref<1x128xi32, #tpu.memory_space<vmem>>
      %dma_start3A_73 = tpu.memref_squeeze %dma_start3A_72 : memref<1x128xi32, #tpu.memory_space<vmem>> -> memref<128xi32, #tpu.memory_space<vmem>>
      %dma_start3A_74 = arith.constant 0 : i32
      %dma_start3A_75 = arith.constant 0 : i32
      %dma_start3A_76 = tpu.memref_slice %arg4[%dma_start3A_74, %dma_start3A_75] : memref<200000x16xf32, #tpu.memory_space<hbm>> -> memref<200000x16xf32, #tpu.memory_space<hbm>>
      tpu.enqueue_indirect_dma source(%dma_start3A_76 : memref<200000x16xf32, #tpu.memory_space<hbm>>) target(%dma_start3A_70 : memref<128x16xf32, #tpu.memory_space<vmem>>) offsets(%dma_start3A_73 : memref<128xi32, #tpu.memory_space<vmem>>) semaphore(%arg11 : memref<!tpu.dma_semaphore, #tpu.memory_space<semaphore_mem>>)
      %dma_start3A_77 = arith.constant 7 : i32
      %dma_start3A_78 = arith.constant 896 : i32
      %dma_start3A_79 = arith.constant 0 : i32
      %dma_start3A_80 = tpu.memref_slice %arg9[%dma_start3A_78, %dma_start3A_79] : memref<1024x16xf32, #tpu.memory_space<vmem>> -> memref<128x16xf32, #tpu.memory_space<vmem>>
      %dma_start3A_81 = arith.constant 0 : i32
      %dma_start3A_82 = tpu.memref_slice %arg7[%dma_start3A_77, %dma_start3A_81] : memref<8x128xi32, #tpu.memory_space<vmem>> -> memref<1x128xi32, #tpu.memory_space<vmem>>
      %dma_start3A_83 = tpu.memref_squeeze %dma_start3A_82 : memref<1x128xi32, #tpu.memory_space<vmem>> -> memref<128xi32, #tpu.memory_space<vmem>>
      %dma_start3A_84 = arith.constant 0 : i32
      %dma_start3A_85 = arith.constant 0 : i32
      %dma_start3A_86 = tpu.memref_slice %arg4[%dma_start3A_84, %dma_start3A_85] : memref<200000x16xf32, #tpu.memory_space<hbm>> -> memref<200000x16xf32, #tpu.memory_space<hbm>>
      tpu.enqueue_indirect_dma source(%dma_start3A_86 : memref<200000x16xf32, #tpu.memory_space<hbm>>) target(%dma_start3A_80 : memref<128x16xf32, #tpu.memory_space<vmem>>) offsets(%dma_start3A_83 : memref<128xi32, #tpu.memory_space<vmem>>) semaphore(%arg11 : memref<!tpu.dma_semaphore, #tpu.memory_space<semaphore_mem>>)
      %dma_wait3A = arith.constant 0 : i32
      %dma_wait3A_87 = arith.constant 0 : i32
      %dma_wait3A_88 = arith.constant 0 : i32
      %dma_wait3A_89 = tpu.memref_slice %arg9[%dma_wait3A_87, %dma_wait3A_88] : memref<1024x16xf32, #tpu.memory_space<vmem>> -> memref<128x16xf32, #tpu.memory_space<vmem>>
      %dma_wait3A_90 = arith.constant 0 : i32
      %dma_wait3A_91 = tpu.memref_slice %arg7[%dma_wait3A, %dma_wait3A_90] : memref<8x128xi32, #tpu.memory_space<vmem>> -> memref<1x128xi32, #tpu.memory_space<vmem>>
      %dma_wait3A_92 = tpu.memref_squeeze %dma_wait3A_91 : memref<1x128xi32, #tpu.memory_space<vmem>> -> memref<128xi32, #tpu.memory_space<vmem>>
      %dma_wait3A_93 = arith.constant 0 : i32
      %dma_wait3A_94 = arith.constant 0 : i32
      %dma_wait3A_95 = tpu.memref_slice %arg4[%dma_wait3A_93, %dma_wait3A_94] : memref<200000x16xf32, #tpu.memory_space<hbm>> -> memref<200000x16xf32, #tpu.memory_space<hbm>>
      tpu.wait_indirect_dma semaphore(%arg11 : memref<!tpu.dma_semaphore, #tpu.memory_space<semaphore_mem>>) src(%dma_wait3A_95 : memref<200000x16xf32, #tpu.memory_space<hbm>>) dst(%dma_wait3A_89 : memref<128x16xf32, #tpu.memory_space<vmem>>)
      %dma_wait3A_96 = arith.constant 1 : i32
      %dma_wait3A_97 = arith.constant 128 : i32
      %dma_wait3A_98 = arith.constant 0 : i32
      %dma_wait3A_99 = tpu.memref_slice %arg9[%dma_wait3A_97, %dma_wait3A_98] : memref<1024x16xf32, #tpu.memory_space<vmem>> -> memref<128x16xf32, #tpu.memory_space<vmem>>
      %dma_wait3A_100 = arith.constant 0 : i32
      %dma_wait3A_101 = tpu.memref_slice %arg7[%dma_wait3A_96, %dma_wait3A_100] : memref<8x128xi32, #tpu.memory_space<vmem>> -> memref<1x128xi32, #tpu.memory_space<vmem>>
      %dma_wait3A_102 = tpu.memref_squeeze %dma_wait3A_101 : memref<1x128xi32, #tpu.memory_space<vmem>> -> memref<128xi32, #tpu.memory_space<vmem>>
      %dma_wait3A_103 = arith.constant 0 : i32
      %dma_wait3A_104 = arith.constant 0 : i32
      %dma_wait3A_105 = tpu.memref_slice %arg4[%dma_wait3A_103, %dma_wait3A_104] : memref<200000x16xf32, #tpu.memory_space<hbm>> -> memref<200000x16xf32, #tpu.memory_space<hbm>>
      tpu.wait_indirect_dma semaphore(%arg11 : memref<!tpu.dma_semaphore, #tpu.memory_space<semaphore_mem>>) src(%dma_wait3A_105 : memref<200000x16xf32, #tpu.memory_space<hbm>>) dst(%dma_wait3A_99 : memref<128x16xf32, #tpu.memory_space<vmem>>)
      %dma_wait3A_106 = arith.constant 2 : i32
      %dma_wait3A_107 = arith.constant 256 : i32
      %dma_wait3A_108 = arith.constant 0 : i32
      %dma_wait3A_109 = tpu.memref_slice %arg9[%dma_wait3A_107, %dma_wait3A_108] : memref<1024x16xf32, #tpu.memory_space<vmem>> -> memref<128x16xf32, #tpu.memory_space<vmem>>
      %dma_wait3A_110 = arith.constant 0 : i32
      %dma_wait3A_111 = tpu.memref_slice %arg7[%dma_wait3A_106, %dma_wait3A_110] : memref<8x128xi32, #tpu.memory_space<vmem>> -> memref<1x128xi32, #tpu.memory_space<vmem>>
      %dma_wait3A_112 = tpu.memref_squeeze %dma_wait3A_111 : memref<1x128xi32, #tpu.memory_space<vmem>> -> memref<128xi32, #tpu.memory_space<vmem>>
      %dma_wait3A_113 = arith.constant 0 : i32
      %dma_wait3A_114 = arith.constant 0 : i32
      %dma_wait3A_115 = tpu.memref_slice %arg4[%dma_wait3A_113, %dma_wait3A_114] : memref<200000x16xf32, #tpu.memory_space<hbm>> -> memref<200000x16xf32, #tpu.memory_space<hbm>>
      tpu.wait_indirect_dma semaphore(%arg11 : memref<!tpu.dma_semaphore, #tpu.memory_space<semaphore_mem>>) src(%dma_wait3A_115 : memref<200000x16xf32, #tpu.memory_space<hbm>>) dst(%dma_wait3A_109 : memref<128x16xf32, #tpu.memory_space<vmem>>)
      %dma_wait3A_116 = arith.constant 3 : i32
      %dma_wait3A_117 = arith.constant 384 : i32
      %dma_wait3A_118 = arith.constant 0 : i32
      %dma_wait3A_119 = tpu.memref_slice %arg9[%dma_wait3A_117, %dma_wait3A_118] : memref<1024x16xf32, #tpu.memory_space<vmem>> -> memref<128x16xf32, #tpu.memory_space<vmem>>
      %dma_wait3A_120 = arith.constant 0 : i32
      %dma_wait3A_121 = tpu.memref_slice %arg7[%dma_wait3A_116, %dma_wait3A_120] : memref<8x128xi32, #tpu.memory_space<vmem>> -> memref<1x128xi32, #tpu.memory_space<vmem>>
      %dma_wait3A_122 = tpu.memref_squeeze %dma_wait3A_121 : memref<1x128xi32, #tpu.memory_space<vmem>> -> memref<128xi32, #tpu.memory_space<vmem>>
      %dma_wait3A_123 = arith.constant 0 : i32
      %dma_wait3A_124 = arith.constant 0 : i32
      %dma_wait3A_125 = tpu.memref_slice %arg4[%dma_wait3A_123, %dma_wait3A_124] : memref<200000x16xf32, #tpu.memory_space<hbm>> -> memref<200000x16xf32, #tpu.memory_space<hbm>>
      tpu.wait_indirect_dma semaphore(%arg11 : memref<!tpu.dma_semaphore, #tpu.memory_space<semaphore_mem>>) src(%dma_wait3A_125 : memref<200000x16xf32, #tpu.memory_space<hbm>>) dst(%dma_wait3A_119 : memref<128x16xf32, #tpu.memory_space<vmem>>)
      %dma_wait3A_126 = arith.constant 4 : i32
      %dma_wait3A_127 = arith.constant 512 : i32
      %dma_wait3A_128 = arith.constant 0 : i32
      %dma_wait3A_129 = tpu.memref_slice %arg9[%dma_wait3A_127, %dma_wait3A_128] : memref<1024x16xf32, #tpu.memory_space<vmem>> -> memref<128x16xf32, #tpu.memory_space<vmem>>
      %dma_wait3A_130 = arith.constant 0 : i32
      %dma_wait3A_131 = tpu.memref_slice %arg7[%dma_wait3A_126, %dma_wait3A_130] : memref<8x128xi32, #tpu.memory_space<vmem>> -> memref<1x128xi32, #tpu.memory_space<vmem>>
      %dma_wait3A_132 = tpu.memref_squeeze %dma_wait3A_131 : memref<1x128xi32, #tpu.memory_space<vmem>> -> memref<128xi32, #tpu.memory_space<vmem>>
      %dma_wait3A_133 = arith.constant 0 : i32
      %dma_wait3A_134 = arith.constant 0 : i32
      %dma_wait3A_135 = tpu.memref_slice %arg4[%dma_wait3A_133, %dma_wait3A_134] : memref<200000x16xf32, #tpu.memory_space<hbm>> -> memref<200000x16xf32, #tpu.memory_space<hbm>>
      tpu.wait_indirect_dma semaphore(%arg11 : memref<!tpu.dma_semaphore, #tpu.memory_space<semaphore_mem>>) src(%dma_wait3A_135 : memref<200000x16xf32, #tpu.memory_space<hbm>>) dst(%dma_wait3A_129 : memref<128x16xf32, #tpu.memory_space<vmem>>)
      %dma_wait3A_136 = arith.constant 5 : i32
      %dma_wait3A_137 = arith.constant 640 : i32
      %dma_wait3A_138 = arith.constant 0 : i32
      %dma_wait3A_139 = tpu.memref_slice %arg9[%dma_wait3A_137, %dma_wait3A_138] : memref<1024x16xf32, #tpu.memory_space<vmem>> -> memref<128x16xf32, #tpu.memory_space<vmem>>
      %dma_wait3A_140 = arith.constant 0 : i32
      %dma_wait3A_141 = tpu.memref_slice %arg7[%dma_wait3A_136, %dma_wait3A_140] : memref<8x128xi32, #tpu.memory_space<vmem>> -> memref<1x128xi32, #tpu.memory_space<vmem>>
      %dma_wait3A_142 = tpu.memref_squeeze %dma_wait3A_141 : memref<1x128xi32, #tpu.memory_space<vmem>> -> memref<128xi32, #tpu.memory_space<vmem>>
      %dma_wait3A_143 = arith.constant 0 : i32
      %dma_wait3A_144 = arith.constant 0 : i32
      %dma_wait3A_145 = tpu.memref_slice %arg4[%dma_wait3A_143, %dma_wait3A_144] : memref<200000x16xf32, #tpu.memory_space<hbm>> -> memref<200000x16xf32, #tpu.memory_space<hbm>>
      tpu.wait_indirect_dma semaphore(%arg11 : memref<!tpu.dma_semaphore, #tpu.memory_space<semaphore_mem>>) src(%dma_wait3A_145 : memref<200000x16xf32, #tpu.memory_space<hbm>>) dst(%dma_wait3A_139 : memref<128x16xf32, #tpu.memory_space<vmem>>)
      %dma_wait3A_146 = arith.constant 6 : i32
      %dma_wait3A_147 = arith.constant 768 : i32
      %dma_wait3A_148 = arith.constant 0 : i32
      %dma_wait3A_149 = tpu.memref_slice %arg9[%dma_wait3A_147, %dma_wait3A_148] : memref<1024x16xf32, #tpu.memory_space<vmem>> -> memref<128x16xf32, #tpu.memory_space<vmem>>
      %dma_wait3A_150 = arith.constant 0 : i32
      %dma_wait3A_151 = tpu.memref_slice %arg7[%dma_wait3A_146, %dma_wait3A_150] : memref<8x128xi32, #tpu.memory_space<vmem>> -> memref<1x128xi32, #tpu.memory_space<vmem>>
      %dma_wait3A_152 = tpu.memref_squeeze %dma_wait3A_151 : memref<1x128xi32, #tpu.memory_space<vmem>> -> memref<128xi32, #tpu.memory_space<vmem>>
      %dma_wait3A_153 = arith.constant 0 : i32
      %dma_wait3A_154 = arith.constant 0 : i32
      %dma_wait3A_155 = tpu.memref_slice %arg4[%dma_wait3A_153, %dma_wait3A_154] : memref<200000x16xf32, #tpu.memory_space<hbm>> -> memref<200000x16xf32, #tpu.memory_space<hbm>>
      tpu.wait_indirect_dma semaphore(%arg11 : memref<!tpu.dma_semaphore, #tpu.memory_space<semaphore_mem>>) src(%dma_wait3A_155 : memref<200000x16xf32, #tpu.memory_space<hbm>>) dst(%dma_wait3A_149 : memref<128x16xf32, #tpu.memory_space<vmem>>)
      %dma_wait3A_156 = arith.constant 7 : i32
      %dma_wait3A_157 = arith.constant 896 : i32
      %dma_wait3A_158 = arith.constant 0 : i32
      %dma_wait3A_159 = tpu.memref_slice %arg9[%dma_wait3A_157, %dma_wait3A_158] : memref<1024x16xf32, #tpu.memory_space<vmem>> -> memref<128x16xf32, #tpu.memory_space<vmem>>
      %dma_wait3A_160 = arith.constant 0 : i32
      %dma_wait3A_161 = tpu.memref_slice %arg7[%dma_wait3A_156, %dma_wait3A_160] : memref<8x128xi32, #tpu.memory_space<vmem>> -> memref<1x128xi32, #tpu.memory_space<vmem>>
      %dma_wait3A_162 = tpu.memref_squeeze %dma_wait3A_161 : memref<1x128xi32, #tpu.memory_space<vmem>> -> memref<128xi32, #tpu.memory_space<vmem>>
      %dma_wait3A_163 = arith.constant 0 : i32
      %dma_wait3A_164 = arith.constant 0 : i32
      %dma_wait3A_165 = tpu.memref_slice %arg4[%dma_wait3A_163, %dma_wait3A_164] : memref<200000x16xf32, #tpu.memory_space<hbm>> -> memref<200000x16xf32, #tpu.memory_space<hbm>>
      tpu.wait_indirect_dma semaphore(%arg11 : memref<!tpu.dma_semaphore, #tpu.memory_space<semaphore_mem>>) src(%dma_wait3A_165 : memref<200000x16xf32, #tpu.memory_space<hbm>>) dst(%dma_wait3A_159 : memref<128x16xf32, #tpu.memory_space<vmem>>)
      %run_scoped3A = arith.constant 0 : i32
      "tpu.region"() ({
        %run_scoped3A_173 = tpu.sem_alloc : memref<!tpu.dma_semaphore, #tpu.memory_space<semaphore_mem>>
        %dma_start3A_174 = arith.constant 0 : i32
        %dma_start3A_175 = arith.constant 0 : i32
        %dma_start3A_176 = tpu.memref_slice %arg9[%dma_start3A_174, %dma_start3A_175] : memref<1024x16xf32, #tpu.memory_space<vmem>> -> memref<128x16xf32, #tpu.memory_space<vmem>>
        %dma_start3A_177 = arith.constant 0 : i32
        %dma_start3A_178 = tpu.memref_slice %arg8[%run_scoped3A, %dma_start3A_177] : memref<8x128xi32, #tpu.memory_space<vmem>> -> memref<1x128xi32, #tpu.memory_space<vmem>>
        %dma_start3A_179 = tpu.memref_squeeze %dma_start3A_178 : memref<1x128xi32, #tpu.memory_space<vmem>> -> memref<128xi32, #tpu.memory_space<vmem>>
        %dma_start3A_180 = arith.constant 0 : i32
        %dma_start3A_181 = arith.constant 0 : i32
        %dma_start3A_182 = tpu.memref_slice %arg10[%dma_start3A_180, %dma_start3A_181] : memref<100096x16xf32, #tpu.memory_space<vmem_shared>> -> memref<100096x16xf32, #tpu.memory_space<vmem_shared>>
        tpu.enqueue_indirect_dma source(%dma_start3A_176 : memref<128x16xf32, #tpu.memory_space<vmem>>) target(%dma_start3A_182 : memref<100096x16xf32, #tpu.memory_space<vmem_shared>>) offsets(%dma_start3A_179 : memref<128xi32, #tpu.memory_space<vmem>>) semaphore(%run_scoped3A_173 : memref<!tpu.dma_semaphore, #tpu.memory_space<semaphore_mem>>) {add = true}
        %dma_wait3A_183 = arith.constant 0 : i32
        %dma_wait3A_184 = arith.constant 0 : i32
        %dma_wait3A_185 = tpu.memref_slice %arg9[%dma_wait3A_183, %dma_wait3A_184] : memref<1024x16xf32, #tpu.memory_space<vmem>> -> memref<128x16xf32, #tpu.memory_space<vmem>>
        %dma_wait3A_186 = arith.constant 0 : i32
        %dma_wait3A_187 = tpu.memref_slice %arg8[%run_scoped3A, %dma_wait3A_186] : memref<8x128xi32, #tpu.memory_space<vmem>> -> memref<1x128xi32, #tpu.memory_space<vmem>>
        %dma_wait3A_188 = tpu.memref_squeeze %dma_wait3A_187 : memref<1x128xi32, #tpu.memory_space<vmem>> -> memref<128xi32, #tpu.memory_space<vmem>>
        %dma_wait3A_189 = arith.constant 0 : i32
        %dma_wait3A_190 = arith.constant 0 : i32
        %dma_wait3A_191 = tpu.memref_slice %arg10[%dma_wait3A_189, %dma_wait3A_190] : memref<100096x16xf32, #tpu.memory_space<vmem_shared>> -> memref<100096x16xf32, #tpu.memory_space<vmem_shared>>
        tpu.wait_indirect_dma semaphore(%run_scoped3A_173 : memref<!tpu.dma_semaphore, #tpu.memory_space<semaphore_mem>>) src(%dma_wait3A_185 : memref<128x16xf32, #tpu.memory_space<vmem>>) dst(%dma_wait3A_191 : memref<100096x16xf32, #tpu.memory_space<vmem_shared>>)
        tpu.yield
      }) : () -> ()
      %run_scoped3A_166 = arith.constant 1 : i32
      "tpu.region"() ({
        %run_scoped3A_173 = tpu.sem_alloc : memref<!tpu.dma_semaphore, #tpu.memory_space<semaphore_mem>>
        %dma_start3A_174 = arith.constant 128 : i32
        %dma_start3A_175 = arith.constant 0 : i32
        %dma_start3A_176 = tpu.memref_slice %arg9[%dma_start3A_174, %dma_start3A_175] : memref<1024x16xf32, #tpu.memory_space<vmem>> -> memref<128x16xf32, #tpu.memory_space<vmem>>
        %dma_start3A_177 = arith.constant 0 : i32
        %dma_start3A_178 = tpu.memref_slice %arg8[%run_scoped3A_166, %dma_start3A_177] : memref<8x128xi32, #tpu.memory_space<vmem>> -> memref<1x128xi32, #tpu.memory_space<vmem>>
        %dma_start3A_179 = tpu.memref_squeeze %dma_start3A_178 : memref<1x128xi32, #tpu.memory_space<vmem>> -> memref<128xi32, #tpu.memory_space<vmem>>
        %dma_start3A_180 = arith.constant 0 : i32
        %dma_start3A_181 = arith.constant 0 : i32
        %dma_start3A_182 = tpu.memref_slice %arg10[%dma_start3A_180, %dma_start3A_181] : memref<100096x16xf32, #tpu.memory_space<vmem_shared>> -> memref<100096x16xf32, #tpu.memory_space<vmem_shared>>
        tpu.enqueue_indirect_dma source(%dma_start3A_176 : memref<128x16xf32, #tpu.memory_space<vmem>>) target(%dma_start3A_182 : memref<100096x16xf32, #tpu.memory_space<vmem_shared>>) offsets(%dma_start3A_179 : memref<128xi32, #tpu.memory_space<vmem>>) semaphore(%run_scoped3A_173 : memref<!tpu.dma_semaphore, #tpu.memory_space<semaphore_mem>>) {add = true}
        %dma_wait3A_183 = arith.constant 128 : i32
        %dma_wait3A_184 = arith.constant 0 : i32
        %dma_wait3A_185 = tpu.memref_slice %arg9[%dma_wait3A_183, %dma_wait3A_184] : memref<1024x16xf32, #tpu.memory_space<vmem>> -> memref<128x16xf32, #tpu.memory_space<vmem>>
        %dma_wait3A_186 = arith.constant 0 : i32
        %dma_wait3A_187 = tpu.memref_slice %arg8[%run_scoped3A_166, %dma_wait3A_186] : memref<8x128xi32, #tpu.memory_space<vmem>> -> memref<1x128xi32, #tpu.memory_space<vmem>>
        %dma_wait3A_188 = tpu.memref_squeeze %dma_wait3A_187 : memref<1x128xi32, #tpu.memory_space<vmem>> -> memref<128xi32, #tpu.memory_space<vmem>>
        %dma_wait3A_189 = arith.constant 0 : i32
        %dma_wait3A_190 = arith.constant 0 : i32
        %dma_wait3A_191 = tpu.memref_slice %arg10[%dma_wait3A_189, %dma_wait3A_190] : memref<100096x16xf32, #tpu.memory_space<vmem_shared>> -> memref<100096x16xf32, #tpu.memory_space<vmem_shared>>
        tpu.wait_indirect_dma semaphore(%run_scoped3A_173 : memref<!tpu.dma_semaphore, #tpu.memory_space<semaphore_mem>>) src(%dma_wait3A_185 : memref<128x16xf32, #tpu.memory_space<vmem>>) dst(%dma_wait3A_191 : memref<100096x16xf32, #tpu.memory_space<vmem_shared>>)
        tpu.yield
      }) : () -> ()
      %run_scoped3A_167 = arith.constant 2 : i32
      "tpu.region"() ({
        %run_scoped3A_173 = tpu.sem_alloc : memref<!tpu.dma_semaphore, #tpu.memory_space<semaphore_mem>>
        %dma_start3A_174 = arith.constant 256 : i32
        %dma_start3A_175 = arith.constant 0 : i32
        %dma_start3A_176 = tpu.memref_slice %arg9[%dma_start3A_174, %dma_start3A_175] : memref<1024x16xf32, #tpu.memory_space<vmem>> -> memref<128x16xf32, #tpu.memory_space<vmem>>
        %dma_start3A_177 = arith.constant 0 : i32
        %dma_start3A_178 = tpu.memref_slice %arg8[%run_scoped3A_167, %dma_start3A_177] : memref<8x128xi32, #tpu.memory_space<vmem>> -> memref<1x128xi32, #tpu.memory_space<vmem>>
        %dma_start3A_179 = tpu.memref_squeeze %dma_start3A_178 : memref<1x128xi32, #tpu.memory_space<vmem>> -> memref<128xi32, #tpu.memory_space<vmem>>
        %dma_start3A_180 = arith.constant 0 : i32
        %dma_start3A_181 = arith.constant 0 : i32
        %dma_start3A_182 = tpu.memref_slice %arg10[%dma_start3A_180, %dma_start3A_181] : memref<100096x16xf32, #tpu.memory_space<vmem_shared>> -> memref<100096x16xf32, #tpu.memory_space<vmem_shared>>
        tpu.enqueue_indirect_dma source(%dma_start3A_176 : memref<128x16xf32, #tpu.memory_space<vmem>>) target(%dma_start3A_182 : memref<100096x16xf32, #tpu.memory_space<vmem_shared>>) offsets(%dma_start3A_179 : memref<128xi32, #tpu.memory_space<vmem>>) semaphore(%run_scoped3A_173 : memref<!tpu.dma_semaphore, #tpu.memory_space<semaphore_mem>>) {add = true}
        %dma_wait3A_183 = arith.constant 256 : i32
        %dma_wait3A_184 = arith.constant 0 : i32
        %dma_wait3A_185 = tpu.memref_slice %arg9[%dma_wait3A_183, %dma_wait3A_184] : memref<1024x16xf32, #tpu.memory_space<vmem>> -> memref<128x16xf32, #tpu.memory_space<vmem>>
        %dma_wait3A_186 = arith.constant 0 : i32
        %dma_wait3A_187 = tpu.memref_slice %arg8[%run_scoped3A_167, %dma_wait3A_186] : memref<8x128xi32, #tpu.memory_space<vmem>> -> memref<1x128xi32, #tpu.memory_space<vmem>>
        %dma_wait3A_188 = tpu.memref_squeeze %dma_wait3A_187 : memref<1x128xi32, #tpu.memory_space<vmem>> -> memref<128xi32, #tpu.memory_space<vmem>>
        %dma_wait3A_189 = arith.constant 0 : i32
        %dma_wait3A_190 = arith.constant 0 : i32
        %dma_wait3A_191 = tpu.memref_slice %arg10[%dma_wait3A_189, %dma_wait3A_190] : memref<100096x16xf32, #tpu.memory_space<vmem_shared>> -> memref<100096x16xf32, #tpu.memory_space<vmem_shared>>
        tpu.wait_indirect_dma semaphore(%run_scoped3A_173 : memref<!tpu.dma_semaphore, #tpu.memory_space<semaphore_mem>>) src(%dma_wait3A_185 : memref<128x16xf32, #tpu.memory_space<vmem>>) dst(%dma_wait3A_191 : memref<100096x16xf32, #tpu.memory_space<vmem_shared>>)
        tpu.yield
      }) : () -> ()
      %run_scoped3A_168 = arith.constant 3 : i32
      "tpu.region"() ({
        %run_scoped3A_173 = tpu.sem_alloc : memref<!tpu.dma_semaphore, #tpu.memory_space<semaphore_mem>>
        %dma_start3A_174 = arith.constant 384 : i32
        %dma_start3A_175 = arith.constant 0 : i32
        %dma_start3A_176 = tpu.memref_slice %arg9[%dma_start3A_174, %dma_start3A_175] : memref<1024x16xf32, #tpu.memory_space<vmem>> -> memref<128x16xf32, #tpu.memory_space<vmem>>
        %dma_start3A_177 = arith.constant 0 : i32
        %dma_start3A_178 = tpu.memref_slice %arg8[%run_scoped3A_168, %dma_start3A_177] : memref<8x128xi32, #tpu.memory_space<vmem>> -> memref<1x128xi32, #tpu.memory_space<vmem>>
        %dma_start3A_179 = tpu.memref_squeeze %dma_start3A_178 : memref<1x128xi32, #tpu.memory_space<vmem>> -> memref<128xi32, #tpu.memory_space<vmem>>
        %dma_start3A_180 = arith.constant 0 : i32
        %dma_start3A_181 = arith.constant 0 : i32
        %dma_start3A_182 = tpu.memref_slice %arg10[%dma_start3A_180, %dma_start3A_181] : memref<100096x16xf32, #tpu.memory_space<vmem_shared>> -> memref<100096x16xf32, #tpu.memory_space<vmem_shared>>
        tpu.enqueue_indirect_dma source(%dma_start3A_176 : memref<128x16xf32, #tpu.memory_space<vmem>>) target(%dma_start3A_182 : memref<100096x16xf32, #tpu.memory_space<vmem_shared>>) offsets(%dma_start3A_179 : memref<128xi32, #tpu.memory_space<vmem>>) semaphore(%run_scoped3A_173 : memref<!tpu.dma_semaphore, #tpu.memory_space<semaphore_mem>>) {add = true}
        %dma_wait3A_183 = arith.constant 384 : i32
        %dma_wait3A_184 = arith.constant 0 : i32
        %dma_wait3A_185 = tpu.memref_slice %arg9[%dma_wait3A_183, %dma_wait3A_184] : memref<1024x16xf32, #tpu.memory_space<vmem>> -> memref<128x16xf32, #tpu.memory_space<vmem>>
        %dma_wait3A_186 = arith.constant 0 : i32
        %dma_wait3A_187 = tpu.memref_slice %arg8[%run_scoped3A_168, %dma_wait3A_186] : memref<8x128xi32, #tpu.memory_space<vmem>> -> memref<1x128xi32, #tpu.memory_space<vmem>>
        %dma_wait3A_188 = tpu.memref_squeeze %dma_wait3A_187 : memref<1x128xi32, #tpu.memory_space<vmem>> -> memref<128xi32, #tpu.memory_space<vmem>>
        %dma_wait3A_189 = arith.constant 0 : i32
        %dma_wait3A_190 = arith.constant 0 : i32
        %dma_wait3A_191 = tpu.memref_slice %arg10[%dma_wait3A_189, %dma_wait3A_190] : memref<100096x16xf32, #tpu.memory_space<vmem_shared>> -> memref<100096x16xf32, #tpu.memory_space<vmem_shared>>
        tpu.wait_indirect_dma semaphore(%run_scoped3A_173 : memref<!tpu.dma_semaphore, #tpu.memory_space<semaphore_mem>>) src(%dma_wait3A_185 : memref<128x16xf32, #tpu.memory_space<vmem>>) dst(%dma_wait3A_191 : memref<100096x16xf32, #tpu.memory_space<vmem_shared>>)
        tpu.yield
      }) : () -> ()
      %run_scoped3A_169 = arith.constant 4 : i32
      "tpu.region"() ({
        %run_scoped3A_173 = tpu.sem_alloc : memref<!tpu.dma_semaphore, #tpu.memory_space<semaphore_mem>>
        %dma_start3A_174 = arith.constant 512 : i32
        %dma_start3A_175 = arith.constant 0 : i32
        %dma_start3A_176 = tpu.memref_slice %arg9[%dma_start3A_174, %dma_start3A_175] : memref<1024x16xf32, #tpu.memory_space<vmem>> -> memref<128x16xf32, #tpu.memory_space<vmem>>
        %dma_start3A_177 = arith.constant 0 : i32
        %dma_start3A_178 = tpu.memref_slice %arg8[%run_scoped3A_169, %dma_start3A_177] : memref<8x128xi32, #tpu.memory_space<vmem>> -> memref<1x128xi32, #tpu.memory_space<vmem>>
        %dma_start3A_179 = tpu.memref_squeeze %dma_start3A_178 : memref<1x128xi32, #tpu.memory_space<vmem>> -> memref<128xi32, #tpu.memory_space<vmem>>
        %dma_start3A_180 = arith.constant 0 : i32
        %dma_start3A_181 = arith.constant 0 : i32
        %dma_start3A_182 = tpu.memref_slice %arg10[%dma_start3A_180, %dma_start3A_181] : memref<100096x16xf32, #tpu.memory_space<vmem_shared>> -> memref<100096x16xf32, #tpu.memory_space<vmem_shared>>
        tpu.enqueue_indirect_dma source(%dma_start3A_176 : memref<128x16xf32, #tpu.memory_space<vmem>>) target(%dma_start3A_182 : memref<100096x16xf32, #tpu.memory_space<vmem_shared>>) offsets(%dma_start3A_179 : memref<128xi32, #tpu.memory_space<vmem>>) semaphore(%run_scoped3A_173 : memref<!tpu.dma_semaphore, #tpu.memory_space<semaphore_mem>>) {add = true}
        %dma_wait3A_183 = arith.constant 512 : i32
        %dma_wait3A_184 = arith.constant 0 : i32
        %dma_wait3A_185 = tpu.memref_slice %arg9[%dma_wait3A_183, %dma_wait3A_184] : memref<1024x16xf32, #tpu.memory_space<vmem>> -> memref<128x16xf32, #tpu.memory_space<vmem>>
        %dma_wait3A_186 = arith.constant 0 : i32
        %dma_wait3A_187 = tpu.memref_slice %arg8[%run_scoped3A_169, %dma_wait3A_186] : memref<8x128xi32, #tpu.memory_space<vmem>> -> memref<1x128xi32, #tpu.memory_space<vmem>>
        %dma_wait3A_188 = tpu.memref_squeeze %dma_wait3A_187 : memref<1x128xi32, #tpu.memory_space<vmem>> -> memref<128xi32, #tpu.memory_space<vmem>>
        %dma_wait3A_189 = arith.constant 0 : i32
        %dma_wait3A_190 = arith.constant 0 : i32
        %dma_wait3A_191 = tpu.memref_slice %arg10[%dma_wait3A_189, %dma_wait3A_190] : memref<100096x16xf32, #tpu.memory_space<vmem_shared>> -> memref<100096x16xf32, #tpu.memory_space<vmem_shared>>
        tpu.wait_indirect_dma semaphore(%run_scoped3A_173 : memref<!tpu.dma_semaphore, #tpu.memory_space<semaphore_mem>>) src(%dma_wait3A_185 : memref<128x16xf32, #tpu.memory_space<vmem>>) dst(%dma_wait3A_191 : memref<100096x16xf32, #tpu.memory_space<vmem_shared>>)
        tpu.yield
      }) : () -> ()
      %run_scoped3A_170 = arith.constant 5 : i32
      "tpu.region"() ({
        %run_scoped3A_173 = tpu.sem_alloc : memref<!tpu.dma_semaphore, #tpu.memory_space<semaphore_mem>>
        %dma_start3A_174 = arith.constant 640 : i32
        %dma_start3A_175 = arith.constant 0 : i32
        %dma_start3A_176 = tpu.memref_slice %arg9[%dma_start3A_174, %dma_start3A_175] : memref<1024x16xf32, #tpu.memory_space<vmem>> -> memref<128x16xf32, #tpu.memory_space<vmem>>
        %dma_start3A_177 = arith.constant 0 : i32
        %dma_start3A_178 = tpu.memref_slice %arg8[%run_scoped3A_170, %dma_start3A_177] : memref<8x128xi32, #tpu.memory_space<vmem>> -> memref<1x128xi32, #tpu.memory_space<vmem>>
        %dma_start3A_179 = tpu.memref_squeeze %dma_start3A_178 : memref<1x128xi32, #tpu.memory_space<vmem>> -> memref<128xi32, #tpu.memory_space<vmem>>
        %dma_start3A_180 = arith.constant 0 : i32
        %dma_start3A_181 = arith.constant 0 : i32
        %dma_start3A_182 = tpu.memref_slice %arg10[%dma_start3A_180, %dma_start3A_181] : memref<100096x16xf32, #tpu.memory_space<vmem_shared>> -> memref<100096x16xf32, #tpu.memory_space<vmem_shared>>
        tpu.enqueue_indirect_dma source(%dma_start3A_176 : memref<128x16xf32, #tpu.memory_space<vmem>>) target(%dma_start3A_182 : memref<100096x16xf32, #tpu.memory_space<vmem_shared>>) offsets(%dma_start3A_179 : memref<128xi32, #tpu.memory_space<vmem>>) semaphore(%run_scoped3A_173 : memref<!tpu.dma_semaphore, #tpu.memory_space<semaphore_mem>>) {add = true}
        %dma_wait3A_183 = arith.constant 640 : i32
        %dma_wait3A_184 = arith.constant 0 : i32
        %dma_wait3A_185 = tpu.memref_slice %arg9[%dma_wait3A_183, %dma_wait3A_184] : memref<1024x16xf32, #tpu.memory_space<vmem>> -> memref<128x16xf32, #tpu.memory_space<vmem>>
        %dma_wait3A_186 = arith.constant 0 : i32
        %dma_wait3A_187 = tpu.memref_slice %arg8[%run_scoped3A_170, %dma_wait3A_186] : memref<8x128xi32, #tpu.memory_space<vmem>> -> memref<1x128xi32, #tpu.memory_space<vmem>>
        %dma_wait3A_188 = tpu.memref_squeeze %dma_wait3A_187 : memref<1x128xi32, #tpu.memory_space<vmem>> -> memref<128xi32, #tpu.memory_space<vmem>>
        %dma_wait3A_189 = arith.constant 0 : i32
        %dma_wait3A_190 = arith.constant 0 : i32
        %dma_wait3A_191 = tpu.memref_slice %arg10[%dma_wait3A_189, %dma_wait3A_190] : memref<100096x16xf32, #tpu.memory_space<vmem_shared>> -> memref<100096x16xf32, #tpu.memory_space<vmem_shared>>
        tpu.wait_indirect_dma semaphore(%run_scoped3A_173 : memref<!tpu.dma_semaphore, #tpu.memory_space<semaphore_mem>>) src(%dma_wait3A_185 : memref<128x16xf32, #tpu.memory_space<vmem>>) dst(%dma_wait3A_191 : memref<100096x16xf32, #tpu.memory_space<vmem_shared>>)
        tpu.yield
      }) : () -> ()
      %run_scoped3A_171 = arith.constant 6 : i32
      "tpu.region"() ({
        %run_scoped3A_173 = tpu.sem_alloc : memref<!tpu.dma_semaphore, #tpu.memory_space<semaphore_mem>>
        %dma_start3A_174 = arith.constant 768 : i32
        %dma_start3A_175 = arith.constant 0 : i32
        %dma_start3A_176 = tpu.memref_slice %arg9[%dma_start3A_174, %dma_start3A_175] : memref<1024x16xf32, #tpu.memory_space<vmem>> -> memref<128x16xf32, #tpu.memory_space<vmem>>
        %dma_start3A_177 = arith.constant 0 : i32
        %dma_start3A_178 = tpu.memref_slice %arg8[%run_scoped3A_171, %dma_start3A_177] : memref<8x128xi32, #tpu.memory_space<vmem>> -> memref<1x128xi32, #tpu.memory_space<vmem>>
        %dma_start3A_179 = tpu.memref_squeeze %dma_start3A_178 : memref<1x128xi32, #tpu.memory_space<vmem>> -> memref<128xi32, #tpu.memory_space<vmem>>
        %dma_start3A_180 = arith.constant 0 : i32
        %dma_start3A_181 = arith.constant 0 : i32
        %dma_start3A_182 = tpu.memref_slice %arg10[%dma_start3A_180, %dma_start3A_181] : memref<100096x16xf32, #tpu.memory_space<vmem_shared>> -> memref<100096x16xf32, #tpu.memory_space<vmem_shared>>
        tpu.enqueue_indirect_dma source(%dma_start3A_176 : memref<128x16xf32, #tpu.memory_space<vmem>>) target(%dma_start3A_182 : memref<100096x16xf32, #tpu.memory_space<vmem_shared>>) offsets(%dma_start3A_179 : memref<128xi32, #tpu.memory_space<vmem>>) semaphore(%run_scoped3A_173 : memref<!tpu.dma_semaphore, #tpu.memory_space<semaphore_mem>>) {add = true}
        %dma_wait3A_183 = arith.constant 768 : i32
        %dma_wait3A_184 = arith.constant 0 : i32
        %dma_wait3A_185 = tpu.memref_slice %arg9[%dma_wait3A_183, %dma_wait3A_184] : memref<1024x16xf32, #tpu.memory_space<vmem>> -> memref<128x16xf32, #tpu.memory_space<vmem>>
        %dma_wait3A_186 = arith.constant 0 : i32
        %dma_wait3A_187 = tpu.memref_slice %arg8[%run_scoped3A_171, %dma_wait3A_186] : memref<8x128xi32, #tpu.memory_space<vmem>> -> memref<1x128xi32, #tpu.memory_space<vmem>>
        %dma_wait3A_188 = tpu.memref_squeeze %dma_wait3A_187 : memref<1x128xi32, #tpu.memory_space<vmem>> -> memref<128xi32, #tpu.memory_space<vmem>>
        %dma_wait3A_189 = arith.constant 0 : i32
        %dma_wait3A_190 = arith.constant 0 : i32
        %dma_wait3A_191 = tpu.memref_slice %arg10[%dma_wait3A_189, %dma_wait3A_190] : memref<100096x16xf32, #tpu.memory_space<vmem_shared>> -> memref<100096x16xf32, #tpu.memory_space<vmem_shared>>
        tpu.wait_indirect_dma semaphore(%run_scoped3A_173 : memref<!tpu.dma_semaphore, #tpu.memory_space<semaphore_mem>>) src(%dma_wait3A_185 : memref<128x16xf32, #tpu.memory_space<vmem>>) dst(%dma_wait3A_191 : memref<100096x16xf32, #tpu.memory_space<vmem_shared>>)
        tpu.yield
      }) : () -> ()
      %run_scoped3A_172 = arith.constant 7 : i32
      "tpu.region"() ({
        %run_scoped3A_173 = tpu.sem_alloc : memref<!tpu.dma_semaphore, #tpu.memory_space<semaphore_mem>>
        %dma_start3A_174 = arith.constant 896 : i32
        %dma_start3A_175 = arith.constant 0 : i32
        %dma_start3A_176 = tpu.memref_slice %arg9[%dma_start3A_174, %dma_start3A_175] : memref<1024x16xf32, #tpu.memory_space<vmem>> -> memref<128x16xf32, #tpu.memory_space<vmem>>
        %dma_start3A_177 = arith.constant 0 : i32
        %dma_start3A_178 = tpu.memref_slice %arg8[%run_scoped3A_172, %dma_start3A_177] : memref<8x128xi32, #tpu.memory_space<vmem>> -> memref<1x128xi32, #tpu.memory_space<vmem>>
        %dma_start3A_179 = tpu.memref_squeeze %dma_start3A_178 : memref<1x128xi32, #tpu.memory_space<vmem>> -> memref<128xi32, #tpu.memory_space<vmem>>
        %dma_start3A_180 = arith.constant 0 : i32
        %dma_start3A_181 = arith.constant 0 : i32
        %dma_start3A_182 = tpu.memref_slice %arg10[%dma_start3A_180, %dma_start3A_181] : memref<100096x16xf32, #tpu.memory_space<vmem_shared>> -> memref<100096x16xf32, #tpu.memory_space<vmem_shared>>
        tpu.enqueue_indirect_dma source(%dma_start3A_176 : memref<128x16xf32, #tpu.memory_space<vmem>>) target(%dma_start3A_182 : memref<100096x16xf32, #tpu.memory_space<vmem_shared>>) offsets(%dma_start3A_179 : memref<128xi32, #tpu.memory_space<vmem>>) semaphore(%run_scoped3A_173 : memref<!tpu.dma_semaphore, #tpu.memory_space<semaphore_mem>>) {add = true}
        %dma_wait3A_183 = arith.constant 896 : i32
        %dma_wait3A_184 = arith.constant 0 : i32
        %dma_wait3A_185 = tpu.memref_slice %arg9[%dma_wait3A_183, %dma_wait3A_184] : memref<1024x16xf32, #tpu.memory_space<vmem>> -> memref<128x16xf32, #tpu.memory_space<vmem>>
        %dma_wait3A_186 = arith.constant 0 : i32
        %dma_wait3A_187 = tpu.memref_slice %arg8[%run_scoped3A_172, %dma_wait3A_186] : memref<8x128xi32, #tpu.memory_space<vmem>> -> memref<1x128xi32, #tpu.memory_space<vmem>>
        %dma_wait3A_188 = tpu.memref_squeeze %dma_wait3A_187 : memref<1x128xi32, #tpu.memory_space<vmem>> -> memref<128xi32, #tpu.memory_space<vmem>>
        %dma_wait3A_189 = arith.constant 0 : i32
        %dma_wait3A_190 = arith.constant 0 : i32
        %dma_wait3A_191 = tpu.memref_slice %arg10[%dma_wait3A_189, %dma_wait3A_190] : memref<100096x16xf32, #tpu.memory_space<vmem_shared>> -> memref<100096x16xf32, #tpu.memory_space<vmem_shared>>
        tpu.wait_indirect_dma semaphore(%run_scoped3A_173 : memref<!tpu.dma_semaphore, #tpu.memory_space<semaphore_mem>>) src(%dma_wait3A_185 : memref<128x16xf32, #tpu.memory_space<vmem>>) dst(%dma_wait3A_191 : memref<100096x16xf32, #tpu.memory_space<vmem_shared>>)
        tpu.yield
      }) : () -> ()
    }
    %scan3A_5 = arith.constant 98 : i32
    %barrier3A_6 = arith.constant 0 : index
    tpu.barrier barrier_id(%barrier3A_6)
    "tpu.region"() ({
      %run_scoped3A = tpu.sem_alloc : memref<!tpu.dma_semaphore, #tpu.memory_space<semaphore_mem>>
      %dma_start3A = arith.constant 0 : i32
      %dma_start3A_7 = tpu.memref_slice %arg6[%arg0, %mul3A_0, %dma_start3A] : memref<2x100096x16xf32, #tpu.memory_space<hbm>> -> memref<1x6256x16xf32, #tpu.memory_space<hbm>>
      %dma_start3A_8 = tpu.memref_squeeze %dma_start3A_7 : memref<1x6256x16xf32, #tpu.memory_space<hbm>> -> memref<6256x16xf32, #tpu.memory_space<hbm>>
      %dma_start3A_9 = arith.constant 0 : i32
      %dma_start3A_10 = tpu.memref_slice %arg10[%mul3A_0, %dma_start3A_9] : memref<100096x16xf32, #tpu.memory_space<vmem_shared>> -> memref<6256x16xf32, #tpu.memory_space<vmem_shared>>
      tpu.enqueue_dma source(%dma_start3A_10 : memref<6256x16xf32, #tpu.memory_space<vmem_shared>>) target(%dma_start3A_8 : memref<6256x16xf32, #tpu.memory_space<hbm>>) target_semaphore(%run_scoped3A : memref<!tpu.dma_semaphore, #tpu.memory_space<semaphore_mem>>)
      %dma_wait3A = arith.constant 0 : i32
      %dma_wait3A_11 = tpu.memref_slice %arg6[%arg0, %mul3A_0, %dma_wait3A] : memref<2x100096x16xf32, #tpu.memory_space<hbm>> -> memref<1x6256x16xf32, #tpu.memory_space<hbm>>
      %dma_wait3A_12 = tpu.memref_squeeze %dma_wait3A_11 : memref<1x6256x16xf32, #tpu.memory_space<hbm>> -> memref<6256x16xf32, #tpu.memory_space<hbm>>
      %dma_wait3A_13 = arith.constant 0 : i32
      %dma_wait3A_14 = tpu.memref_slice %arg10[%mul3A_0, %dma_wait3A_13] : memref<100096x16xf32, #tpu.memory_space<vmem_shared>> -> memref<6256x16xf32, #tpu.memory_space<vmem_shared>>
      tpu.wait_dma2 semaphore(%run_scoped3A : memref<!tpu.dma_semaphore, #tpu.memory_space<semaphore_mem>>) src(%dma_wait3A_14 : memref<6256x16xf32, #tpu.memory_space<vmem_shared>>) dst(%dma_wait3A_12 : memref<6256x16xf32, #tpu.memory_space<hbm>>)
      tpu.yield
    }) : () -> ()
    return
  }
}

#map = affine_map<(d0, d1) -> (0, 0, 0, 0)>
#map1 = affine_map<(d0, d1) -> (0, 0)>
#map2 = affine_map<(d0, d1) -> (0, 0, 0)>
module attributes {stable_mosaic.version = 14 : i64} {
  func.func @_sc_cnt_body(%arg0: i32, %arg1: i32, %arg2: memref<16x98x8x128xi32, #tpu.memory_space<hbm>>, %arg3: memref<6256x8xi32, #tpu.memory_space<hbm>>, %arg4: memref<128x8xi32, #tpu.memory_space<hbm>>, %arg5: memref<2x100096x8xi32, #tpu.memory_space<hbm>>, %arg6: memref<8x128xi32, #tpu.memory_space<vmem>>, %arg7: memref<128x8xi32, #tpu.memory_space<vmem>>, %arg8: memref<100096x8xi32, #tpu.memory_space<vmem_shared>>) attributes {dimension_semantics = [#tpu.dimension_semantics<core_parallel>, #tpu.dimension_semantics<subcore_parallel>], iteration_bounds = array<i64: 2, 16>, scalar_prefetch = 0 : i64, scratch_operands = 3 : i64, tpu.core_type = #tpu.core_type<sc_vector_subcore>, window_params = [{transform_indices = #map}, {transform_indices = #map1}, {transform_indices = #map1}, {transform_indices = #map2}]} {
    %mul3A = arith.constant 6256 : i32
    %mul3A_0 = arith.muli %arg1, %mul3A : i32
    "tpu.region"() ({
      %run_scoped3A = tpu.sem_alloc : memref<!tpu.dma_semaphore, #tpu.memory_space<semaphore_mem>>
      %dma_start3A = arith.constant 0 : i32
      %dma_start3A_13 = tpu.memref_slice %arg8[%mul3A_0, %dma_start3A] : memref<100096x8xi32, #tpu.memory_space<vmem_shared>> -> memref<6256x8xi32, #tpu.memory_space<vmem_shared>>
      tpu.enqueue_dma source(%arg3 : memref<6256x8xi32, #tpu.memory_space<hbm>>) target(%dma_start3A_13 : memref<6256x8xi32, #tpu.memory_space<vmem_shared>>) target_semaphore(%run_scoped3A : memref<!tpu.dma_semaphore, #tpu.memory_space<semaphore_mem>>)
      %dma_wait3A = arith.constant 0 : i32
      %dma_wait3A_14 = tpu.memref_slice %arg8[%mul3A_0, %dma_wait3A] : memref<100096x8xi32, #tpu.memory_space<vmem_shared>> -> memref<6256x8xi32, #tpu.memory_space<vmem_shared>>
      tpu.wait_dma2 semaphore(%run_scoped3A : memref<!tpu.dma_semaphore, #tpu.memory_space<semaphore_mem>>) src(%arg3 : memref<6256x8xi32, #tpu.memory_space<hbm>>) dst(%dma_wait3A_14 : memref<6256x8xi32, #tpu.memory_space<vmem_shared>>)
      tpu.yield
    }) : () -> ()
    "tpu.region"() ({
      %run_scoped3A = tpu.sem_alloc : memref<!tpu.dma_semaphore, #tpu.memory_space<semaphore_mem>>
      tpu.enqueue_dma source(%arg4 : memref<128x8xi32, #tpu.memory_space<hbm>>) target(%arg7 : memref<128x8xi32, #tpu.memory_space<vmem>>) target_semaphore(%run_scoped3A : memref<!tpu.dma_semaphore, #tpu.memory_space<semaphore_mem>>)
      tpu.wait_dma2 semaphore(%run_scoped3A : memref<!tpu.dma_semaphore, #tpu.memory_space<semaphore_mem>>) src(%arg4 : memref<128x8xi32, #tpu.memory_space<hbm>>) dst(%arg7 : memref<128x8xi32, #tpu.memory_space<vmem>>)
      tpu.yield
    }) : () -> ()
    %barrier3A = arith.constant 0 : index
    tpu.barrier barrier_id(%barrier3A)
    %mul3A_1 = arith.constant 49 : i32
    %mul3A_2 = arith.muli %arg0, %mul3A_1 : i32
    %add3A = arith.constant 49 : i32
    %add3A_3 = arith.addi %mul3A_2, %add3A : i32
    %while3A = arith.constant 0 : i32
    %while3A_4 = arith.subi %add3A_3, %mul3A_2 : i32
    %while3A_5 = arith.addi %mul3A_2, %while3A_4 : i32
    %while3A_6 = arith.constant 1 : i32
    %while3A_7 = arith.divsi %while3A_4, %while3A_6 : i32
    %while3A_8 = arith.muli %while3A_7, %while3A_6 : i32
    %while3A_9 = arith.addi %mul3A_2, %while3A_8 : i32
    %while3A_10 = arith.constant 1 : i32
    scf.for %while3A_13 = %mul3A_2 to %while3A_9 step %while3A_10  : i32 {
      "tpu.region"() ({
        %run_scoped3A_21 = tpu.sem_alloc : memref<!tpu.dma_semaphore, #tpu.memory_space<semaphore_mem>>
        %dma_start3A = arith.constant 0 : i32
        %dma_start3A_22 = arith.constant 0 : i32
        %dma_start3A_23 = tpu.memref_slice %arg2[%arg1, %while3A_13, %dma_start3A, %dma_start3A_22] : memref<16x98x8x128xi32, #tpu.memory_space<hbm>> -> memref<1x1x8x128xi32, #tpu.memory_space<hbm>>
        %dma_start3A_24 = tpu.memref_squeeze %dma_start3A_23 : memref<1x1x8x128xi32, #tpu.memory_space<hbm>> -> memref<8x128xi32, #tpu.memory_space<hbm>>
        %dma_start3A_25 = arith.constant 0 : i32
        %dma_start3A_26 = arith.constant 0 : i32
        %dma_start3A_27 = tpu.memref_slice %arg2[%arg1, %while3A_13, %dma_start3A_25, %dma_start3A_26] : memref<16x98x8x128xi32, #tpu.memory_space<hbm>> -> memref<1x1x8x128xi32, #tpu.memory_space<hbm>>
        %dma_start3A_28 = tpu.memref_squeeze %dma_start3A_27 : memref<1x1x8x128xi32, #tpu.memory_space<hbm>> -> memref<8x128xi32, #tpu.memory_space<hbm>>
        tpu.enqueue_dma source(%dma_start3A_28 : memref<8x128xi32, #tpu.memory_space<hbm>>) target(%arg6 : memref<8x128xi32, #tpu.memory_space<vmem>>) target_semaphore(%run_scoped3A_21 : memref<!tpu.dma_semaphore, #tpu.memory_space<semaphore_mem>>)
        %dma_wait3A = arith.constant 0 : i32
        %dma_wait3A_29 = arith.constant 0 : i32
        %dma_wait3A_30 = tpu.memref_slice %arg2[%arg1, %while3A_13, %dma_wait3A, %dma_wait3A_29] : memref<16x98x8x128xi32, #tpu.memory_space<hbm>> -> memref<1x1x8x128xi32, #tpu.memory_space<hbm>>
        %dma_wait3A_31 = tpu.memref_squeeze %dma_wait3A_30 : memref<1x1x8x128xi32, #tpu.memory_space<hbm>> -> memref<8x128xi32, #tpu.memory_space<hbm>>
        %dma_wait3A_32 = arith.constant 0 : i32
        %dma_wait3A_33 = arith.constant 0 : i32
        %dma_wait3A_34 = tpu.memref_slice %arg2[%arg1, %while3A_13, %dma_wait3A_32, %dma_wait3A_33] : memref<16x98x8x128xi32, #tpu.memory_space<hbm>> -> memref<1x1x8x128xi32, #tpu.memory_space<hbm>>
        %dma_wait3A_35 = tpu.memref_squeeze %dma_wait3A_34 : memref<1x1x8x128xi32, #tpu.memory_space<hbm>> -> memref<8x128xi32, #tpu.memory_space<hbm>>
        tpu.wait_dma2 semaphore(%run_scoped3A_21 : memref<!tpu.dma_semaphore, #tpu.memory_space<semaphore_mem>>) src(%dma_wait3A_35 : memref<8x128xi32, #tpu.memory_space<hbm>>) dst(%arg6 : memref<8x128xi32, #tpu.memory_space<vmem>>)
        tpu.yield
      }) : () -> ()
      %run_scoped3A = arith.constant 0 : i32
      "tpu.region"() ({
        %run_scoped3A_21 = tpu.sem_alloc : memref<!tpu.dma_semaphore, #tpu.memory_space<semaphore_mem>>
        %dma_start3A = arith.constant 0 : i32
        %dma_start3A_22 = tpu.memref_slice %arg6[%run_scoped3A, %dma_start3A] : memref<8x128xi32, #tpu.memory_space<vmem>> -> memref<1x128xi32, #tpu.memory_space<vmem>>
        %dma_start3A_23 = tpu.memref_squeeze %dma_start3A_22 : memref<1x128xi32, #tpu.memory_space<vmem>> -> memref<128xi32, #tpu.memory_space<vmem>>
        %dma_start3A_24 = arith.constant 0 : i32
        %dma_start3A_25 = arith.constant 0 : i32
        %dma_start3A_26 = tpu.memref_slice %arg8[%dma_start3A_24, %dma_start3A_25] : memref<100096x8xi32, #tpu.memory_space<vmem_shared>> -> memref<100096x8xi32, #tpu.memory_space<vmem_shared>>
        tpu.enqueue_indirect_dma source(%arg7 : memref<128x8xi32, #tpu.memory_space<vmem>>) target(%dma_start3A_26 : memref<100096x8xi32, #tpu.memory_space<vmem_shared>>) offsets(%dma_start3A_23 : memref<128xi32, #tpu.memory_space<vmem>>) semaphore(%run_scoped3A_21 : memref<!tpu.dma_semaphore, #tpu.memory_space<semaphore_mem>>) {add = true}
        %dma_wait3A = arith.constant 0 : i32
        %dma_wait3A_27 = tpu.memref_slice %arg6[%run_scoped3A, %dma_wait3A] : memref<8x128xi32, #tpu.memory_space<vmem>> -> memref<1x128xi32, #tpu.memory_space<vmem>>
        %dma_wait3A_28 = tpu.memref_squeeze %dma_wait3A_27 : memref<1x128xi32, #tpu.memory_space<vmem>> -> memref<128xi32, #tpu.memory_space<vmem>>
        %dma_wait3A_29 = arith.constant 0 : i32
        %dma_wait3A_30 = arith.constant 0 : i32
        %dma_wait3A_31 = tpu.memref_slice %arg8[%dma_wait3A_29, %dma_wait3A_30] : memref<100096x8xi32, #tpu.memory_space<vmem_shared>> -> memref<100096x8xi32, #tpu.memory_space<vmem_shared>>
        tpu.wait_indirect_dma semaphore(%run_scoped3A_21 : memref<!tpu.dma_semaphore, #tpu.memory_space<semaphore_mem>>) src(%arg7 : memref<128x8xi32, #tpu.memory_space<vmem>>) dst(%dma_wait3A_31 : memref<100096x8xi32, #tpu.memory_space<vmem_shared>>)
        tpu.yield
      }) : () -> ()
      %run_scoped3A_14 = arith.constant 1 : i32
      "tpu.region"() ({
        %run_scoped3A_21 = tpu.sem_alloc : memref<!tpu.dma_semaphore, #tpu.memory_space<semaphore_mem>>
        %dma_start3A = arith.constant 0 : i32
        %dma_start3A_22 = tpu.memref_slice %arg6[%run_scoped3A_14, %dma_start3A] : memref<8x128xi32, #tpu.memory_space<vmem>> -> memref<1x128xi32, #tpu.memory_space<vmem>>
        %dma_start3A_23 = tpu.memref_squeeze %dma_start3A_22 : memref<1x128xi32, #tpu.memory_space<vmem>> -> memref<128xi32, #tpu.memory_space<vmem>>
        %dma_start3A_24 = arith.constant 0 : i32
        %dma_start3A_25 = arith.constant 0 : i32
        %dma_start3A_26 = tpu.memref_slice %arg8[%dma_start3A_24, %dma_start3A_25] : memref<100096x8xi32, #tpu.memory_space<vmem_shared>> -> memref<100096x8xi32, #tpu.memory_space<vmem_shared>>
        tpu.enqueue_indirect_dma source(%arg7 : memref<128x8xi32, #tpu.memory_space<vmem>>) target(%dma_start3A_26 : memref<100096x8xi32, #tpu.memory_space<vmem_shared>>) offsets(%dma_start3A_23 : memref<128xi32, #tpu.memory_space<vmem>>) semaphore(%run_scoped3A_21 : memref<!tpu.dma_semaphore, #tpu.memory_space<semaphore_mem>>) {add = true}
        %dma_wait3A = arith.constant 0 : i32
        %dma_wait3A_27 = tpu.memref_slice %arg6[%run_scoped3A_14, %dma_wait3A] : memref<8x128xi32, #tpu.memory_space<vmem>> -> memref<1x128xi32, #tpu.memory_space<vmem>>
        %dma_wait3A_28 = tpu.memref_squeeze %dma_wait3A_27 : memref<1x128xi32, #tpu.memory_space<vmem>> -> memref<128xi32, #tpu.memory_space<vmem>>
        %dma_wait3A_29 = arith.constant 0 : i32
        %dma_wait3A_30 = arith.constant 0 : i32
        %dma_wait3A_31 = tpu.memref_slice %arg8[%dma_wait3A_29, %dma_wait3A_30] : memref<100096x8xi32, #tpu.memory_space<vmem_shared>> -> memref<100096x8xi32, #tpu.memory_space<vmem_shared>>
        tpu.wait_indirect_dma semaphore(%run_scoped3A_21 : memref<!tpu.dma_semaphore, #tpu.memory_space<semaphore_mem>>) src(%arg7 : memref<128x8xi32, #tpu.memory_space<vmem>>) dst(%dma_wait3A_31 : memref<100096x8xi32, #tpu.memory_space<vmem_shared>>)
        tpu.yield
      }) : () -> ()
      %run_scoped3A_15 = arith.constant 2 : i32
      "tpu.region"() ({
        %run_scoped3A_21 = tpu.sem_alloc : memref<!tpu.dma_semaphore, #tpu.memory_space<semaphore_mem>>
        %dma_start3A = arith.constant 0 : i32
        %dma_start3A_22 = tpu.memref_slice %arg6[%run_scoped3A_15, %dma_start3A] : memref<8x128xi32, #tpu.memory_space<vmem>> -> memref<1x128xi32, #tpu.memory_space<vmem>>
        %dma_start3A_23 = tpu.memref_squeeze %dma_start3A_22 : memref<1x128xi32, #tpu.memory_space<vmem>> -> memref<128xi32, #tpu.memory_space<vmem>>
        %dma_start3A_24 = arith.constant 0 : i32
        %dma_start3A_25 = arith.constant 0 : i32
        %dma_start3A_26 = tpu.memref_slice %arg8[%dma_start3A_24, %dma_start3A_25] : memref<100096x8xi32, #tpu.memory_space<vmem_shared>> -> memref<100096x8xi32, #tpu.memory_space<vmem_shared>>
        tpu.enqueue_indirect_dma source(%arg7 : memref<128x8xi32, #tpu.memory_space<vmem>>) target(%dma_start3A_26 : memref<100096x8xi32, #tpu.memory_space<vmem_shared>>) offsets(%dma_start3A_23 : memref<128xi32, #tpu.memory_space<vmem>>) semaphore(%run_scoped3A_21 : memref<!tpu.dma_semaphore, #tpu.memory_space<semaphore_mem>>) {add = true}
        %dma_wait3A = arith.constant 0 : i32
        %dma_wait3A_27 = tpu.memref_slice %arg6[%run_scoped3A_15, %dma_wait3A] : memref<8x128xi32, #tpu.memory_space<vmem>> -> memref<1x128xi32, #tpu.memory_space<vmem>>
        %dma_wait3A_28 = tpu.memref_squeeze %dma_wait3A_27 : memref<1x128xi32, #tpu.memory_space<vmem>> -> memref<128xi32, #tpu.memory_space<vmem>>
        %dma_wait3A_29 = arith.constant 0 : i32
        %dma_wait3A_30 = arith.constant 0 : i32
        %dma_wait3A_31 = tpu.memref_slice %arg8[%dma_wait3A_29, %dma_wait3A_30] : memref<100096x8xi32, #tpu.memory_space<vmem_shared>> -> memref<100096x8xi32, #tpu.memory_space<vmem_shared>>
        tpu.wait_indirect_dma semaphore(%run_scoped3A_21 : memref<!tpu.dma_semaphore, #tpu.memory_space<semaphore_mem>>) src(%arg7 : memref<128x8xi32, #tpu.memory_space<vmem>>) dst(%dma_wait3A_31 : memref<100096x8xi32, #tpu.memory_space<vmem_shared>>)
        tpu.yield
      }) : () -> ()
      %run_scoped3A_16 = arith.constant 3 : i32
      "tpu.region"() ({
        %run_scoped3A_21 = tpu.sem_alloc : memref<!tpu.dma_semaphore, #tpu.memory_space<semaphore_mem>>
        %dma_start3A = arith.constant 0 : i32
        %dma_start3A_22 = tpu.memref_slice %arg6[%run_scoped3A_16, %dma_start3A] : memref<8x128xi32, #tpu.memory_space<vmem>> -> memref<1x128xi32, #tpu.memory_space<vmem>>
        %dma_start3A_23 = tpu.memref_squeeze %dma_start3A_22 : memref<1x128xi32, #tpu.memory_space<vmem>> -> memref<128xi32, #tpu.memory_space<vmem>>
        %dma_start3A_24 = arith.constant 0 : i32
        %dma_start3A_25 = arith.constant 0 : i32
        %dma_start3A_26 = tpu.memref_slice %arg8[%dma_start3A_24, %dma_start3A_25] : memref<100096x8xi32, #tpu.memory_space<vmem_shared>> -> memref<100096x8xi32, #tpu.memory_space<vmem_shared>>
        tpu.enqueue_indirect_dma source(%arg7 : memref<128x8xi32, #tpu.memory_space<vmem>>) target(%dma_start3A_26 : memref<100096x8xi32, #tpu.memory_space<vmem_shared>>) offsets(%dma_start3A_23 : memref<128xi32, #tpu.memory_space<vmem>>) semaphore(%run_scoped3A_21 : memref<!tpu.dma_semaphore, #tpu.memory_space<semaphore_mem>>) {add = true}
        %dma_wait3A = arith.constant 0 : i32
        %dma_wait3A_27 = tpu.memref_slice %arg6[%run_scoped3A_16, %dma_wait3A] : memref<8x128xi32, #tpu.memory_space<vmem>> -> memref<1x128xi32, #tpu.memory_space<vmem>>
        %dma_wait3A_28 = tpu.memref_squeeze %dma_wait3A_27 : memref<1x128xi32, #tpu.memory_space<vmem>> -> memref<128xi32, #tpu.memory_space<vmem>>
        %dma_wait3A_29 = arith.constant 0 : i32
        %dma_wait3A_30 = arith.constant 0 : i32
        %dma_wait3A_31 = tpu.memref_slice %arg8[%dma_wait3A_29, %dma_wait3A_30] : memref<100096x8xi32, #tpu.memory_space<vmem_shared>> -> memref<100096x8xi32, #tpu.memory_space<vmem_shared>>
        tpu.wait_indirect_dma semaphore(%run_scoped3A_21 : memref<!tpu.dma_semaphore, #tpu.memory_space<semaphore_mem>>) src(%arg7 : memref<128x8xi32, #tpu.memory_space<vmem>>) dst(%dma_wait3A_31 : memref<100096x8xi32, #tpu.memory_space<vmem_shared>>)
        tpu.yield
      }) : () -> ()
      %run_scoped3A_17 = arith.constant 4 : i32
      "tpu.region"() ({
        %run_scoped3A_21 = tpu.sem_alloc : memref<!tpu.dma_semaphore, #tpu.memory_space<semaphore_mem>>
        %dma_start3A = arith.constant 0 : i32
        %dma_start3A_22 = tpu.memref_slice %arg6[%run_scoped3A_17, %dma_start3A] : memref<8x128xi32, #tpu.memory_space<vmem>> -> memref<1x128xi32, #tpu.memory_space<vmem>>
        %dma_start3A_23 = tpu.memref_squeeze %dma_start3A_22 : memref<1x128xi32, #tpu.memory_space<vmem>> -> memref<128xi32, #tpu.memory_space<vmem>>
        %dma_start3A_24 = arith.constant 0 : i32
        %dma_start3A_25 = arith.constant 0 : i32
        %dma_start3A_26 = tpu.memref_slice %arg8[%dma_start3A_24, %dma_start3A_25] : memref<100096x8xi32, #tpu.memory_space<vmem_shared>> -> memref<100096x8xi32, #tpu.memory_space<vmem_shared>>
        tpu.enqueue_indirect_dma source(%arg7 : memref<128x8xi32, #tpu.memory_space<vmem>>) target(%dma_start3A_26 : memref<100096x8xi32, #tpu.memory_space<vmem_shared>>) offsets(%dma_start3A_23 : memref<128xi32, #tpu.memory_space<vmem>>) semaphore(%run_scoped3A_21 : memref<!tpu.dma_semaphore, #tpu.memory_space<semaphore_mem>>) {add = true}
        %dma_wait3A = arith.constant 0 : i32
        %dma_wait3A_27 = tpu.memref_slice %arg6[%run_scoped3A_17, %dma_wait3A] : memref<8x128xi32, #tpu.memory_space<vmem>> -> memref<1x128xi32, #tpu.memory_space<vmem>>
        %dma_wait3A_28 = tpu.memref_squeeze %dma_wait3A_27 : memref<1x128xi32, #tpu.memory_space<vmem>> -> memref<128xi32, #tpu.memory_space<vmem>>
        %dma_wait3A_29 = arith.constant 0 : i32
        %dma_wait3A_30 = arith.constant 0 : i32
        %dma_wait3A_31 = tpu.memref_slice %arg8[%dma_wait3A_29, %dma_wait3A_30] : memref<100096x8xi32, #tpu.memory_space<vmem_shared>> -> memref<100096x8xi32, #tpu.memory_space<vmem_shared>>
        tpu.wait_indirect_dma semaphore(%run_scoped3A_21 : memref<!tpu.dma_semaphore, #tpu.memory_space<semaphore_mem>>) src(%arg7 : memref<128x8xi32, #tpu.memory_space<vmem>>) dst(%dma_wait3A_31 : memref<100096x8xi32, #tpu.memory_space<vmem_shared>>)
        tpu.yield
      }) : () -> ()
      %run_scoped3A_18 = arith.constant 5 : i32
      "tpu.region"() ({
        %run_scoped3A_21 = tpu.sem_alloc : memref<!tpu.dma_semaphore, #tpu.memory_space<semaphore_mem>>
        %dma_start3A = arith.constant 0 : i32
        %dma_start3A_22 = tpu.memref_slice %arg6[%run_scoped3A_18, %dma_start3A] : memref<8x128xi32, #tpu.memory_space<vmem>> -> memref<1x128xi32, #tpu.memory_space<vmem>>
        %dma_start3A_23 = tpu.memref_squeeze %dma_start3A_22 : memref<1x128xi32, #tpu.memory_space<vmem>> -> memref<128xi32, #tpu.memory_space<vmem>>
        %dma_start3A_24 = arith.constant 0 : i32
        %dma_start3A_25 = arith.constant 0 : i32
        %dma_start3A_26 = tpu.memref_slice %arg8[%dma_start3A_24, %dma_start3A_25] : memref<100096x8xi32, #tpu.memory_space<vmem_shared>> -> memref<100096x8xi32, #tpu.memory_space<vmem_shared>>
        tpu.enqueue_indirect_dma source(%arg7 : memref<128x8xi32, #tpu.memory_space<vmem>>) target(%dma_start3A_26 : memref<100096x8xi32, #tpu.memory_space<vmem_shared>>) offsets(%dma_start3A_23 : memref<128xi32, #tpu.memory_space<vmem>>) semaphore(%run_scoped3A_21 : memref<!tpu.dma_semaphore, #tpu.memory_space<semaphore_mem>>) {add = true}
        %dma_wait3A = arith.constant 0 : i32
        %dma_wait3A_27 = tpu.memref_slice %arg6[%run_scoped3A_18, %dma_wait3A] : memref<8x128xi32, #tpu.memory_space<vmem>> -> memref<1x128xi32, #tpu.memory_space<vmem>>
        %dma_wait3A_28 = tpu.memref_squeeze %dma_wait3A_27 : memref<1x128xi32, #tpu.memory_space<vmem>> -> memref<128xi32, #tpu.memory_space<vmem>>
        %dma_wait3A_29 = arith.constant 0 : i32
        %dma_wait3A_30 = arith.constant 0 : i32
        %dma_wait3A_31 = tpu.memref_slice %arg8[%dma_wait3A_29, %dma_wait3A_30] : memref<100096x8xi32, #tpu.memory_space<vmem_shared>> -> memref<100096x8xi32, #tpu.memory_space<vmem_shared>>
        tpu.wait_indirect_dma semaphore(%run_scoped3A_21 : memref<!tpu.dma_semaphore, #tpu.memory_space<semaphore_mem>>) src(%arg7 : memref<128x8xi32, #tpu.memory_space<vmem>>) dst(%dma_wait3A_31 : memref<100096x8xi32, #tpu.memory_space<vmem_shared>>)
        tpu.yield
      }) : () -> ()
      %run_scoped3A_19 = arith.constant 6 : i32
      "tpu.region"() ({
        %run_scoped3A_21 = tpu.sem_alloc : memref<!tpu.dma_semaphore, #tpu.memory_space<semaphore_mem>>
        %dma_start3A = arith.constant 0 : i32
        %dma_start3A_22 = tpu.memref_slice %arg6[%run_scoped3A_19, %dma_start3A] : memref<8x128xi32, #tpu.memory_space<vmem>> -> memref<1x128xi32, #tpu.memory_space<vmem>>
        %dma_start3A_23 = tpu.memref_squeeze %dma_start3A_22 : memref<1x128xi32, #tpu.memory_space<vmem>> -> memref<128xi32, #tpu.memory_space<vmem>>
        %dma_start3A_24 = arith.constant 0 : i32
        %dma_start3A_25 = arith.constant 0 : i32
        %dma_start3A_26 = tpu.memref_slice %arg8[%dma_start3A_24, %dma_start3A_25] : memref<100096x8xi32, #tpu.memory_space<vmem_shared>> -> memref<100096x8xi32, #tpu.memory_space<vmem_shared>>
        tpu.enqueue_indirect_dma source(%arg7 : memref<128x8xi32, #tpu.memory_space<vmem>>) target(%dma_start3A_26 : memref<100096x8xi32, #tpu.memory_space<vmem_shared>>) offsets(%dma_start3A_23 : memref<128xi32, #tpu.memory_space<vmem>>) semaphore(%run_scoped3A_21 : memref<!tpu.dma_semaphore, #tpu.memory_space<semaphore_mem>>) {add = true}
        %dma_wait3A = arith.constant 0 : i32
        %dma_wait3A_27 = tpu.memref_slice %arg6[%run_scoped3A_19, %dma_wait3A] : memref<8x128xi32, #tpu.memory_space<vmem>> -> memref<1x128xi32, #tpu.memory_space<vmem>>
        %dma_wait3A_28 = tpu.memref_squeeze %dma_wait3A_27 : memref<1x128xi32, #tpu.memory_space<vmem>> -> memref<128xi32, #tpu.memory_space<vmem>>
        %dma_wait3A_29 = arith.constant 0 : i32
        %dma_wait3A_30 = arith.constant 0 : i32
        %dma_wait3A_31 = tpu.memref_slice %arg8[%dma_wait3A_29, %dma_wait3A_30] : memref<100096x8xi32, #tpu.memory_space<vmem_shared>> -> memref<100096x8xi32, #tpu.memory_space<vmem_shared>>
        tpu.wait_indirect_dma semaphore(%run_scoped3A_21 : memref<!tpu.dma_semaphore, #tpu.memory_space<semaphore_mem>>) src(%arg7 : memref<128x8xi32, #tpu.memory_space<vmem>>) dst(%dma_wait3A_31 : memref<100096x8xi32, #tpu.memory_space<vmem_shared>>)
        tpu.yield
      }) : () -> ()
      %run_scoped3A_20 = arith.constant 7 : i32
      "tpu.region"() ({
        %run_scoped3A_21 = tpu.sem_alloc : memref<!tpu.dma_semaphore, #tpu.memory_space<semaphore_mem>>
        %dma_start3A = arith.constant 0 : i32
        %dma_start3A_22 = tpu.memref_slice %arg6[%run_scoped3A_20, %dma_start3A] : memref<8x128xi32, #tpu.memory_space<vmem>> -> memref<1x128xi32, #tpu.memory_space<vmem>>
        %dma_start3A_23 = tpu.memref_squeeze %dma_start3A_22 : memref<1x128xi32, #tpu.memory_space<vmem>> -> memref<128xi32, #tpu.memory_space<vmem>>
        %dma_start3A_24 = arith.constant 0 : i32
        %dma_start3A_25 = arith.constant 0 : i32
        %dma_start3A_26 = tpu.memref_slice %arg8[%dma_start3A_24, %dma_start3A_25] : memref<100096x8xi32, #tpu.memory_space<vmem_shared>> -> memref<100096x8xi32, #tpu.memory_space<vmem_shared>>
        tpu.enqueue_indirect_dma source(%arg7 : memref<128x8xi32, #tpu.memory_space<vmem>>) target(%dma_start3A_26 : memref<100096x8xi32, #tpu.memory_space<vmem_shared>>) offsets(%dma_start3A_23 : memref<128xi32, #tpu.memory_space<vmem>>) semaphore(%run_scoped3A_21 : memref<!tpu.dma_semaphore, #tpu.memory_space<semaphore_mem>>) {add = true}
        %dma_wait3A = arith.constant 0 : i32
        %dma_wait3A_27 = tpu.memref_slice %arg6[%run_scoped3A_20, %dma_wait3A] : memref<8x128xi32, #tpu.memory_space<vmem>> -> memref<1x128xi32, #tpu.memory_space<vmem>>
        %dma_wait3A_28 = tpu.memref_squeeze %dma_wait3A_27 : memref<1x128xi32, #tpu.memory_space<vmem>> -> memref<128xi32, #tpu.memory_space<vmem>>
        %dma_wait3A_29 = arith.constant 0 : i32
        %dma_wait3A_30 = arith.constant 0 : i32
        %dma_wait3A_31 = tpu.memref_slice %arg8[%dma_wait3A_29, %dma_wait3A_30] : memref<100096x8xi32, #tpu.memory_space<vmem_shared>> -> memref<100096x8xi32, #tpu.memory_space<vmem_shared>>
        tpu.wait_indirect_dma semaphore(%run_scoped3A_21 : memref<!tpu.dma_semaphore, #tpu.memory_space<semaphore_mem>>) src(%arg7 : memref<128x8xi32, #tpu.memory_space<vmem>>) dst(%dma_wait3A_31 : memref<100096x8xi32, #tpu.memory_space<vmem_shared>>)
        tpu.yield
      }) : () -> ()
    }
    %while3A_11 = arith.constant 1 : i32
    scf.for %while3A_13 = %while3A_9 to %while3A_5 step %while3A_11  : i32 {
      "tpu.region"() ({
        %run_scoped3A_21 = tpu.sem_alloc : memref<!tpu.dma_semaphore, #tpu.memory_space<semaphore_mem>>
        %dma_start3A = arith.constant 0 : i32
        %dma_start3A_22 = arith.constant 0 : i32
        %dma_start3A_23 = tpu.memref_slice %arg2[%arg1, %while3A_13, %dma_start3A, %dma_start3A_22] : memref<16x98x8x128xi32, #tpu.memory_space<hbm>> -> memref<1x1x8x128xi32, #tpu.memory_space<hbm>>
        %dma_start3A_24 = tpu.memref_squeeze %dma_start3A_23 : memref<1x1x8x128xi32, #tpu.memory_space<hbm>> -> memref<8x128xi32, #tpu.memory_space<hbm>>
        %dma_start3A_25 = arith.constant 0 : i32
        %dma_start3A_26 = arith.constant 0 : i32
        %dma_start3A_27 = tpu.memref_slice %arg2[%arg1, %while3A_13, %dma_start3A_25, %dma_start3A_26] : memref<16x98x8x128xi32, #tpu.memory_space<hbm>> -> memref<1x1x8x128xi32, #tpu.memory_space<hbm>>
        %dma_start3A_28 = tpu.memref_squeeze %dma_start3A_27 : memref<1x1x8x128xi32, #tpu.memory_space<hbm>> -> memref<8x128xi32, #tpu.memory_space<hbm>>
        tpu.enqueue_dma source(%dma_start3A_28 : memref<8x128xi32, #tpu.memory_space<hbm>>) target(%arg6 : memref<8x128xi32, #tpu.memory_space<vmem>>) target_semaphore(%run_scoped3A_21 : memref<!tpu.dma_semaphore, #tpu.memory_space<semaphore_mem>>)
        %dma_wait3A = arith.constant 0 : i32
        %dma_wait3A_29 = arith.constant 0 : i32
        %dma_wait3A_30 = tpu.memref_slice %arg2[%arg1, %while3A_13, %dma_wait3A, %dma_wait3A_29] : memref<16x98x8x128xi32, #tpu.memory_space<hbm>> -> memref<1x1x8x128xi32, #tpu.memory_space<hbm>>
        %dma_wait3A_31 = tpu.memref_squeeze %dma_wait3A_30 : memref<1x1x8x128xi32, #tpu.memory_space<hbm>> -> memref<8x128xi32, #tpu.memory_space<hbm>>
        %dma_wait3A_32 = arith.constant 0 : i32
        %dma_wait3A_33 = arith.constant 0 : i32
        %dma_wait3A_34 = tpu.memref_slice %arg2[%arg1, %while3A_13, %dma_wait3A_32, %dma_wait3A_33] : memref<16x98x8x128xi32, #tpu.memory_space<hbm>> -> memref<1x1x8x128xi32, #tpu.memory_space<hbm>>
        %dma_wait3A_35 = tpu.memref_squeeze %dma_wait3A_34 : memref<1x1x8x128xi32, #tpu.memory_space<hbm>> -> memref<8x128xi32, #tpu.memory_space<hbm>>
        tpu.wait_dma2 semaphore(%run_scoped3A_21 : memref<!tpu.dma_semaphore, #tpu.memory_space<semaphore_mem>>) src(%dma_wait3A_35 : memref<8x128xi32, #tpu.memory_space<hbm>>) dst(%arg6 : memref<8x128xi32, #tpu.memory_space<vmem>>)
        tpu.yield
      }) : () -> ()
      %run_scoped3A = arith.constant 0 : i32
      "tpu.region"() ({
        %run_scoped3A_21 = tpu.sem_alloc : memref<!tpu.dma_semaphore, #tpu.memory_space<semaphore_mem>>
        %dma_start3A = arith.constant 0 : i32
        %dma_start3A_22 = tpu.memref_slice %arg6[%run_scoped3A, %dma_start3A] : memref<8x128xi32, #tpu.memory_space<vmem>> -> memref<1x128xi32, #tpu.memory_space<vmem>>
        %dma_start3A_23 = tpu.memref_squeeze %dma_start3A_22 : memref<1x128xi32, #tpu.memory_space<vmem>> -> memref<128xi32, #tpu.memory_space<vmem>>
        %dma_start3A_24 = arith.constant 0 : i32
        %dma_start3A_25 = arith.constant 0 : i32
        %dma_start3A_26 = tpu.memref_slice %arg8[%dma_start3A_24, %dma_start3A_25] : memref<100096x8xi32, #tpu.memory_space<vmem_shared>> -> memref<100096x8xi32, #tpu.memory_space<vmem_shared>>
        tpu.enqueue_indirect_dma source(%arg7 : memref<128x8xi32, #tpu.memory_space<vmem>>) target(%dma_start3A_26 : memref<100096x8xi32, #tpu.memory_space<vmem_shared>>) offsets(%dma_start3A_23 : memref<128xi32, #tpu.memory_space<vmem>>) semaphore(%run_scoped3A_21 : memref<!tpu.dma_semaphore, #tpu.memory_space<semaphore_mem>>) {add = true}
        %dma_wait3A = arith.constant 0 : i32
        %dma_wait3A_27 = tpu.memref_slice %arg6[%run_scoped3A, %dma_wait3A] : memref<8x128xi32, #tpu.memory_space<vmem>> -> memref<1x128xi32, #tpu.memory_space<vmem>>
        %dma_wait3A_28 = tpu.memref_squeeze %dma_wait3A_27 : memref<1x128xi32, #tpu.memory_space<vmem>> -> memref<128xi32, #tpu.memory_space<vmem>>
        %dma_wait3A_29 = arith.constant 0 : i32
        %dma_wait3A_30 = arith.constant 0 : i32
        %dma_wait3A_31 = tpu.memref_slice %arg8[%dma_wait3A_29, %dma_wait3A_30] : memref<100096x8xi32, #tpu.memory_space<vmem_shared>> -> memref<100096x8xi32, #tpu.memory_space<vmem_shared>>
        tpu.wait_indirect_dma semaphore(%run_scoped3A_21 : memref<!tpu.dma_semaphore, #tpu.memory_space<semaphore_mem>>) src(%arg7 : memref<128x8xi32, #tpu.memory_space<vmem>>) dst(%dma_wait3A_31 : memref<100096x8xi32, #tpu.memory_space<vmem_shared>>)
        tpu.yield
      }) : () -> ()
      %run_scoped3A_14 = arith.constant 1 : i32
      "tpu.region"() ({
        %run_scoped3A_21 = tpu.sem_alloc : memref<!tpu.dma_semaphore, #tpu.memory_space<semaphore_mem>>
        %dma_start3A = arith.constant 0 : i32
        %dma_start3A_22 = tpu.memref_slice %arg6[%run_scoped3A_14, %dma_start3A] : memref<8x128xi32, #tpu.memory_space<vmem>> -> memref<1x128xi32, #tpu.memory_space<vmem>>
        %dma_start3A_23 = tpu.memref_squeeze %dma_start3A_22 : memref<1x128xi32, #tpu.memory_space<vmem>> -> memref<128xi32, #tpu.memory_space<vmem>>
        %dma_start3A_24 = arith.constant 0 : i32
        %dma_start3A_25 = arith.constant 0 : i32
        %dma_start3A_26 = tpu.memref_slice %arg8[%dma_start3A_24, %dma_start3A_25] : memref<100096x8xi32, #tpu.memory_space<vmem_shared>> -> memref<100096x8xi32, #tpu.memory_space<vmem_shared>>
        tpu.enqueue_indirect_dma source(%arg7 : memref<128x8xi32, #tpu.memory_space<vmem>>) target(%dma_start3A_26 : memref<100096x8xi32, #tpu.memory_space<vmem_shared>>) offsets(%dma_start3A_23 : memref<128xi32, #tpu.memory_space<vmem>>) semaphore(%run_scoped3A_21 : memref<!tpu.dma_semaphore, #tpu.memory_space<semaphore_mem>>) {add = true}
        %dma_wait3A = arith.constant 0 : i32
        %dma_wait3A_27 = tpu.memref_slice %arg6[%run_scoped3A_14, %dma_wait3A] : memref<8x128xi32, #tpu.memory_space<vmem>> -> memref<1x128xi32, #tpu.memory_space<vmem>>
        %dma_wait3A_28 = tpu.memref_squeeze %dma_wait3A_27 : memref<1x128xi32, #tpu.memory_space<vmem>> -> memref<128xi32, #tpu.memory_space<vmem>>
        %dma_wait3A_29 = arith.constant 0 : i32
        %dma_wait3A_30 = arith.constant 0 : i32
        %dma_wait3A_31 = tpu.memref_slice %arg8[%dma_wait3A_29, %dma_wait3A_30] : memref<100096x8xi32, #tpu.memory_space<vmem_shared>> -> memref<100096x8xi32, #tpu.memory_space<vmem_shared>>
        tpu.wait_indirect_dma semaphore(%run_scoped3A_21 : memref<!tpu.dma_semaphore, #tpu.memory_space<semaphore_mem>>) src(%arg7 : memref<128x8xi32, #tpu.memory_space<vmem>>) dst(%dma_wait3A_31 : memref<100096x8xi32, #tpu.memory_space<vmem_shared>>)
        tpu.yield
      }) : () -> ()
      %run_scoped3A_15 = arith.constant 2 : i32
      "tpu.region"() ({
        %run_scoped3A_21 = tpu.sem_alloc : memref<!tpu.dma_semaphore, #tpu.memory_space<semaphore_mem>>
        %dma_start3A = arith.constant 0 : i32
        %dma_start3A_22 = tpu.memref_slice %arg6[%run_scoped3A_15, %dma_start3A] : memref<8x128xi32, #tpu.memory_space<vmem>> -> memref<1x128xi32, #tpu.memory_space<vmem>>
        %dma_start3A_23 = tpu.memref_squeeze %dma_start3A_22 : memref<1x128xi32, #tpu.memory_space<vmem>> -> memref<128xi32, #tpu.memory_space<vmem>>
        %dma_start3A_24 = arith.constant 0 : i32
        %dma_start3A_25 = arith.constant 0 : i32
        %dma_start3A_26 = tpu.memref_slice %arg8[%dma_start3A_24, %dma_start3A_25] : memref<100096x8xi32, #tpu.memory_space<vmem_shared>> -> memref<100096x8xi32, #tpu.memory_space<vmem_shared>>
        tpu.enqueue_indirect_dma source(%arg7 : memref<128x8xi32, #tpu.memory_space<vmem>>) target(%dma_start3A_26 : memref<100096x8xi32, #tpu.memory_space<vmem_shared>>) offsets(%dma_start3A_23 : memref<128xi32, #tpu.memory_space<vmem>>) semaphore(%run_scoped3A_21 : memref<!tpu.dma_semaphore, #tpu.memory_space<semaphore_mem>>) {add = true}
        %dma_wait3A = arith.constant 0 : i32
        %dma_wait3A_27 = tpu.memref_slice %arg6[%run_scoped3A_15, %dma_wait3A] : memref<8x128xi32, #tpu.memory_space<vmem>> -> memref<1x128xi32, #tpu.memory_space<vmem>>
        %dma_wait3A_28 = tpu.memref_squeeze %dma_wait3A_27 : memref<1x128xi32, #tpu.memory_space<vmem>> -> memref<128xi32, #tpu.memory_space<vmem>>
        %dma_wait3A_29 = arith.constant 0 : i32
        %dma_wait3A_30 = arith.constant 0 : i32
        %dma_wait3A_31 = tpu.memref_slice %arg8[%dma_wait3A_29, %dma_wait3A_30] : memref<100096x8xi32, #tpu.memory_space<vmem_shared>> -> memref<100096x8xi32, #tpu.memory_space<vmem_shared>>
        tpu.wait_indirect_dma semaphore(%run_scoped3A_21 : memref<!tpu.dma_semaphore, #tpu.memory_space<semaphore_mem>>) src(%arg7 : memref<128x8xi32, #tpu.memory_space<vmem>>) dst(%dma_wait3A_31 : memref<100096x8xi32, #tpu.memory_space<vmem_shared>>)
        tpu.yield
      }) : () -> ()
      %run_scoped3A_16 = arith.constant 3 : i32
      "tpu.region"() ({
        %run_scoped3A_21 = tpu.sem_alloc : memref<!tpu.dma_semaphore, #tpu.memory_space<semaphore_mem>>
        %dma_start3A = arith.constant 0 : i32
        %dma_start3A_22 = tpu.memref_slice %arg6[%run_scoped3A_16, %dma_start3A] : memref<8x128xi32, #tpu.memory_space<vmem>> -> memref<1x128xi32, #tpu.memory_space<vmem>>
        %dma_start3A_23 = tpu.memref_squeeze %dma_start3A_22 : memref<1x128xi32, #tpu.memory_space<vmem>> -> memref<128xi32, #tpu.memory_space<vmem>>
        %dma_start3A_24 = arith.constant 0 : i32
        %dma_start3A_25 = arith.constant 0 : i32
        %dma_start3A_26 = tpu.memref_slice %arg8[%dma_start3A_24, %dma_start3A_25] : memref<100096x8xi32, #tpu.memory_space<vmem_shared>> -> memref<100096x8xi32, #tpu.memory_space<vmem_shared>>
        tpu.enqueue_indirect_dma source(%arg7 : memref<128x8xi32, #tpu.memory_space<vmem>>) target(%dma_start3A_26 : memref<100096x8xi32, #tpu.memory_space<vmem_shared>>) offsets(%dma_start3A_23 : memref<128xi32, #tpu.memory_space<vmem>>) semaphore(%run_scoped3A_21 : memref<!tpu.dma_semaphore, #tpu.memory_space<semaphore_mem>>) {add = true}
        %dma_wait3A = arith.constant 0 : i32
        %dma_wait3A_27 = tpu.memref_slice %arg6[%run_scoped3A_16, %dma_wait3A] : memref<8x128xi32, #tpu.memory_space<vmem>> -> memref<1x128xi32, #tpu.memory_space<vmem>>
        %dma_wait3A_28 = tpu.memref_squeeze %dma_wait3A_27 : memref<1x128xi32, #tpu.memory_space<vmem>> -> memref<128xi32, #tpu.memory_space<vmem>>
        %dma_wait3A_29 = arith.constant 0 : i32
        %dma_wait3A_30 = arith.constant 0 : i32
        %dma_wait3A_31 = tpu.memref_slice %arg8[%dma_wait3A_29, %dma_wait3A_30] : memref<100096x8xi32, #tpu.memory_space<vmem_shared>> -> memref<100096x8xi32, #tpu.memory_space<vmem_shared>>
        tpu.wait_indirect_dma semaphore(%run_scoped3A_21 : memref<!tpu.dma_semaphore, #tpu.memory_space<semaphore_mem>>) src(%arg7 : memref<128x8xi32, #tpu.memory_space<vmem>>) dst(%dma_wait3A_31 : memref<100096x8xi32, #tpu.memory_space<vmem_shared>>)
        tpu.yield
      }) : () -> ()
      %run_scoped3A_17 = arith.constant 4 : i32
      "tpu.region"() ({
        %run_scoped3A_21 = tpu.sem_alloc : memref<!tpu.dma_semaphore, #tpu.memory_space<semaphore_mem>>
        %dma_start3A = arith.constant 0 : i32
        %dma_start3A_22 = tpu.memref_slice %arg6[%run_scoped3A_17, %dma_start3A] : memref<8x128xi32, #tpu.memory_space<vmem>> -> memref<1x128xi32, #tpu.memory_space<vmem>>
        %dma_start3A_23 = tpu.memref_squeeze %dma_start3A_22 : memref<1x128xi32, #tpu.memory_space<vmem>> -> memref<128xi32, #tpu.memory_space<vmem>>
        %dma_start3A_24 = arith.constant 0 : i32
        %dma_start3A_25 = arith.constant 0 : i32
        %dma_start3A_26 = tpu.memref_slice %arg8[%dma_start3A_24, %dma_start3A_25] : memref<100096x8xi32, #tpu.memory_space<vmem_shared>> -> memref<100096x8xi32, #tpu.memory_space<vmem_shared>>
        tpu.enqueue_indirect_dma source(%arg7 : memref<128x8xi32, #tpu.memory_space<vmem>>) target(%dma_start3A_26 : memref<100096x8xi32, #tpu.memory_space<vmem_shared>>) offsets(%dma_start3A_23 : memref<128xi32, #tpu.memory_space<vmem>>) semaphore(%run_scoped3A_21 : memref<!tpu.dma_semaphore, #tpu.memory_space<semaphore_mem>>) {add = true}
        %dma_wait3A = arith.constant 0 : i32
        %dma_wait3A_27 = tpu.memref_slice %arg6[%run_scoped3A_17, %dma_wait3A] : memref<8x128xi32, #tpu.memory_space<vmem>> -> memref<1x128xi32, #tpu.memory_space<vmem>>
        %dma_wait3A_28 = tpu.memref_squeeze %dma_wait3A_27 : memref<1x128xi32, #tpu.memory_space<vmem>> -> memref<128xi32, #tpu.memory_space<vmem>>
        %dma_wait3A_29 = arith.constant 0 : i32
        %dma_wait3A_30 = arith.constant 0 : i32
        %dma_wait3A_31 = tpu.memref_slice %arg8[%dma_wait3A_29, %dma_wait3A_30] : memref<100096x8xi32, #tpu.memory_space<vmem_shared>> -> memref<100096x8xi32, #tpu.memory_space<vmem_shared>>
        tpu.wait_indirect_dma semaphore(%run_scoped3A_21 : memref<!tpu.dma_semaphore, #tpu.memory_space<semaphore_mem>>) src(%arg7 : memref<128x8xi32, #tpu.memory_space<vmem>>) dst(%dma_wait3A_31 : memref<100096x8xi32, #tpu.memory_space<vmem_shared>>)
        tpu.yield
      }) : () -> ()
      %run_scoped3A_18 = arith.constant 5 : i32
      "tpu.region"() ({
        %run_scoped3A_21 = tpu.sem_alloc : memref<!tpu.dma_semaphore, #tpu.memory_space<semaphore_mem>>
        %dma_start3A = arith.constant 0 : i32
        %dma_start3A_22 = tpu.memref_slice %arg6[%run_scoped3A_18, %dma_start3A] : memref<8x128xi32, #tpu.memory_space<vmem>> -> memref<1x128xi32, #tpu.memory_space<vmem>>
        %dma_start3A_23 = tpu.memref_squeeze %dma_start3A_22 : memref<1x128xi32, #tpu.memory_space<vmem>> -> memref<128xi32, #tpu.memory_space<vmem>>
        %dma_start3A_24 = arith.constant 0 : i32
        %dma_start3A_25 = arith.constant 0 : i32
        %dma_start3A_26 = tpu.memref_slice %arg8[%dma_start3A_24, %dma_start3A_25] : memref<100096x8xi32, #tpu.memory_space<vmem_shared>> -> memref<100096x8xi32, #tpu.memory_space<vmem_shared>>
        tpu.enqueue_indirect_dma source(%arg7 : memref<128x8xi32, #tpu.memory_space<vmem>>) target(%dma_start3A_26 : memref<100096x8xi32, #tpu.memory_space<vmem_shared>>) offsets(%dma_start3A_23 : memref<128xi32, #tpu.memory_space<vmem>>) semaphore(%run_scoped3A_21 : memref<!tpu.dma_semaphore, #tpu.memory_space<semaphore_mem>>) {add = true}
        %dma_wait3A = arith.constant 0 : i32
        %dma_wait3A_27 = tpu.memref_slice %arg6[%run_scoped3A_18, %dma_wait3A] : memref<8x128xi32, #tpu.memory_space<vmem>> -> memref<1x128xi32, #tpu.memory_space<vmem>>
        %dma_wait3A_28 = tpu.memref_squeeze %dma_wait3A_27 : memref<1x128xi32, #tpu.memory_space<vmem>> -> memref<128xi32, #tpu.memory_space<vmem>>
        %dma_wait3A_29 = arith.constant 0 : i32
        %dma_wait3A_30 = arith.constant 0 : i32
        %dma_wait3A_31 = tpu.memref_slice %arg8[%dma_wait3A_29, %dma_wait3A_30] : memref<100096x8xi32, #tpu.memory_space<vmem_shared>> -> memref<100096x8xi32, #tpu.memory_space<vmem_shared>>
        tpu.wait_indirect_dma semaphore(%run_scoped3A_21 : memref<!tpu.dma_semaphore, #tpu.memory_space<semaphore_mem>>) src(%arg7 : memref<128x8xi32, #tpu.memory_space<vmem>>) dst(%dma_wait3A_31 : memref<100096x8xi32, #tpu.memory_space<vmem_shared>>)
        tpu.yield
      }) : () -> ()
      %run_scoped3A_19 = arith.constant 6 : i32
      "tpu.region"() ({
        %run_scoped3A_21 = tpu.sem_alloc : memref<!tpu.dma_semaphore, #tpu.memory_space<semaphore_mem>>
        %dma_start3A = arith.constant 0 : i32
        %dma_start3A_22 = tpu.memref_slice %arg6[%run_scoped3A_19, %dma_start3A] : memref<8x128xi32, #tpu.memory_space<vmem>> -> memref<1x128xi32, #tpu.memory_space<vmem>>
        %dma_start3A_23 = tpu.memref_squeeze %dma_start3A_22 : memref<1x128xi32, #tpu.memory_space<vmem>> -> memref<128xi32, #tpu.memory_space<vmem>>
        %dma_start3A_24 = arith.constant 0 : i32
        %dma_start3A_25 = arith.constant 0 : i32
        %dma_start3A_26 = tpu.memref_slice %arg8[%dma_start3A_24, %dma_start3A_25] : memref<100096x8xi32, #tpu.memory_space<vmem_shared>> -> memref<100096x8xi32, #tpu.memory_space<vmem_shared>>
        tpu.enqueue_indirect_dma source(%arg7 : memref<128x8xi32, #tpu.memory_space<vmem>>) target(%dma_start3A_26 : memref<100096x8xi32, #tpu.memory_space<vmem_shared>>) offsets(%dma_start3A_23 : memref<128xi32, #tpu.memory_space<vmem>>) semaphore(%run_scoped3A_21 : memref<!tpu.dma_semaphore, #tpu.memory_space<semaphore_mem>>) {add = true}
        %dma_wait3A = arith.constant 0 : i32
        %dma_wait3A_27 = tpu.memref_slice %arg6[%run_scoped3A_19, %dma_wait3A] : memref<8x128xi32, #tpu.memory_space<vmem>> -> memref<1x128xi32, #tpu.memory_space<vmem>>
        %dma_wait3A_28 = tpu.memref_squeeze %dma_wait3A_27 : memref<1x128xi32, #tpu.memory_space<vmem>> -> memref<128xi32, #tpu.memory_space<vmem>>
        %dma_wait3A_29 = arith.constant 0 : i32
        %dma_wait3A_30 = arith.constant 0 : i32
        %dma_wait3A_31 = tpu.memref_slice %arg8[%dma_wait3A_29, %dma_wait3A_30] : memref<100096x8xi32, #tpu.memory_space<vmem_shared>> -> memref<100096x8xi32, #tpu.memory_space<vmem_shared>>
        tpu.wait_indirect_dma semaphore(%run_scoped3A_21 : memref<!tpu.dma_semaphore, #tpu.memory_space<semaphore_mem>>) src(%arg7 : memref<128x8xi32, #tpu.memory_space<vmem>>) dst(%dma_wait3A_31 : memref<100096x8xi32, #tpu.memory_space<vmem_shared>>)
        tpu.yield
      }) : () -> ()
      %run_scoped3A_20 = arith.constant 7 : i32
      "tpu.region"() ({
        %run_scoped3A_21 = tpu.sem_alloc : memref<!tpu.dma_semaphore, #tpu.memory_space<semaphore_mem>>
        %dma_start3A = arith.constant 0 : i32
        %dma_start3A_22 = tpu.memref_slice %arg6[%run_scoped3A_20, %dma_start3A] : memref<8x128xi32, #tpu.memory_space<vmem>> -> memref<1x128xi32, #tpu.memory_space<vmem>>
        %dma_start3A_23 = tpu.memref_squeeze %dma_start3A_22 : memref<1x128xi32, #tpu.memory_space<vmem>> -> memref<128xi32, #tpu.memory_space<vmem>>
        %dma_start3A_24 = arith.constant 0 : i32
        %dma_start3A_25 = arith.constant 0 : i32
        %dma_start3A_26 = tpu.memref_slice %arg8[%dma_start3A_24, %dma_start3A_25] : memref<100096x8xi32, #tpu.memory_space<vmem_shared>> -> memref<100096x8xi32, #tpu.memory_space<vmem_shared>>
        tpu.enqueue_indirect_dma source(%arg7 : memref<128x8xi32, #tpu.memory_space<vmem>>) target(%dma_start3A_26 : memref<100096x8xi32, #tpu.memory_space<vmem_shared>>) offsets(%dma_start3A_23 : memref<128xi32, #tpu.memory_space<vmem>>) semaphore(%run_scoped3A_21 : memref<!tpu.dma_semaphore, #tpu.memory_space<semaphore_mem>>) {add = true}
        %dma_wait3A = arith.constant 0 : i32
        %dma_wait3A_27 = tpu.memref_slice %arg6[%run_scoped3A_20, %dma_wait3A] : memref<8x128xi32, #tpu.memory_space<vmem>> -> memref<1x128xi32, #tpu.memory_space<vmem>>
        %dma_wait3A_28 = tpu.memref_squeeze %dma_wait3A_27 : memref<1x128xi32, #tpu.memory_space<vmem>> -> memref<128xi32, #tpu.memory_space<vmem>>
        %dma_wait3A_29 = arith.constant 0 : i32
        %dma_wait3A_30 = arith.constant 0 : i32
        %dma_wait3A_31 = tpu.memref_slice %arg8[%dma_wait3A_29, %dma_wait3A_30] : memref<100096x8xi32, #tpu.memory_space<vmem_shared>> -> memref<100096x8xi32, #tpu.memory_space<vmem_shared>>
        tpu.wait_indirect_dma semaphore(%run_scoped3A_21 : memref<!tpu.dma_semaphore, #tpu.memory_space<semaphore_mem>>) src(%arg7 : memref<128x8xi32, #tpu.memory_space<vmem>>) dst(%dma_wait3A_31 : memref<100096x8xi32, #tpu.memory_space<vmem_shared>>)
        tpu.yield
      }) : () -> ()
    }
    %barrier3A_12 = arith.constant 0 : index
    tpu.barrier barrier_id(%barrier3A_12)
    "tpu.region"() ({
      %run_scoped3A = tpu.sem_alloc : memref<!tpu.dma_semaphore, #tpu.memory_space<semaphore_mem>>
      %dma_start3A = arith.constant 0 : i32
      %dma_start3A_13 = tpu.memref_slice %arg5[%arg0, %mul3A_0, %dma_start3A] : memref<2x100096x8xi32, #tpu.memory_space<hbm>> -> memref<1x6256x8xi32, #tpu.memory_space<hbm>>
      %dma_start3A_14 = tpu.memref_squeeze %dma_start3A_13 : memref<1x6256x8xi32, #tpu.memory_space<hbm>> -> memref<6256x8xi32, #tpu.memory_space<hbm>>
      %dma_start3A_15 = arith.constant 0 : i32
      %dma_start3A_16 = tpu.memref_slice %arg8[%mul3A_0, %dma_start3A_15] : memref<100096x8xi32, #tpu.memory_space<vmem_shared>> -> memref<6256x8xi32, #tpu.memory_space<vmem_shared>>
      tpu.enqueue_dma source(%dma_start3A_16 : memref<6256x8xi32, #tpu.memory_space<vmem_shared>>) target(%dma_start3A_14 : memref<6256x8xi32, #tpu.memory_space<hbm>>) target_semaphore(%run_scoped3A : memref<!tpu.dma_semaphore, #tpu.memory_space<semaphore_mem>>)
      %dma_wait3A = arith.constant 0 : i32
      %dma_wait3A_17 = tpu.memref_slice %arg5[%arg0, %mul3A_0, %dma_wait3A] : memref<2x100096x8xi32, #tpu.memory_space<hbm>> -> memref<1x6256x8xi32, #tpu.memory_space<hbm>>
      %dma_wait3A_18 = tpu.memref_squeeze %dma_wait3A_17 : memref<1x6256x8xi32, #tpu.memory_space<hbm>> -> memref<6256x8xi32, #tpu.memory_space<hbm>>
      %dma_wait3A_19 = arith.constant 0 : i32
      %dma_wait3A_20 = tpu.memref_slice %arg8[%mul3A_0, %dma_wait3A_19] : memref<100096x8xi32, #tpu.memory_space<vmem_shared>> -> memref<6256x8xi32, #tpu.memory_space<vmem_shared>>
      tpu.wait_dma2 semaphore(%run_scoped3A : memref<!tpu.dma_semaphore, #tpu.memory_space<semaphore_mem>>) src(%dma_wait3A_20 : memref<6256x8xi32, #tpu.memory_space<vmem_shared>>) dst(%dma_wait3A_18 : memref<6256x8xi32, #tpu.memory_space<hbm>>)
      tpu.yield
    }) : () -> ()
    return
  }
}

module attributes {stable_mosaic.version = 14 : i64} {
  func.func @_tc_first_body(%arg0: i32, %arg1: memref<2000x128xf32, #tpu.memory_space<vmem>>, %arg2: memref<32x128xf32, #tpu.memory_space<vmem>>, %arg3: memref<1x32xf32, #tpu.memory_space<vmem>>, %arg4: memref<2000x32xf32, #tpu.memory_space<vmem>>) attributes {dimension_semantics = [#tpu.dimension_semantics<arbitrary>], iteration_bounds = array<i64: 50>, scalar_prefetch = 0 : i64, scratch_operands = 0 : i64, tpu.core_type = #tpu.core_type<tc>, window_params = [{transform_indices = @transform_0, window_bounds = array<i64: 2000, 128>}, {pipeline_mode = #tpu.pipeline_mode<synchronous>, transform_indices = @transform_1, window_bounds = array<i64: 32, 128>}, {pipeline_mode = #tpu.pipeline_mode<synchronous>, transform_indices = @transform_2, window_bounds = array<i64: 1, 32>}, {transform_indices = @transform_3, window_bounds = array<i64: 2000, 32>}]} {
    %get3A = arith.constant 0 : index
    %get3A_0 = arith.constant 0 : index
    %get3A_1 = vector.load %arg1[%get3A, %get3A_0] : memref<2000x128xf32, #tpu.memory_space<vmem>>, vector<2000x128xf32>
    %get3A_2 = arith.constant 0 : index
    %get3A_3 = arith.constant 0 : index
    %get3A_4 = vector.load %arg2[%get3A_2, %get3A_3] : memref<32x128xf32, #tpu.memory_space<vmem>>, vector<32x128xf32>
    %dot_general3A = arith.constant dense<0.000000e+00> : vector<2000x32xf32>
    %dot_general3A_5 = tpu.matmul %get3A_1, %get3A_4, %dot_general3A {dimension_numbers = #tpu.dot_dimension_numbers<[1], [1], [0], [0], [0, 0, 1, 0], [], []>, transpose_lhs_hint = false} : vector<2000x128xf32>, vector<32x128xf32>, vector<2000x32xf32> -> vector<2000x32xf32>
    %get3A_6 = arith.constant 0 : index
    %get3A_7 = arith.constant 0 : index
    %get3A_8 = vector.load %arg3[%get3A_6, %get3A_7] : memref<1x32xf32, #tpu.memory_space<vmem>>, vector<1x32xf32>
    %add3A = vector.broadcast %get3A_8 : vector<1x32xf32> to vector<2000x32xf32>
    %add3A_9 = arith.addf %dot_general3A_5, %add3A : vector<2000x32xf32>
    %max3A = arith.constant 0.000000e+00 : f32
    %max3A_10 = vector.broadcast %max3A : f32 to vector<2000x32xf32>
    %max3A_11 = arith.maximumf %add3A_9, %max3A_10 : vector<2000x32xf32>
    %swap3A = arith.constant 0 : index
    %swap3A_12 = arith.constant 0 : index
    %swap3A_13 = vector.load %arg4[%swap3A, %swap3A_12] : memref<2000x32xf32, #tpu.memory_space<vmem>>, vector<2000x32xf32>
    tpu.vector_store %arg4[%swap3A, %swap3A_12], %max3A_11 {strides = array<i32>} : memref<2000x32xf32, #tpu.memory_space<vmem>>, vector<2000x32xf32>,
    return
  }
  func.func @transform_0(%arg0: i32) -> (i32, i32) {
    %c0_i32 = arith.constant 0 : i32
    %c0_i32_0 = arith.constant 0 : i32
    return %arg0, %c0_i32 : i32, i32
  }
  func.func @transform_1(%arg0: i32) -> (i32, i32) {
    %c0_i32 = arith.constant 0 : i32
    %c0_i32_0 = arith.constant 0 : i32
    %c0_i32_1 = arith.constant 0 : i32
    return %c0_i32, %c0_i32_0 : i32, i32
  }
  func.func @transform_2(%arg0: i32) -> (i32, i32) {
    %c0_i32 = arith.constant 0 : i32
    %c0_i32_0 = arith.constant 0 : i32
    %c0_i32_1 = arith.constant 0 : i32
    return %c0_i32, %c0_i32_0 : i32, i32
  }
  func.func @transform_3(%arg0: i32) -> (i32, i32) {
    %c0_i32 = arith.constant 0 : i32
    %c0_i32_0 = arith.constant 0 : i32
    return %arg0, %c0_i32 : i32, i32
  }
}

module attributes {stable_mosaic.version = 14 : i64} {
  func.func @_tc_mid_body(%arg0: i32, %arg1: memref<2000x16xf32, #tpu.memory_space<vmem>>, %arg2: memref<2000x16xf32, #tpu.memory_space<vmem>>, %arg3: memref<2000x32xf32, #tpu.memory_space<vmem>>, %arg4: memref<2000x32xf32, #tpu.memory_space<vmem>>, %arg5: memref<2000x1xi32, #tpu.memory_space<vmem>>, %arg6: memref<6x32x32xf32, #tpu.memory_space<vmem>>, %arg7: memref<6x1x32xf32, #tpu.memory_space<vmem>>, %arg8: memref<1x1xf32, #tpu.memory_space<vmem>>, %arg9: memref<2000x32xf32, #tpu.memory_space<vmem>>) attributes {dimension_semantics = [#tpu.dimension_semantics<arbitrary>], iteration_bounds = array<i64: 50>, scalar_prefetch = 0 : i64, scratch_operands = 0 : i64, tpu.core_type = #tpu.core_type<tc>, window_params = [{transform_indices = @transform_0, window_bounds = array<i64: 2000, 16>}, {transform_indices = @transform_1, window_bounds = array<i64: 2000, 16>}, {transform_indices = @transform_2, window_bounds = array<i64: 2000, 32>}, {transform_indices = @transform_3, window_bounds = array<i64: 2000, 32>}, {transform_indices = @transform_4, window_bounds = array<i64: 2000, 1>}, {pipeline_mode = #tpu.pipeline_mode<synchronous>, transform_indices = @transform_5, window_bounds = array<i64: 6, 32, 32>}, {pipeline_mode = #tpu.pipeline_mode<synchronous>, transform_indices = @transform_6, window_bounds = array<i64: 6, 1, 32>}, {pipeline_mode = #tpu.pipeline_mode<synchronous>, transform_indices = @transform_7, window_bounds = array<i64: 1, 1>}, {transform_indices = @transform_8, window_bounds = array<i64: 2000, 32>}]} {
    %get3A = arith.constant 0 : index
    %get3A_0 = arith.constant 0 : index
    %get3A_1 = vector.load %arg1[%get3A, %get3A_0] : memref<2000x16xf32, #tpu.memory_space<vmem>>, vector<2000x16xf32>
    %get3A_2 = arith.constant 0 : index
    %get3A_3 = arith.constant 0 : index
    %get3A_4 = vector.load %arg2[%get3A_2, %get3A_3] : memref<2000x16xf32, #tpu.memory_space<vmem>>, vector<2000x16xf32>
    %get3A_5 = arith.constant 0 : index
    %get3A_6 = arith.constant 0 : index
    %get3A_7 = vector.load %arg3[%get3A_5, %get3A_6] : memref<2000x32xf32, #tpu.memory_space<vmem>>, vector<2000x32xf32>
    %get3A_8 = arith.constant 0 : index
    %get3A_9 = arith.constant 0 : index
    %get3A_10 = vector.load %arg5[%get3A_8, %get3A_9] : memref<2000x1xi32, #tpu.memory_space<vmem>>, vector<2000x1xi32>
    %concatenate3A = tpu.concatenate %get3A_1, %get3A_4 in 1 : vector<2000x16xf32>, vector<2000x16xf32> -> vector<2000x32xf32>
    %add3A = arith.addf %concatenate3A, %get3A_7 : vector<2000x32xf32>
    %min3A = arith.constant 5 : i32
    %min3A_11 = vector.broadcast %min3A : i32 to vector<2000x1xi32>
    %min3A_12 = arith.minsi %get3A_10, %min3A_11 : vector<2000x1xi32>
    %broadcast_in_dim3A = arith.constant 0.000000e+00 : f32
    %broadcast_in_dim3A_13 = vector.broadcast %broadcast_in_dim3A : f32 to vector<2000x32xf32>
    %get3A_14 = arith.constant 0 : index
    %get3A_15 = arith.constant 0 : index
    %get3A_16 = arith.constant 0 : index
    %get3A_17 = vector.load %arg6[%get3A_14, %get3A_15, %get3A_16] : memref<6x32x32xf32, #tpu.memory_space<vmem>>, vector<1x32x32xf32>
    %get3A_18 = vector.shape_cast %get3A_17 : vector<1x32x32xf32> to vector<32x32xf32>
    %dot_general3A = arith.constant dense<0.000000e+00> : vector<2000x32xf32>
    %dot_general3A_19 = tpu.matmul %add3A, %get3A_18, %dot_general3A {dimension_numbers = #tpu.dot_dimension_numbers<[1], [1], [0], [0], [0, 0, 1, 0], [], []>, transpose_lhs_hint = false} : vector<2000x32xf32>, vector<32x32xf32>, vector<2000x32xf32> -> vector<2000x32xf32>
    %get3A_20 = arith.constant 0 : index
    %get3A_21 = arith.constant 0 : index
    %get3A_22 = arith.constant 0 : index
    %get3A_23 = vector.load %arg7[%get3A_20, %get3A_21, %get3A_22] : memref<6x1x32xf32, #tpu.memory_space<vmem>>, vector<1x1x32xf32>
    %get3A_24 = vector.shape_cast %get3A_23 : vector<1x1x32xf32> to vector<1x32xf32>
    %add3A_25 = vector.broadcast %get3A_24 : vector<1x32xf32> to vector<2000x32xf32>
    %add3A_26 = arith.addf %dot_general3A_19, %add3A_25 : vector<2000x32xf32>
    %eq3A = arith.constant 0 : i32
    %eq3A_27 = vector.broadcast %eq3A : i32 to vector<2000x1xi32>
    %eq3A_28 = arith.cmpi eq, %min3A_12, %eq3A_27 : vector<2000x1xi32>
    %jit3A = arith.constant 0.000000e+00 : f32
    %broadcast_in_dim3A_29 = vector.shape_cast %eq3A_28 : vector<2000x1xi1> to vector<2000x1xi1>
    %broadcast_in_dim3A_30 = vector.broadcast %broadcast_in_dim3A_29 : vector<2000x1xi1> to vector<2000x32xi1>
    %broadcast_in_dim3A_31 = vector.broadcast %jit3A : f32 to vector<2000x32xf32>
    %select_n3A = arith.select %broadcast_in_dim3A_30, %add3A_26, %broadcast_in_dim3A_31 : vector<2000x32xi1>, vector<2000x32xf32>
    %add3A_32 = arith.addf %broadcast_in_dim3A_13, %select_n3A : vector<2000x32xf32>
    %get3A_33 = arith.constant 1 : index
    %get3A_34 = arith.constant 0 : index
    %get3A_35 = arith.constant 0 : index
    %get3A_36 = vector.load %arg6[%get3A_33, %get3A_34, %get3A_35] : memref<6x32x32xf32, #tpu.memory_space<vmem>>, vector<1x32x32xf32>
    %get3A_37 = vector.shape_cast %get3A_36 : vector<1x32x32xf32> to vector<32x32xf32>
    %dot_general3A_38 = arith.constant dense<0.000000e+00> : vector<2000x32xf32>
    %dot_general3A_39 = tpu.matmul %add3A, %get3A_37, %dot_general3A_38 {dimension_numbers = #tpu.dot_dimension_numbers<[1], [1], [0], [0], [0, 0, 1, 0], [], []>, transpose_lhs_hint = false} : vector<2000x32xf32>, vector<32x32xf32>, vector<2000x32xf32> -> vector<2000x32xf32>
    %get3A_40 = arith.constant 1 : index
    %get3A_41 = arith.constant 0 : index
    %get3A_42 = arith.constant 0 : index
    %get3A_43 = vector.load %arg7[%get3A_40, %get3A_41, %get3A_42] : memref<6x1x32xf32, #tpu.memory_space<vmem>>, vector<1x1x32xf32>
    %get3A_44 = vector.shape_cast %get3A_43 : vector<1x1x32xf32> to vector<1x32xf32>
    %add3A_45 = vector.broadcast %get3A_44 : vector<1x32xf32> to vector<2000x32xf32>
    %add3A_46 = arith.addf %dot_general3A_39, %add3A_45 : vector<2000x32xf32>
    %eq3A_47 = arith.constant 1 : i32
    %eq3A_48 = vector.broadcast %eq3A_47 : i32 to vector<2000x1xi32>
    %eq3A_49 = arith.cmpi eq, %min3A_12, %eq3A_48 : vector<2000x1xi32>
    %jit3A_50 = arith.constant 0.000000e+00 : f32
    %broadcast_in_dim3A_51 = vector.shape_cast %eq3A_49 : vector<2000x1xi1> to vector<2000x1xi1>
    %broadcast_in_dim3A_52 = vector.broadcast %broadcast_in_dim3A_51 : vector<2000x1xi1> to vector<2000x32xi1>
    %broadcast_in_dim3A_53 = vector.broadcast %jit3A_50 : f32 to vector<2000x32xf32>
    %select_n3A_54 = arith.select %broadcast_in_dim3A_52, %add3A_46, %broadcast_in_dim3A_53 : vector<2000x32xi1>, vector<2000x32xf32>
    %add3A_55 = arith.addf %add3A_32, %select_n3A_54 : vector<2000x32xf32>
    %get3A_56 = arith.constant 2 : index
    %get3A_57 = arith.constant 0 : index
    %get3A_58 = arith.constant 0 : index
    %get3A_59 = vector.load %arg6[%get3A_56, %get3A_57, %get3A_58] : memref<6x32x32xf32, #tpu.memory_space<vmem>>, vector<1x32x32xf32>
    %get3A_60 = vector.shape_cast %get3A_59 : vector<1x32x32xf32> to vector<32x32xf32>
    %dot_general3A_61 = arith.constant dense<0.000000e+00> : vector<2000x32xf32>
    %dot_general3A_62 = tpu.matmul %add3A, %get3A_60, %dot_general3A_61 {dimension_numbers = #tpu.dot_dimension_numbers<[1], [1], [0], [0], [0, 0, 1, 0], [], []>, transpose_lhs_hint = false} : vector<2000x32xf32>, vector<32x32xf32>, vector<2000x32xf32> -> vector<2000x32xf32>
    %get3A_63 = arith.constant 2 : index
    %get3A_64 = arith.constant 0 : index
    %get3A_65 = arith.constant 0 : index
    %get3A_66 = vector.load %arg7[%get3A_63, %get3A_64, %get3A_65] : memref<6x1x32xf32, #tpu.memory_space<vmem>>, vector<1x1x32xf32>
    %get3A_67 = vector.shape_cast %get3A_66 : vector<1x1x32xf32> to vector<1x32xf32>
    %add3A_68 = vector.broadcast %get3A_67 : vector<1x32xf32> to vector<2000x32xf32>
    %add3A_69 = arith.addf %dot_general3A_62, %add3A_68 : vector<2000x32xf32>
    %eq3A_70 = arith.constant 2 : i32
    %eq3A_71 = vector.broadcast %eq3A_70 : i32 to vector<2000x1xi32>
    %eq3A_72 = arith.cmpi eq, %min3A_12, %eq3A_71 : vector<2000x1xi32>
    %jit3A_73 = arith.constant 0.000000e+00 : f32
    %broadcast_in_dim3A_74 = vector.shape_cast %eq3A_72 : vector<2000x1xi1> to vector<2000x1xi1>
    %broadcast_in_dim3A_75 = vector.broadcast %broadcast_in_dim3A_74 : vector<2000x1xi1> to vector<2000x32xi1>
    %broadcast_in_dim3A_76 = vector.broadcast %jit3A_73 : f32 to vector<2000x32xf32>
    %select_n3A_77 = arith.select %broadcast_in_dim3A_75, %add3A_69, %broadcast_in_dim3A_76 : vector<2000x32xi1>, vector<2000x32xf32>
    %add3A_78 = arith.addf %add3A_55, %select_n3A_77 : vector<2000x32xf32>
    %get3A_79 = arith.constant 3 : index
    %get3A_80 = arith.constant 0 : index
    %get3A_81 = arith.constant 0 : index
    %get3A_82 = vector.load %arg6[%get3A_79, %get3A_80, %get3A_81] : memref<6x32x32xf32, #tpu.memory_space<vmem>>, vector<1x32x32xf32>
    %get3A_83 = vector.shape_cast %get3A_82 : vector<1x32x32xf32> to vector<32x32xf32>
    %dot_general3A_84 = arith.constant dense<0.000000e+00> : vector<2000x32xf32>
    %dot_general3A_85 = tpu.matmul %add3A, %get3A_83, %dot_general3A_84 {dimension_numbers = #tpu.dot_dimension_numbers<[1], [1], [0], [0], [0, 0, 1, 0], [], []>, transpose_lhs_hint = false} : vector<2000x32xf32>, vector<32x32xf32>, vector<2000x32xf32> -> vector<2000x32xf32>
    %get3A_86 = arith.constant 3 : index
    %get3A_87 = arith.constant 0 : index
    %get3A_88 = arith.constant 0 : index
    %get3A_89 = vector.load %arg7[%get3A_86, %get3A_87, %get3A_88] : memref<6x1x32xf32, #tpu.memory_space<vmem>>, vector<1x1x32xf32>
    %get3A_90 = vector.shape_cast %get3A_89 : vector<1x1x32xf32> to vector<1x32xf32>
    %add3A_91 = vector.broadcast %get3A_90 : vector<1x32xf32> to vector<2000x32xf32>
    %add3A_92 = arith.addf %dot_general3A_85, %add3A_91 : vector<2000x32xf32>
    %eq3A_93 = arith.constant 3 : i32
    %eq3A_94 = vector.broadcast %eq3A_93 : i32 to vector<2000x1xi32>
    %eq3A_95 = arith.cmpi eq, %min3A_12, %eq3A_94 : vector<2000x1xi32>
    %jit3A_96 = arith.constant 0.000000e+00 : f32
    %broadcast_in_dim3A_97 = vector.shape_cast %eq3A_95 : vector<2000x1xi1> to vector<2000x1xi1>
    %broadcast_in_dim3A_98 = vector.broadcast %broadcast_in_dim3A_97 : vector<2000x1xi1> to vector<2000x32xi1>
    %broadcast_in_dim3A_99 = vector.broadcast %jit3A_96 : f32 to vector<2000x32xf32>
    %select_n3A_100 = arith.select %broadcast_in_dim3A_98, %add3A_92, %broadcast_in_dim3A_99 : vector<2000x32xi1>, vector<2000x32xf32>
    %add3A_101 = arith.addf %add3A_78, %select_n3A_100 : vector<2000x32xf32>
    %get3A_102 = arith.constant 4 : index
    %get3A_103 = arith.constant 0 : index
    %get3A_104 = arith.constant 0 : index
    %get3A_105 = vector.load %arg6[%get3A_102, %get3A_103, %get3A_104] : memref<6x32x32xf32, #tpu.memory_space<vmem>>, vector<1x32x32xf32>
    %get3A_106 = vector.shape_cast %get3A_105 : vector<1x32x32xf32> to vector<32x32xf32>
    %dot_general3A_107 = arith.constant dense<0.000000e+00> : vector<2000x32xf32>
    %dot_general3A_108 = tpu.matmul %add3A, %get3A_106, %dot_general3A_107 {dimension_numbers = #tpu.dot_dimension_numbers<[1], [1], [0], [0], [0, 0, 1, 0], [], []>, transpose_lhs_hint = false} : vector<2000x32xf32>, vector<32x32xf32>, vector<2000x32xf32> -> vector<2000x32xf32>
    %get3A_109 = arith.constant 4 : index
    %get3A_110 = arith.constant 0 : index
    %get3A_111 = arith.constant 0 : index
    %get3A_112 = vector.load %arg7[%get3A_109, %get3A_110, %get3A_111] : memref<6x1x32xf32, #tpu.memory_space<vmem>>, vector<1x1x32xf32>
    %get3A_113 = vector.shape_cast %get3A_112 : vector<1x1x32xf32> to vector<1x32xf32>
    %add3A_114 = vector.broadcast %get3A_113 : vector<1x32xf32> to vector<2000x32xf32>
    %add3A_115 = arith.addf %dot_general3A_108, %add3A_114 : vector<2000x32xf32>
    %eq3A_116 = arith.constant 4 : i32
    %eq3A_117 = vector.broadcast %eq3A_116 : i32 to vector<2000x1xi32>
    %eq3A_118 = arith.cmpi eq, %min3A_12, %eq3A_117 : vector<2000x1xi32>
    %jit3A_119 = arith.constant 0.000000e+00 : f32
    %broadcast_in_dim3A_120 = vector.shape_cast %eq3A_118 : vector<2000x1xi1> to vector<2000x1xi1>
    %broadcast_in_dim3A_121 = vector.broadcast %broadcast_in_dim3A_120 : vector<2000x1xi1> to vector<2000x32xi1>
    %broadcast_in_dim3A_122 = vector.broadcast %jit3A_119 : f32 to vector<2000x32xf32>
    %select_n3A_123 = arith.select %broadcast_in_dim3A_121, %add3A_115, %broadcast_in_dim3A_122 : vector<2000x32xi1>, vector<2000x32xf32>
    %add3A_124 = arith.addf %add3A_101, %select_n3A_123 : vector<2000x32xf32>
    %get3A_125 = arith.constant 5 : index
    %get3A_126 = arith.constant 0 : index
    %get3A_127 = arith.constant 0 : index
    %get3A_128 = vector.load %arg6[%get3A_125, %get3A_126, %get3A_127] : memref<6x32x32xf32, #tpu.memory_space<vmem>>, vector<1x32x32xf32>
    %get3A_129 = vector.shape_cast %get3A_128 : vector<1x32x32xf32> to vector<32x32xf32>
    %dot_general3A_130 = arith.constant dense<0.000000e+00> : vector<2000x32xf32>
    %dot_general3A_131 = tpu.matmul %add3A, %get3A_129, %dot_general3A_130 {dimension_numbers = #tpu.dot_dimension_numbers<[1], [1], [0], [0], [0, 0, 1, 0], [], []>, transpose_lhs_hint = false} : vector<2000x32xf32>, vector<32x32xf32>, vector<2000x32xf32> -> vector<2000x32xf32>
    %get3A_132 = arith.constant 5 : index
    %get3A_133 = arith.constant 0 : index
    %get3A_134 = arith.constant 0 : index
    %get3A_135 = vector.load %arg7[%get3A_132, %get3A_133, %get3A_134] : memref<6x1x32xf32, #tpu.memory_space<vmem>>, vector<1x1x32xf32>
    %get3A_136 = vector.shape_cast %get3A_135 : vector<1x1x32xf32> to vector<1x32xf32>
    %add3A_137 = vector.broadcast %get3A_136 : vector<1x32xf32> to vector<2000x32xf32>
    %add3A_138 = arith.addf %dot_general3A_131, %add3A_137 : vector<2000x32xf32>
    %eq3A_139 = arith.constant 5 : i32
    %eq3A_140 = vector.broadcast %eq3A_139 : i32 to vector<2000x1xi32>
    %eq3A_141 = arith.cmpi eq, %min3A_12, %eq3A_140 : vector<2000x1xi32>
    %jit3A_142 = arith.constant 0.000000e+00 : f32
    %broadcast_in_dim3A_143 = vector.shape_cast %eq3A_141 : vector<2000x1xi1> to vector<2000x1xi1>
    %broadcast_in_dim3A_144 = vector.broadcast %broadcast_in_dim3A_143 : vector<2000x1xi1> to vector<2000x32xi1>
    %broadcast_in_dim3A_145 = vector.broadcast %jit3A_142 : f32 to vector<2000x32xf32>
    %select_n3A_146 = arith.select %broadcast_in_dim3A_144, %add3A_138, %broadcast_in_dim3A_145 : vector<2000x32xi1>, vector<2000x32xf32>
    %add3A_147 = arith.addf %add3A_124, %select_n3A_146 : vector<2000x32xf32>
    %get3A_148 = arith.constant 0 : index
    %get3A_149 = arith.constant 0 : index
    %get3A_150 = vector.load %arg8[%get3A_148, %get3A_149] : memref<1x1xf32, #tpu.memory_space<vmem>>, vector<1x1xf32>
    %get3A_151 = vector.extract %get3A_150[0, 0] : f32 from vector<1x1xf32>
    %get3A_152 = arith.constant 0 : index
    %get3A_153 = arith.constant 0 : index
    %get3A_154 = vector.load %arg4[%get3A_152, %get3A_153] : memref<2000x32xf32, #tpu.memory_space<vmem>>, vector<2000x32xf32>
    %mul3A = vector.broadcast %get3A_151 : f32 to vector<2000x32xf32>
    %mul3A_155 = arith.mulf %mul3A, %get3A_154 : vector<2000x32xf32>
    %add3A_156 = arith.addf %add3A_147, %mul3A_155 : vector<2000x32xf32>
    %swap3A = arith.constant 0 : index
    %swap3A_157 = arith.constant 0 : index
    %swap3A_158 = vector.load %arg9[%swap3A, %swap3A_157] : memref<2000x32xf32, #tpu.memory_space<vmem>>, vector<2000x32xf32>
    tpu.vector_store %arg9[%swap3A, %swap3A_157], %add3A_156 {strides = array<i32>} : memref<2000x32xf32, #tpu.memory_space<vmem>>, vector<2000x32xf32>,
    return
  }
  func.func @transform_0(%arg0: i32) -> (i32, i32) {
    %c0_i32 = arith.constant 0 : i32
    %c0_i32_0 = arith.constant 0 : i32
    return %arg0, %c0_i32 : i32, i32
  }
  func.func @transform_1(%arg0: i32) -> (i32, i32) {
    %c0_i32 = arith.constant 0 : i32
    %c0_i32_0 = arith.constant 0 : i32
    return %arg0, %c0_i32 : i32, i32
  }
  func.func @transform_2(%arg0: i32) -> (i32, i32) {
    %c0_i32 = arith.constant 0 : i32
    %c0_i32_0 = arith.constant 0 : i32
    return %arg0, %c0_i32 : i32, i32
  }
  func.func @transform_3(%arg0: i32) -> (i32, i32) {
    %c0_i32 = arith.constant 0 : i32
    %c0_i32_0 = arith.constant 0 : i32
    return %arg0, %c0_i32 : i32, i32
  }
  func.func @transform_4(%arg0: i32) -> (i32, i32) {
    %c0_i32 = arith.constant 0 : i32
    %c0_i32_0 = arith.constant 0 : i32
    return %arg0, %c0_i32 : i32, i32
  }
  func.func @transform_5(%arg0: i32) -> (i32, i32, i32) {
    %c0_i32 = arith.constant 0 : i32
    %c0_i32_0 = arith.constant 0 : i32
    %c0_i32_1 = arith.constant 0 : i32
    %c0_i32_2 = arith.constant 0 : i32
    return %c0_i32, %c0_i32_0, %c0_i32_1 : i32, i32, i32
  }
  func.func @transform_6(%arg0: i32) -> (i32, i32, i32) {
    %c0_i32 = arith.constant 0 : i32
    %c0_i32_0 = arith.constant 0 : i32
    %c0_i32_1 = arith.constant 0 : i32
    %c0_i32_2 = arith.constant 0 : i32
    return %c0_i32, %c0_i32_0, %c0_i32_1 : i32, i32, i32
  }
  func.func @transform_7(%arg0: i32) -> (i32, i32) {
    %c0_i32 = arith.constant 0 : i32
    %c0_i32_0 = arith.constant 0 : i32
    %c0_i32_1 = arith.constant 0 : i32
    return %c0_i32, %c0_i32_0 : i32, i32
  }
  func.func @transform_8(%arg0: i32) -> (i32, i32) {
    %c0_i32 = arith.constant 0 : i32
    %c0_i32_0 = arith.constant 0 : i32
    return %arg0, %c0_i32 : i32, i32
  }
}

module attributes {stable_mosaic.version = 14 : i64} {
  func.func @_tc_final_body(%arg0: i32, %arg1: memref<2000x16xf32, #tpu.memory_space<vmem>>, %arg2: memref<2000x16xf32, #tpu.memory_space<vmem>>, %arg3: memref<2000x32xf32, #tpu.memory_space<vmem>>, %arg4: memref<2000x32xf32, #tpu.memory_space<vmem>>, %arg5: memref<2000x1xi32, #tpu.memory_space<vmem>>, %arg6: memref<6x32x32xf32, #tpu.memory_space<vmem>>, %arg7: memref<6x1x32xf32, #tpu.memory_space<vmem>>, %arg8: memref<1x1xf32, #tpu.memory_space<vmem>>, %arg9: memref<2x32xf32, #tpu.memory_space<vmem>>, %arg10: memref<1x2xf32, #tpu.memory_space<vmem>>, %arg11: memref<2000x2xf32, #tpu.memory_space<vmem>>) attributes {dimension_semantics = [#tpu.dimension_semantics<arbitrary>], iteration_bounds = array<i64: 50>, scalar_prefetch = 0 : i64, scratch_operands = 0 : i64, tpu.core_type = #tpu.core_type<tc>, window_params = [{transform_indices = @transform_0, window_bounds = array<i64: 2000, 16>}, {transform_indices = @transform_1, window_bounds = array<i64: 2000, 16>}, {transform_indices = @transform_2, window_bounds = array<i64: 2000, 32>}, {transform_indices = @transform_3, window_bounds = array<i64: 2000, 32>}, {transform_indices = @transform_4, window_bounds = array<i64: 2000, 1>}, {pipeline_mode = #tpu.pipeline_mode<synchronous>, transform_indices = @transform_5, window_bounds = array<i64: 6, 32, 32>}, {pipeline_mode = #tpu.pipeline_mode<synchronous>, transform_indices = @transform_6, window_bounds = array<i64: 6, 1, 32>}, {pipeline_mode = #tpu.pipeline_mode<synchronous>, transform_indices = @transform_7, window_bounds = array<i64: 1, 1>}, {pipeline_mode = #tpu.pipeline_mode<synchronous>, transform_indices = @transform_8, window_bounds = array<i64: 2, 32>}, {pipeline_mode = #tpu.pipeline_mode<synchronous>, transform_indices = @transform_9, window_bounds = array<i64: 1, 2>}, {transform_indices = @transform_10, window_bounds = array<i64: 2000, 2>}]} {
    %get3A = arith.constant 0 : index
    %get3A_0 = arith.constant 0 : index
    %get3A_1 = vector.load %arg1[%get3A, %get3A_0] : memref<2000x16xf32, #tpu.memory_space<vmem>>, vector<2000x16xf32>
    %get3A_2 = arith.constant 0 : index
    %get3A_3 = arith.constant 0 : index
    %get3A_4 = vector.load %arg2[%get3A_2, %get3A_3] : memref<2000x16xf32, #tpu.memory_space<vmem>>, vector<2000x16xf32>
    %get3A_5 = arith.constant 0 : index
    %get3A_6 = arith.constant 0 : index
    %get3A_7 = vector.load %arg3[%get3A_5, %get3A_6] : memref<2000x32xf32, #tpu.memory_space<vmem>>, vector<2000x32xf32>
    %get3A_8 = arith.constant 0 : index
    %get3A_9 = arith.constant 0 : index
    %get3A_10 = vector.load %arg5[%get3A_8, %get3A_9] : memref<2000x1xi32, #tpu.memory_space<vmem>>, vector<2000x1xi32>
    %concatenate3A = tpu.concatenate %get3A_1, %get3A_4 in 1 : vector<2000x16xf32>, vector<2000x16xf32> -> vector<2000x32xf32>
    %add3A = arith.addf %concatenate3A, %get3A_7 : vector<2000x32xf32>
    %min3A = arith.constant 5 : i32
    %min3A_11 = vector.broadcast %min3A : i32 to vector<2000x1xi32>
    %min3A_12 = arith.minsi %get3A_10, %min3A_11 : vector<2000x1xi32>
    %broadcast_in_dim3A = arith.constant 0.000000e+00 : f32
    %broadcast_in_dim3A_13 = vector.broadcast %broadcast_in_dim3A : f32 to vector<2000x32xf32>
    %get3A_14 = arith.constant 0 : index
    %get3A_15 = arith.constant 0 : index
    %get3A_16 = arith.constant 0 : index
    %get3A_17 = vector.load %arg6[%get3A_14, %get3A_15, %get3A_16] : memref<6x32x32xf32, #tpu.memory_space<vmem>>, vector<1x32x32xf32>
    %get3A_18 = vector.shape_cast %get3A_17 : vector<1x32x32xf32> to vector<32x32xf32>
    %dot_general3A = arith.constant dense<0.000000e+00> : vector<2000x32xf32>
    %dot_general3A_19 = tpu.matmul %add3A, %get3A_18, %dot_general3A {dimension_numbers = #tpu.dot_dimension_numbers<[1], [1], [0], [0], [0, 0, 1, 0], [], []>, transpose_lhs_hint = false} : vector<2000x32xf32>, vector<32x32xf32>, vector<2000x32xf32> -> vector<2000x32xf32>
    %get3A_20 = arith.constant 0 : index
    %get3A_21 = arith.constant 0 : index
    %get3A_22 = arith.constant 0 : index
    %get3A_23 = vector.load %arg7[%get3A_20, %get3A_21, %get3A_22] : memref<6x1x32xf32, #tpu.memory_space<vmem>>, vector<1x1x32xf32>
    %get3A_24 = vector.shape_cast %get3A_23 : vector<1x1x32xf32> to vector<1x32xf32>
    %add3A_25 = vector.broadcast %get3A_24 : vector<1x32xf32> to vector<2000x32xf32>
    %add3A_26 = arith.addf %dot_general3A_19, %add3A_25 : vector<2000x32xf32>
    %eq3A = arith.constant 0 : i32
    %eq3A_27 = vector.broadcast %eq3A : i32 to vector<2000x1xi32>
    %eq3A_28 = arith.cmpi eq, %min3A_12, %eq3A_27 : vector<2000x1xi32>
    %jit3A = arith.constant 0.000000e+00 : f32
    %broadcast_in_dim3A_29 = vector.shape_cast %eq3A_28 : vector<2000x1xi1> to vector<2000x1xi1>
    %broadcast_in_dim3A_30 = vector.broadcast %broadcast_in_dim3A_29 : vector<2000x1xi1> to vector<2000x32xi1>
    %broadcast_in_dim3A_31 = vector.broadcast %jit3A : f32 to vector<2000x32xf32>
    %select_n3A = arith.select %broadcast_in_dim3A_30, %add3A_26, %broadcast_in_dim3A_31 : vector<2000x32xi1>, vector<2000x32xf32>
    %add3A_32 = arith.addf %broadcast_in_dim3A_13, %select_n3A : vector<2000x32xf32>
    %get3A_33 = arith.constant 1 : index
    %get3A_34 = arith.constant 0 : index
    %get3A_35 = arith.constant 0 : index
    %get3A_36 = vector.load %arg6[%get3A_33, %get3A_34, %get3A_35] : memref<6x32x32xf32, #tpu.memory_space<vmem>>, vector<1x32x32xf32>
    %get3A_37 = vector.shape_cast %get3A_36 : vector<1x32x32xf32> to vector<32x32xf32>
    %dot_general3A_38 = arith.constant dense<0.000000e+00> : vector<2000x32xf32>
    %dot_general3A_39 = tpu.matmul %add3A, %get3A_37, %dot_general3A_38 {dimension_numbers = #tpu.dot_dimension_numbers<[1], [1], [0], [0], [0, 0, 1, 0], [], []>, transpose_lhs_hint = false} : vector<2000x32xf32>, vector<32x32xf32>, vector<2000x32xf32> -> vector<2000x32xf32>
    %get3A_40 = arith.constant 1 : index
    %get3A_41 = arith.constant 0 : index
    %get3A_42 = arith.constant 0 : index
    %get3A_43 = vector.load %arg7[%get3A_40, %get3A_41, %get3A_42] : memref<6x1x32xf32, #tpu.memory_space<vmem>>, vector<1x1x32xf32>
    %get3A_44 = vector.shape_cast %get3A_43 : vector<1x1x32xf32> to vector<1x32xf32>
    %add3A_45 = vector.broadcast %get3A_44 : vector<1x32xf32> to vector<2000x32xf32>
    %add3A_46 = arith.addf %dot_general3A_39, %add3A_45 : vector<2000x32xf32>
    %eq3A_47 = arith.constant 1 : i32
    %eq3A_48 = vector.broadcast %eq3A_47 : i32 to vector<2000x1xi32>
    %eq3A_49 = arith.cmpi eq, %min3A_12, %eq3A_48 : vector<2000x1xi32>
    %jit3A_50 = arith.constant 0.000000e+00 : f32
    %broadcast_in_dim3A_51 = vector.shape_cast %eq3A_49 : vector<2000x1xi1> to vector<2000x1xi1>
    %broadcast_in_dim3A_52 = vector.broadcast %broadcast_in_dim3A_51 : vector<2000x1xi1> to vector<2000x32xi1>
    %broadcast_in_dim3A_53 = vector.broadcast %jit3A_50 : f32 to vector<2000x32xf32>
    %select_n3A_54 = arith.select %broadcast_in_dim3A_52, %add3A_46, %broadcast_in_dim3A_53 : vector<2000x32xi1>, vector<2000x32xf32>
    %add3A_55 = arith.addf %add3A_32, %select_n3A_54 : vector<2000x32xf32>
    %get3A_56 = arith.constant 2 : index
    %get3A_57 = arith.constant 0 : index
    %get3A_58 = arith.constant 0 : index
    %get3A_59 = vector.load %arg6[%get3A_56, %get3A_57, %get3A_58] : memref<6x32x32xf32, #tpu.memory_space<vmem>>, vector<1x32x32xf32>
    %get3A_60 = vector.shape_cast %get3A_59 : vector<1x32x32xf32> to vector<32x32xf32>
    %dot_general3A_61 = arith.constant dense<0.000000e+00> : vector<2000x32xf32>
    %dot_general3A_62 = tpu.matmul %add3A, %get3A_60, %dot_general3A_61 {dimension_numbers = #tpu.dot_dimension_numbers<[1], [1], [0], [0], [0, 0, 1, 0], [], []>, transpose_lhs_hint = false} : vector<2000x32xf32>, vector<32x32xf32>, vector<2000x32xf32> -> vector<2000x32xf32>
    %get3A_63 = arith.constant 2 : index
    %get3A_64 = arith.constant 0 : index
    %get3A_65 = arith.constant 0 : index
    %get3A_66 = vector.load %arg7[%get3A_63, %get3A_64, %get3A_65] : memref<6x1x32xf32, #tpu.memory_space<vmem>>, vector<1x1x32xf32>
    %get3A_67 = vector.shape_cast %get3A_66 : vector<1x1x32xf32> to vector<1x32xf32>
    %add3A_68 = vector.broadcast %get3A_67 : vector<1x32xf32> to vector<2000x32xf32>
    %add3A_69 = arith.addf %dot_general3A_62, %add3A_68 : vector<2000x32xf32>
    %eq3A_70 = arith.constant 2 : i32
    %eq3A_71 = vector.broadcast %eq3A_70 : i32 to vector<2000x1xi32>
    %eq3A_72 = arith.cmpi eq, %min3A_12, %eq3A_71 : vector<2000x1xi32>
    %jit3A_73 = arith.constant 0.000000e+00 : f32
    %broadcast_in_dim3A_74 = vector.shape_cast %eq3A_72 : vector<2000x1xi1> to vector<2000x1xi1>
    %broadcast_in_dim3A_75 = vector.broadcast %broadcast_in_dim3A_74 : vector<2000x1xi1> to vector<2000x32xi1>
    %broadcast_in_dim3A_76 = vector.broadcast %jit3A_73 : f32 to vector<2000x32xf32>
    %select_n3A_77 = arith.select %broadcast_in_dim3A_75, %add3A_69, %broadcast_in_dim3A_76 : vector<2000x32xi1>, vector<2000x32xf32>
    %add3A_78 = arith.addf %add3A_55, %select_n3A_77 : vector<2000x32xf32>
    %get3A_79 = arith.constant 3 : index
    %get3A_80 = arith.constant 0 : index
    %get3A_81 = arith.constant 0 : index
    %get3A_82 = vector.load %arg6[%get3A_79, %get3A_80, %get3A_81] : memref<6x32x32xf32, #tpu.memory_space<vmem>>, vector<1x32x32xf32>
    %get3A_83 = vector.shape_cast %get3A_82 : vector<1x32x32xf32> to vector<32x32xf32>
    %dot_general3A_84 = arith.constant dense<0.000000e+00> : vector<2000x32xf32>
    %dot_general3A_85 = tpu.matmul %add3A, %get3A_83, %dot_general3A_84 {dimension_numbers = #tpu.dot_dimension_numbers<[1], [1], [0], [0], [0, 0, 1, 0], [], []>, transpose_lhs_hint = false} : vector<2000x32xf32>, vector<32x32xf32>, vector<2000x32xf32> -> vector<2000x32xf32>
    %get3A_86 = arith.constant 3 : index
    %get3A_87 = arith.constant 0 : index
    %get3A_88 = arith.constant 0 : index
    %get3A_89 = vector.load %arg7[%get3A_86, %get3A_87, %get3A_88] : memref<6x1x32xf32, #tpu.memory_space<vmem>>, vector<1x1x32xf32>
    %get3A_90 = vector.shape_cast %get3A_89 : vector<1x1x32xf32> to vector<1x32xf32>
    %add3A_91 = vector.broadcast %get3A_90 : vector<1x32xf32> to vector<2000x32xf32>
    %add3A_92 = arith.addf %dot_general3A_85, %add3A_91 : vector<2000x32xf32>
    %eq3A_93 = arith.constant 3 : i32
    %eq3A_94 = vector.broadcast %eq3A_93 : i32 to vector<2000x1xi32>
    %eq3A_95 = arith.cmpi eq, %min3A_12, %eq3A_94 : vector<2000x1xi32>
    %jit3A_96 = arith.constant 0.000000e+00 : f32
    %broadcast_in_dim3A_97 = vector.shape_cast %eq3A_95 : vector<2000x1xi1> to vector<2000x1xi1>
    %broadcast_in_dim3A_98 = vector.broadcast %broadcast_in_dim3A_97 : vector<2000x1xi1> to vector<2000x32xi1>
    %broadcast_in_dim3A_99 = vector.broadcast %jit3A_96 : f32 to vector<2000x32xf32>
    %select_n3A_100 = arith.select %broadcast_in_dim3A_98, %add3A_92, %broadcast_in_dim3A_99 : vector<2000x32xi1>, vector<2000x32xf32>
    %add3A_101 = arith.addf %add3A_78, %select_n3A_100 : vector<2000x32xf32>
    %get3A_102 = arith.constant 4 : index
    %get3A_103 = arith.constant 0 : index
    %get3A_104 = arith.constant 0 : index
    %get3A_105 = vector.load %arg6[%get3A_102, %get3A_103, %get3A_104] : memref<6x32x32xf32, #tpu.memory_space<vmem>>, vector<1x32x32xf32>
    %get3A_106 = vector.shape_cast %get3A_105 : vector<1x32x32xf32> to vector<32x32xf32>
    %dot_general3A_107 = arith.constant dense<0.000000e+00> : vector<2000x32xf32>
    %dot_general3A_108 = tpu.matmul %add3A, %get3A_106, %dot_general3A_107 {dimension_numbers = #tpu.dot_dimension_numbers<[1], [1], [0], [0], [0, 0, 1, 0], [], []>, transpose_lhs_hint = false} : vector<2000x32xf32>, vector<32x32xf32>, vector<2000x32xf32> -> vector<2000x32xf32>
    %get3A_109 = arith.constant 4 : index
    %get3A_110 = arith.constant 0 : index
    %get3A_111 = arith.constant 0 : index
    %get3A_112 = vector.load %arg7[%get3A_109, %get3A_110, %get3A_111] : memref<6x1x32xf32, #tpu.memory_space<vmem>>, vector<1x1x32xf32>
    %get3A_113 = vector.shape_cast %get3A_112 : vector<1x1x32xf32> to vector<1x32xf32>
    %add3A_114 = vector.broadcast %get3A_113 : vector<1x32xf32> to vector<2000x32xf32>
    %add3A_115 = arith.addf %dot_general3A_108, %add3A_114 : vector<2000x32xf32>
    %eq3A_116 = arith.constant 4 : i32
    %eq3A_117 = vector.broadcast %eq3A_116 : i32 to vector<2000x1xi32>
    %eq3A_118 = arith.cmpi eq, %min3A_12, %eq3A_117 : vector<2000x1xi32>
    %jit3A_119 = arith.constant 0.000000e+00 : f32
    %broadcast_in_dim3A_120 = vector.shape_cast %eq3A_118 : vector<2000x1xi1> to vector<2000x1xi1>
    %broadcast_in_dim3A_121 = vector.broadcast %broadcast_in_dim3A_120 : vector<2000x1xi1> to vector<2000x32xi1>
    %broadcast_in_dim3A_122 = vector.broadcast %jit3A_119 : f32 to vector<2000x32xf32>
    %select_n3A_123 = arith.select %broadcast_in_dim3A_121, %add3A_115, %broadcast_in_dim3A_122 : vector<2000x32xi1>, vector<2000x32xf32>
    %add3A_124 = arith.addf %add3A_101, %select_n3A_123 : vector<2000x32xf32>
    %get3A_125 = arith.constant 5 : index
    %get3A_126 = arith.constant 0 : index
    %get3A_127 = arith.constant 0 : index
    %get3A_128 = vector.load %arg6[%get3A_125, %get3A_126, %get3A_127] : memref<6x32x32xf32, #tpu.memory_space<vmem>>, vector<1x32x32xf32>
    %get3A_129 = vector.shape_cast %get3A_128 : vector<1x32x32xf32> to vector<32x32xf32>
    %dot_general3A_130 = arith.constant dense<0.000000e+00> : vector<2000x32xf32>
    %dot_general3A_131 = tpu.matmul %add3A, %get3A_129, %dot_general3A_130 {dimension_numbers = #tpu.dot_dimension_numbers<[1], [1], [0], [0], [0, 0, 1, 0], [], []>, transpose_lhs_hint = false} : vector<2000x32xf32>, vector<32x32xf32>, vector<2000x32xf32> -> vector<2000x32xf32>
    %get3A_132 = arith.constant 5 : index
    %get3A_133 = arith.constant 0 : index
    %get3A_134 = arith.constant 0 : index
    %get3A_135 = vector.load %arg7[%get3A_132, %get3A_133, %get3A_134] : memref<6x1x32xf32, #tpu.memory_space<vmem>>, vector<1x1x32xf32>
    %get3A_136 = vector.shape_cast %get3A_135 : vector<1x1x32xf32> to vector<1x32xf32>
    %add3A_137 = vector.broadcast %get3A_136 : vector<1x32xf32> to vector<2000x32xf32>
    %add3A_138 = arith.addf %dot_general3A_131, %add3A_137 : vector<2000x32xf32>
    %eq3A_139 = arith.constant 5 : i32
    %eq3A_140 = vector.broadcast %eq3A_139 : i32 to vector<2000x1xi32>
    %eq3A_141 = arith.cmpi eq, %min3A_12, %eq3A_140 : vector<2000x1xi32>
    %jit3A_142 = arith.constant 0.000000e+00 : f32
    %broadcast_in_dim3A_143 = vector.shape_cast %eq3A_141 : vector<2000x1xi1> to vector<2000x1xi1>
    %broadcast_in_dim3A_144 = vector.broadcast %broadcast_in_dim3A_143 : vector<2000x1xi1> to vector<2000x32xi1>
    %broadcast_in_dim3A_145 = vector.broadcast %jit3A_142 : f32 to vector<2000x32xf32>
    %select_n3A_146 = arith.select %broadcast_in_dim3A_144, %add3A_138, %broadcast_in_dim3A_145 : vector<2000x32xi1>, vector<2000x32xf32>
    %add3A_147 = arith.addf %add3A_124, %select_n3A_146 : vector<2000x32xf32>
    %get3A_148 = arith.constant 0 : index
    %get3A_149 = arith.constant 0 : index
    %get3A_150 = vector.load %arg8[%get3A_148, %get3A_149] : memref<1x1xf32, #tpu.memory_space<vmem>>, vector<1x1xf32>
    %get3A_151 = vector.extract %get3A_150[0, 0] : f32 from vector<1x1xf32>
    %get3A_152 = arith.constant 0 : index
    %get3A_153 = arith.constant 0 : index
    %get3A_154 = vector.load %arg4[%get3A_152, %get3A_153] : memref<2000x32xf32, #tpu.memory_space<vmem>>, vector<2000x32xf32>
    %mul3A = vector.broadcast %get3A_151 : f32 to vector<2000x32xf32>
    %mul3A_155 = arith.mulf %mul3A, %get3A_154 : vector<2000x32xf32>
    %add3A_156 = arith.addf %add3A_147, %mul3A_155 : vector<2000x32xf32>
    %get3A_157 = arith.constant 0 : index
    %get3A_158 = arith.constant 0 : index
    %get3A_159 = vector.load %arg9[%get3A_157, %get3A_158] : memref<2x32xf32, #tpu.memory_space<vmem>>, vector<1x32xf32>
    %get3A_160 = vector.shape_cast %get3A_159 : vector<1x32xf32> to vector<32xf32>
    %broadcast_in_dim3A_161 = vector.shape_cast %get3A_160 : vector<32xf32> to vector<1x32xf32>
    %mul3A_162 = vector.broadcast %broadcast_in_dim3A_161 : vector<1x32xf32> to vector<2000x32xf32>
    %mul3A_163 = arith.mulf %add3A_156, %mul3A_162 : vector<2000x32xf32>
    %reduce_sum3A = arith.constant dense<0.000000e+00> : vector<2000xf32>
    %reduce_sum3A_164 = vector.multi_reduction <add>, %mul3A_163, %reduce_sum3A [1] : vector<2000x32xf32> to vector<2000xf32>
    %broadcast_in_dim3A_165 = vector.shape_cast %reduce_sum3A_164 : vector<2000xf32> to vector<2000x1xf32>
    %get3A_166 = arith.constant 0 : index
    %get3A_167 = arith.constant 0 : index
    %get3A_168 = vector.load %arg10[%get3A_166, %get3A_167] : memref<1x2xf32, #tpu.memory_space<vmem>>, vector<1x1xf32>
    %get3A_169 = vector.extract %get3A_168[0, 0] : f32 from vector<1x1xf32>
    %add3A_170 = vector.broadcast %get3A_169 : f32 to vector<2000x1xf32>
    %add3A_171 = arith.addf %broadcast_in_dim3A_165, %add3A_170 : vector<2000x1xf32>
    %get3A_172 = arith.constant 1 : index
    %get3A_173 = arith.constant 0 : index
    %get3A_174 = vector.load %arg9[%get3A_172, %get3A_173] : memref<2x32xf32, #tpu.memory_space<vmem>>, vector<1x32xf32>
    %get3A_175 = vector.shape_cast %get3A_174 : vector<1x32xf32> to vector<32xf32>
    %broadcast_in_dim3A_176 = vector.shape_cast %get3A_175 : vector<32xf32> to vector<1x32xf32>
    %mul3A_177 = vector.broadcast %broadcast_in_dim3A_176 : vector<1x32xf32> to vector<2000x32xf32>
    %mul3A_178 = arith.mulf %add3A_156, %mul3A_177 : vector<2000x32xf32>
    %reduce_sum3A_179 = arith.constant dense<0.000000e+00> : vector<2000xf32>
    %reduce_sum3A_180 = vector.multi_reduction <add>, %mul3A_178, %reduce_sum3A_179 [1] : vector<2000x32xf32> to vector<2000xf32>
    %broadcast_in_dim3A_181 = vector.shape_cast %reduce_sum3A_180 : vector<2000xf32> to vector<2000x1xf32>
    %get3A_182 = arith.constant 0 : index
    %get3A_183 = arith.constant 1 : index
    %get3A_184 = vector.load %arg10[%get3A_182, %get3A_183] : memref<1x2xf32, #tpu.memory_space<vmem>>, vector<1x1xf32>
    %get3A_185 = vector.extract %get3A_184[0, 0] : f32 from vector<1x1xf32>
    %add3A_186 = vector.broadcast %get3A_185 : f32 to vector<2000x1xf32>
    %add3A_187 = arith.addf %broadcast_in_dim3A_181, %add3A_186 : vector<2000x1xf32>
    %max3A = arith.maximumf %add3A_171, %add3A_187 : vector<2000x1xf32>
    %sub3A = arith.subf %add3A_171, %max3A : vector<2000x1xf32>
    %exp3A = math.exp %sub3A : vector<2000x1xf32>
    %sub3A_188 = arith.subf %add3A_187, %max3A : vector<2000x1xf32>
    %exp3A_189 = math.exp %sub3A_188 : vector<2000x1xf32>
    %add3A_190 = arith.addf %exp3A, %exp3A_189 : vector<2000x1xf32>
    %log3A = math.log %add3A_190 : vector<2000x1xf32>
    %add3A_191 = arith.addf %max3A, %log3A : vector<2000x1xf32>
    %sub3A_192 = arith.subf %add3A_171, %add3A_191 : vector<2000x1xf32>
    %sub3A_193 = arith.subf %add3A_187, %add3A_191 : vector<2000x1xf32>
    %concatenate3A_194 = tpu.concatenate %sub3A_192, %sub3A_193 in 1 : vector<2000x1xf32>, vector<2000x1xf32> -> vector<2000x2xf32>
    %swap3A = arith.constant 0 : index
    %swap3A_195 = arith.constant 0 : index
    %swap3A_196 = vector.load %arg11[%swap3A, %swap3A_195] : memref<2000x2xf32, #tpu.memory_space<vmem>>, vector<2000x2xf32>
    tpu.vector_store %arg11[%swap3A, %swap3A_195], %concatenate3A_194 {strides = array<i32>} : memref<2000x2xf32, #tpu.memory_space<vmem>>, vector<2000x2xf32>,
    return
  }
  func.func @transform_0(%arg0: i32) -> (i32, i32) {
    %c0_i32 = arith.constant 0 : i32
    %c0_i32_0 = arith.constant 0 : i32
    return %arg0, %c0_i32 : i32, i32
  }
  func.func @transform_1(%arg0: i32) -> (i32, i32) {
    %c0_i32 = arith.constant 0 : i32
    %c0_i32_0 = arith.constant 0 : i32
    return %arg0, %c0_i32 : i32, i32
  }
  func.func @transform_2(%arg0: i32) -> (i32, i32) {
    %c0_i32 = arith.constant 0 : i32
    %c0_i32_0 = arith.constant 0 : i32
    return %arg0, %c0_i32 : i32, i32
  }
  func.func @transform_3(%arg0: i32) -> (i32, i32) {
    %c0_i32 = arith.constant 0 : i32
    %c0_i32_0 = arith.constant 0 : i32
    return %arg0, %c0_i32 : i32, i32
  }
  func.func @transform_4(%arg0: i32) -> (i32, i32) {
    %c0_i32 = arith.constant 0 : i32
    %c0_i32_0 = arith.constant 0 : i32
    return %arg0, %c0_i32 : i32, i32
  }
  func.func @transform_5(%arg0: i32) -> (i32, i32, i32) {
    %c0_i32 = arith.constant 0 : i32
    %c0_i32_0 = arith.constant 0 : i32
    %c0_i32_1 = arith.constant 0 : i32
    %c0_i32_2 = arith.constant 0 : i32
    return %c0_i32, %c0_i32_0, %c0_i32_1 : i32, i32, i32
  }
  func.func @transform_6(%arg0: i32) -> (i32, i32, i32) {
    %c0_i32 = arith.constant 0 : i32
    %c0_i32_0 = arith.constant 0 : i32
    %c0_i32_1 = arith.constant 0 : i32
    %c0_i32_2 = arith.constant 0 : i32
    return %c0_i32, %c0_i32_0, %c0_i32_1 : i32, i32, i32
  }
  func.func @transform_7(%arg0: i32) -> (i32, i32) {
    %c0_i32 = arith.constant 0 : i32
    %c0_i32_0 = arith.constant 0 : i32
    %c0_i32_1 = arith.constant 0 : i32
    return %c0_i32, %c0_i32_0 : i32, i32
  }
  func.func @transform_8(%arg0: i32) -> (i32, i32) {
    %c0_i32 = arith.constant 0 : i32
    %c0_i32_0 = arith.constant 0 : i32
    %c0_i32_1 = arith.constant 0 : i32
    return %c0_i32, %c0_i32_0 : i32, i32
  }
  func.func @transform_9(%arg0: i32) -> (i32, i32) {
    %c0_i32 = arith.constant 0 : i32
    %c0_i32_0 = arith.constant 0 : i32
    %c0_i32_1 = arith.constant 0 : i32
    return %c0_i32, %c0_i32_0 : i32, i32
  }
  func.func @transform_10(%arg0: i32) -> (i32, i32) {
    %c0_i32 = arith.constant 0 : i32
    %c0_i32_0 = arith.constant 0 : i32
    return %arg0, %c0_i32 : i32, i32
  }
}

</mosaic_0001>

<sc_bundles>
// kernel: kernel.11.cloned.1.call-start
scs
__scs_entry_jumppad:
0x0: {  	(pc) =	sbr.rel $0x88, $3  }
0x1: {  	(tag) =	ssettag $0x0;
	lr =	simm.s32 $0x1  }
0x2: {  	[smem:$0x3F98] =	sst lr;
	_ =	strace $0xD0000000  }
0x3: {  	_ = 	snop  }
0x4: {  	_ = 	snop  }
0x5: {  	_ = 	snop  }
0x6: {  	_ = 	snop  }
0x7: {  	_ = 	snop  }
__scs_overlays_trampoline_lowered:
0x8: {  	[smem:$0x3FA7] =	sst s0  }
0x9: {  	[smem:$0x3FA8] =	sst s1  }
0xa: {  	[smem:$0x3FA9] =	sst s2  }
0xb: {  	[smem:$0x3FAA] =	sst s3  }
0xc: {  	[smem:$0x3FAB] =	sst s4  }
0xd: {  	[smem:$0x3FAC] =	sst s5  }
0xe: {  	[smem:$0x3FAD] =	sst s6  }
0xf: {  	[smem:$0x3FAE] =	sst s7  }
0x10: {  	[smem:$0x3FAF] =	sst s8  }
0x11: {  	[smem:$0x3FB0] =	sst s9;
	s0 =	simm.s32 @!p0 $0x0  }
0x12: {  	s1 =	sld [smem:$0x3F96];
	s0 =	simm.s32 @p0 $0x1  }
0x13: {  	[smem:$0x3FB1] =	sst s0;
	s0 =	simm.s32 @!p1 $0x0  }
0x14: {  	s2 =	sld [smem:$0x3F95];
	s0 =	simm.s32 @p1 $0x1  }
0x15: {  	[smem:$0x3FB2] =	sst s0;
	s0 =	simm.s32 @!p2 $0x0  }
0x16: {  	s3 =	sld [smem:$0x3FDB];
	s0 =	simm.s32 @p2 $0x1  }
0x17: {  	s4 =	simm.s32 $0x1BF5;
	[smem:$0x3FB4] =	sst s0  }
0x18: {  	s0 =	sld [smem:$0x3F97];
	_ =	swait.ge [sflag:s4], $0x0  }
0x19: {  	s7 =	sld [smem:$0x3F98]  }
0x1a: {  	s8 =	sadd.s32 $0xFFFFE003, lr  }
0x1b: {  	s9 =	sadd.s32 $0xFFFFFEF7, lr;
	s5 =	simm.s32 $0xFFFFFFFF;
	p2 =	slt.u32 s8, $0xFFFFF086  }
0x1c: {  	p1 =	slt.u32 s9, $0xF7A;
	s5 =	simm.s32 @!p2 $0x0  }
0x1d: {  	s5 =	simm.s32 @p1 $0x1;
	p0 =	seq.s32 s7, s2  }
0x1e: {  	s7 =	smul.u32 @!p0 $0xF7A, s2;
	p2 =	seq.s32 @!p0 s5, $0x0  }
0x1f: {  	s9 =	smul.u32 $0xF7A, s1;
	s8 =	simm.s32 @!p0 $0x1BF5;
	p2 =	por !p2, p0  }
0x20: {  	[sflag:s8] =	ssyncset.s32 @!p0 $0xFFFFF086;
	s6 =	sadd.s32 @!p0 s3, s7;
	s7 =	simm.s32 @!p0 $0x108  }
0x21: {  	s3 =	sadd.s32 s3, s9;
	s6 =	sadd.s32 @!p0 $0x88, s6;
	s7 =	simm.s32 @p2 $0x1082  }
0x22: {  	[simem:s7], [sflag:s8] =	dma.local @!p0 [hbm:s6], $0xF7A  }
0x23: {  	s9 =	sor.u32 $0xD0000000, s2;
	s6 =	simm.s32 $0x108;
	_ =	swait.ge @!p0 [sflag:s8], $0x0  }
0x24: {  	s3 =	sadd.s32 $0x88, s3;
	s6 =	simm.s32 @!p1 $0x1082;
	[sflag:s4] =	ssyncset.s32 $0xFFFFF086  }
0x25: {  	[simem:s6], [sflag:s4] =	dma.local [hbm:s3], $0xF7A  }
0x26: {  	[smem:$0x3F98] =	sst s1;
	(tag) =	ssettag s2;
	_ =	strace s9  }
0x27: {  	s1 =	sld [smem:$0x3FA8]  }
0x28: {  	s2 =	sld [smem:$0x3FA9]  }
0x29: {  	s4 =	sld [smem:$0x3FAB]  }
0x2a: {  	p0 =	seq.s32 s5, $0x0;
	s5 =	sld [smem:$0x3FAC]  }
0x2b: {  	s6 =	sld [smem:$0x3FAD]  }
0x2c: {  	s7 =	sld [smem:$0x3FAE]  }
0x2d: {  	s3 =	simm.s32 $0x108;
	s8 =	sld [smem:$0x3FAF]  }
0x2e: {  	s3 =	simm.s32 @!p0 $0x1082;
	s9 =	sld [smem:$0x3FB0]  }
0x2f: {  	lr =	sadd.s32 s0, s3;
	s0 =	sld [smem:$0x3FA7]  }
0x30: {  	s3 =	sld [smem:$0x3FAA]  }
0x31: {  	[smem:$0x3FB3] =	sst s10  }
0x32: {  	s10 =	sld [smem:$0x3FB1];
	_ =	sdelay $0x3  }
0x33: {  	p0 =	seq.s32 s10, $0x1;
	s10 =	sld [smem:$0x3FB3];
	_ =	sdelay $0x3  }
0x34: {  	[smem:$0x3FB3] =	sst s10  }
0x35: {  	s10 =	sld [smem:$0x3FB2];
	_ =	sdelay $0x3  }
0x36: {  	p1 =	seq.s32 s10, $0x1;
	s10 =	sld [smem:$0x3FB3];
	_ =	sdelay $0x3  }
0x37: {  	[smem:$0x3FB3] =	sst s10  }
0x38: {  	s10 =	sld [smem:$0x3FB4]  }
0x39: {  	_ = 	snop;
	(pc) =	sbr.ind lr, $3  }
0x3a: {  	_ = 	snop  }
0x3b: {  	_ = 	snop  }
0x3c: {  	p2 =	seq.s32 s10, $0x1;
	s10 =	sld [smem:$0x3FB3]  }
0x3d: {  	_ =	shalt  }
0x3e: {  	_ =	shalt  }
0x3f: {  	_ =	shalt  }
0x40: {  	_ =	shalt  }
0x41: {  	_ =	shalt  }
0x42: {  	_ =	shalt  }
0x43: {  	_ =	shalt  }
0x44: {  	_ =	shalt  }
0x45: {  	_ =	shalt  }
0x46: {  	_ =	shalt  }
0x47: {  	_ =	shalt  }
0x48: {  	_ =	shalt  }
0x49: {  	_ =	shalt  }
0x4a: {  	_ =	shalt  }
0x4b: {  	_ =	shalt  }
0x4c: {  	_ =	shalt  }
0x4d: {  	_ =	shalt  }
0x4e: {  	_ =	shalt  }
0x4f: {  	_ =	shalt  }
0x50: {  	_ =	shalt  }
0x51: {  	_ =	shalt  }
0x52: {  	_ =	shalt  }
0x53: {  	_ =	shalt  }
0x54: {  	_ =	shalt  }
0x55: {  	_ =	shalt  }
0x56: {  	_ =	shalt  }
0x57: {  	_ =	shalt  }
0x58: {  	_ =	shalt  }
0x59: {  	_ =	shalt  }
0x5a: {  	_ =	shalt  }
0x5b: {  	_ =	shalt  }
0x5c: {  	_ =	shalt  }
0x5d: {  	_ =	shalt  }
0x5e: {  	_ =	shalt  }
0x5f: {  	_ =	shalt  }
0x60: {  	_ =	shalt  }
0x61: {  	_ =	shalt  }
0x62: {  	_ =	shalt  }
0x63: {  	_ =	shalt  }
0x64: {  	_ =	shalt  }
0x65: {  	_ =	shalt  }
0x66: {  	_ =	shalt  }
0x67: {  	_ =	shalt  }
0x68: {  	_ =	shalt  }
0x69: {  	_ =	shalt  }
0x6a: {  	_ =	shalt  }
0x6b: {  	_ =	shalt  }
0x6c: {  	_ =	shalt  }
0x6d: {  	_ =	shalt  }
0x6e: {  	_ =	shalt  }
0x6f: {  	_ =	shalt  }
0x70: {  	_ =	shalt  }
0x71: {  	_ =	shalt  }
0x72: {  	_ =	shalt  }
0x73: {  	_ =	shalt  }
0x74: {  	_ =	shalt  }
0x75: {  	_ =	shalt  }
0x76: {  	_ =	shalt  }
0x77: {  	_ =	shalt  }
0x78: {  	_ =	shalt  }
0x79: {  	_ =	shalt  }
0x7a: {  	_ =	shalt  }
0x7b: {  	_ =	shalt  }
0x7c: {  	_ =	shalt  }
0x7d: {  	_ =	shalt  }
0x7e: {  	_ =	shalt  }
0x7f: {  	_ =	shalt  }
0x80: {  	_ =	shalt  }
0x81: {  	_ =	shalt  }
0x82: {  	_ =	shalt  }
0x83: {  	_ =	shalt  }
0x84: {  	_ =	shalt  }
0x85: {  	_ =	shalt  }
0x86: {  	_ =	shalt  }
0x87: {  	_ =	shalt  }
.Lfunc_end0:
.L_simem_size_0:
called_computation.1_lowered:
.L_overlay_start_0:
0x88: {  	s2 =	sld [smem:$0x3FD9]  }
0x89: {  	s3 =	sld [smem:$0x3FFE];
	_ =	sdelay $0x1  }
0x8a: {  	s1 =	srdreg.scid  }
0x8b: {  	s0 =	sand.u32 $0x1, s1  }
0x8c: {  	s17 =	sshll.u32 s0, $0xA;
	s2 =	sadd.s32 s3, s2  }
0x8d: {  	s2 =	sadd.s32 s2, s17  }
0x8e: {  	[smem:$0x3FBF] =	sst s2  }
0x8f: {  	_ = 	snop  }
0x90: {  	s18 =	sld [smem:$0x3FD0];
	(tm) =	ssettm $0x1  }
0x91: {  	s19 =	sld [smem:$0x3FFB];
	_ =	sdelay $0x3  }
0x92: {  	_ =	strace s19  }
0x93: {  	s2 =	sld [smem:$0x3FFC];
	_ =	sdelay $0x3  }
0x94: {  	_ =	strace s2  }
0x95: {  	s2 =	sld [smem:$0x3FFD];
	_ =	sdelay $0x3  }
0x96: {  	_ =	strace s2  }
0x97: {  	_ =	strace $0x8FFFFFFF  }
0x98: {  	s20 =	sld [smem:$0x3FDB];
	_ =	sdelay $0x1  }
0x99: {  	s4 =	simm.s32 $_scs_section_size  }
0x9a: {  	s5 =	simm.s32 $_size__tile_overlayer_lowered;
	s6 =	simm.s32 $_tile_overlayer_lowered  }
0x9b: {  	s7 =	simm.s32 $0x1BFF;
	s21 =	sshll.u32 s6, $0x1;
	s4 =	sadd.s32 s4, s20  }
0x9c: {  	s22 =	simm.s32 $0x0;
	s5 =	sshll.u32 s5, $0x1;
	s6 =	sadd.s32 s21, s4  }
0x9d: {  	[timem:s22], [sflag:s7] =	dma.local [hbm:s6], s5  }
0x9e: {  	_ =	swait.ge [sflag:s7], s5  }
0x9f: {  	s5 =	ssub.s32 $0x0, s5;
	[sflag:s7] =	ssyncset.done $0x0  }
0xa0: {  	[sflag:s7] =	ssyncadd.s32 s5;
	_ =	sdelay $0x1  }
0xa1: {  	s23 =	simm.s32 $0x1B8B  }
0xa2: {  	_ =	swait.ge [sflag:s23], $0x1  }
0xa3: {  	[sflag:s23] =	ssyncset.done $0x0  }
0xa4: {  	[sflag:s23] =	ssyncadd.s32 $0xFFFFFFFF  }
0xa5: {  	s5 =	sld [smem:$0x0]  }
0xa6: {  	s6 =	sand.u32 $0xFFFFFFFE, s1  }
0xa7: {  	p0 =	sne.s32 s1, s6  }
0xa8: {  	s6 =	sshll.u32 @p0 s6, $0xE  }
0xa9: {  	s6 =	sadd.s32 @p0 $0x11B8D, s6;
	s7 =	sshll.u32 @p0 s5, $0x11  }
0xaa: {  	s6 =	sor.u32 @p0 s7, s6  }
0xab: {  	[sflag:s6] =	ssyncadd.remote.s32 @p0 $0x1;
	_ =	sdelay $0x1  }
0xac: {  	s6 =	simm.s32 @p0 $0x1B8D  }
0xad: {  	_ =	swait.eq @p0 [sflag:s6], $0x1  }
0xae: {  	[sflag:s6] =	ssyncadd.s32 @p0 $0xFFFFFFFF  }
0xaf: {  	s7 =	sshll.u32 @!p0 s1, $0xE  }
0xb0: {  	s7 =	sor.u32 @!p0 $0x4000, s7;
	s6 =	simm.s32 @!p0 $0x1B8D  }
0xb1: {  	s5 =	sshll.u32 @!p0 s5, $0x11;
	s7 =	sadd.s32 @!p0 $0x11B8D, s7;
	_ =	swait.eq @!p0 [sflag:s6], $0x1  }
0xb2: {  	s5 =	sor.u32 @!p0 s5, s7;
	[sflag:s6] =	ssyncadd.s32 @!p0 $0xFFFFFFFF  }
0xb3: {  	s25 =	simm.s32 $0x1B8E;
	s24 =	sld [smem:$0x3FFE];
	[sflag:s5] =	ssyncadd.remote.s32 @!p0 $0x1  }
0xb4: {  	s26 =	simm.s32 $execute0_lowered;
	[smem:$0x3FD2] =	sst s25  }
0xb5: {  	s6 =	sshll.u32 s26, $0x1;
	_ =	strace $0x80000049;
	[dreg:$0x1] =	wrdreg $0xFFFFFFFF  }
0xb6: {  	s28 =	simm.s32 $_size_execute0_lowered;
	s4 =	sadd.s32 s4, s6;
	[dreg:$0x0] =	wrdreg $0x0  }
0xb7: {  	s6 =	sshll.u32 s28, $0x1;
	[dreg:$0x2] =	wrdreg s4  }
0xb8: {  	[dreg:$0x3] =	wrdreg s6  }
0xb9: {  	[dreg:$0x4] =	wrdreg $0xC0  }
0xba: {  	_ =	task [dreg:s22], $0x5FFFF  }
0xbb: {  	[dreg:$0x1] =	wrdreg $0xFFFFFFFF  }
0xbc: {  	[dreg:$0x0] =	wrdreg $0x60  }
0xbd: {  	[dreg:$0x2] =	wrdreg s24  }
0xbe: {  	[dreg:$0x3] =	wrdreg s18  }
0xbf: {  	[dreg:$0x4] =	wrdreg $0x48000  }
0xc0: {  	[dreg:$0x5] =	wrdreg $0xA  }
0xc1: {  	_ =	task.clear_ibuf [dreg:s22], $0x6FFFF;
	_ =	strace $0x90000049  }
0xc2: {  	s29 =	simm.s32 $0xA;
	_ =	strace $0x8000004B  }
0xc3: {  	_ =	swait.ge [sflag:s29], $0x1  }
0xc4: {  	[sflag:s29] =	ssyncadd.s32 $0xFFFFFFFF  }
0xc5: {  	_ =	strace $0x9000004B  }
0xc6: {  	_ =	sfence  }
0xc7: {  	s30 =	sld [smem:$0x0];
	_ =	sdelay $0x2  }
0xc8: {  	s31 =	sshll.u32 s1, $0xD;
	s1 =	sshrl.u32 s1, $0x2  }
0xc9: {  	s4 =	sand.u32 $0x4000, s31;
	s1 =	sadd.s32 s1, s30  }
0xca: {  	s0 =	sor.u32 s4, s0;
	s1 =	sshll.u32 s1, $0x11  }
0xcb: {  	s0 =	sor.u32 s1, s0  }
0xcc: {  	s0 =	sadd.s32 $0x8F2B, s0  }
0xcd: {  	[sflag:s0] =	ssyncadd.remote.s32 $0x1  }
0xce: {  	_ =	sfence.sel $0xFFFF  }
0xcf: {  	[dreg:$0x0] =	wrdreg $0xFFFFFFFF;
	(pc) =	sbr.abs _section_cstart, $3  }
0xd0: {  	[dreg:$0x1] =	wrdreg $0xFFFFFFFF  }
0xd1: {  	_ =	task.clear_ibuf [dreg:s22], $0x2FFFF;
	_ =	strace $0x9FFFFFFF  }
0xd2: {  	(tm) =	ssettm $0x7FFFFFFF  }
0xd3: {  	_ =	shalt  }
tec
execute0_lowered:
.L_overlay_start_1:
0x0: {  	(tag) =	ssettag $0x1  }
0x1: {  	s0 =	rddreg [dreg:$0x0];
	s1 =	srdreg.scid  }
0x2: {  	s10 =	stileid.u32;
	s3 =	rddreg [dreg:$0x2];
	s4 =	simm.s32 $0x0  }
0x3: {  	s11 =	simm.s32 $0x400;
	s12 =	simm.s32 $0x80;
	s13 =	simm.s32 $0x800  }
0x4: {  	s14 =	simm.s32 $0x1000;
	s26 =	simm.s32 $0x100;
	s15 =	simm.s32 $0x1800  }
0x5: {  	s16 =	simm.s32 $0x180;
	s17 =	simm.s32 $0x2000;
	s18 =	simm.s32 $0x200  }
0x6: {  	s19 =	simm.s32 $0x2800;
	s20 =	simm.s32 $0x280;
	s21 =	simm.s32 $0x3000  }
0x7: {  	s22 =	simm.s32 $0x300;
	s28 =	simm.s32 $0x480;
	s5 =	smul.u32 $0x18800, s10  }
0x8: {  	s29 =	simm.s32 $0x500;
	s30 =	simm.s32 $0x580;
	s6 =	smul.u32 $0x3100, s10  }
0x9: {  	s31 =	simm.s32 $0x600;
	s1 =	sand.u32 $0x1, s1;
	s7 =	smul.u32 $0x18700, s10  }
0xa: {  	[smem:$0x7FF] =	sst s4;
	s24 =	sshll.u32 s10, $0x6;
	s2 =	smul.u32 $0x188000, s1  }
0xb: {  	s10 =	simm.s32 $0x2;
	s23 =	smul.u32 $0x187000, s1;
	_ =	strace $0x8000004A  }
0xc: {  	s1 =	ssub.s32 $0x2, s1;
	[dreg:$0x6] =	wrdreg s26;
	s26 =	simm.s32 $0x1  }
0xd: {  	s6 =	sadd.s32 s6, s0;
	s9 =	sshrl.u32 s1, $0x1;
	s2 =	sadd.s32 s2, s5  }
0xe: {  	s8 =	sadd.s32 s7, s23;
	s5 =	sadd.s32 $0x21E000, s0;
	s1 =	ssub.s32 s1, s9  }
0xf: {  	s7 =	sadd.s32 s7, s3;
	s25 =	sadd.s32 $0x33C00, s6;
	s23 =	simm.s32 $0x3800  }
0x10: {  	s9 =	simm.s32 $0x0;
	s2 =	sshrl.u32 s2, $0x3;
	s8 =	sshrl.u32 s8, $0x3  }
0x11: {  	s1 =	smax.u32 s1, $0x1;
	[dreg:$0x5] =	wrdreg s25;
	s7 =	sshrl.u32 s7, $0x3  }
0x12: {  	s25 =	simm.s32 $0x4000;
	s2 =	sadd.s32 s2, s0;
	[dreg:$0x9] =	wrdreg s1  }
0x13: {  	s0 =	sadd.s32 s8, s0;
	s8 =	sor.u32 $0x1C02, s24;
	[dreg:$0xa] =	wrdreg s7  }
0x14: {  	s24 =	simm.s32 $0x380;
	s0 =	sadd.s32 $0x2E1C00, s0;
	[dreg:$0x7] =	wrdreg s8  }
0x15: {  	s1 =	simm.s32 $0x680;
	s2 =	sadd.s32 $0x27FC00, s2;
	[dreg:$0x8] =	wrdreg s0  }
0x16: {  	[dreg:$0x4] =	wrdreg s2;
	s0 =	simm.s32 $0x700;
	s2 =	simm.s32 $0x780  }
.LBB2_1:
0x17: {  	[dreg:$0xb] =	wrdreg s9  }
0x18: {  	s6 =	rddreg [dreg:$0x1]  }
0x19: {  	[spmem:s7], [sflag:s8] =	dma.local [hbm:s6], $0x30E0  }
0x1a: {  	_ =	swait.ge [sflag:s10], $0x30E0  }
0x1b: {  	[sflag:s10] =	ssyncset.done $0x0  }
0x1c: {  	[sflag:s10] =	ssyncadd.s32 $0xFFFFCF20  }
0x1d: {  	[bflag:$0x0] =	sbarrier.arrive $0xFFFF  }
0x1e: {  	s7 =	rddreg [dreg:$0x4]  }
0x1f: {  	s6 =	sadd.s32 $0x0, s7  }
0x20: {  	[tilespmem:s4], [sflag:$0x2] =	stream.linear.gather [hbm4b:s6+s4], $0x400, $0x38;
	[tilespmem:$0x1CF00] =	vst v63  }
0x21: {  	_ =	swait.ge [sflag:s10], $0x400  }
0x22: {  	s8 =	rddreg [dreg:$0x5];
	[sflag:s10] =	ssyncset.done $0x0  }
0x23: {  	[sflag:s10] =	ssyncadd.s32 $0xFFFFFC00;
	s6 =	sadd.s32 $0x0, s8  }
0x24: {  	[tilespmem:s11], [sflag:$0x2] =	stream.linear.gather [hbm4b:s6+s4], $0x400, $0x38;
	[tilespmem:$0x1CF00] =	vst v63  }
0x25: {  	_ =	swait.ge [sflag:s10], $0x400  }
0x26: {  	[sflag:s10] =	ssyncset.done $0x0  }
0x27: {  	[sflag:s10] =	ssyncadd.s32 $0xFFFFFC00  }
0x28: {  	[tilespmem:s13], [sflag:$0x1] =	stream.indirect.gather [hbm4b:s5+s12], $0x10, s4, s12, $0xb8;
	[tilespmem:$0x1CF00] =	vst v63  }
0x29: {  	_ = 	snop  }
0x2a: {  	[tilespmem:s14], [sflag:$0x1] =	stream.indirect.gather [hbm4b:s5+s12], $0x10, s12, s12, $0xb8;
	[tilespmem:$0x1CF00] =	vst v63  }
0x2b: {  	s9 =	rddreg [dreg:$0x6]  }
0x2c: {  	[tilespmem:s15], [sflag:$0x1] =	stream.indirect.gather [hbm4b:s5+s12], $0x10, s9, s12, $0xb8;
	[tilespmem:$0x1CF00] =	vst v63  }
0x2d: {  	_ = 	snop  }
0x2e: {  	[tilespmem:s17], [sflag:$0x1] =	stream.indirect.gather [hbm4b:s5+s12], $0x10, s16, s12, $0xb8;
	[tilespmem:$0x1CF00] =	vst v63  }
0x2f: {  	_ = 	snop  }
0x30: {  	[tilespmem:s19], [sflag:$0x1] =	stream.indirect.gather [hbm4b:s5+s12], $0x10, s18, s12, $0xb8;
	[tilespmem:$0x1CF00] =	vst v63  }
0x31: {  	_ = 	snop  }
0x32: {  	[tilespmem:s21], [sflag:$0x1] =	stream.indirect.gather [hbm4b:s5+s12], $0x10, s20, s12, $0xb8;
	[tilespmem:$0x1CF00] =	vst v63  }
0x33: {  	_ = 	snop  }
0x34: {  	[tilespmem:s23], [sflag:$0x1] =	stream.indirect.gather [hbm4b:s5+s12], $0x10, s22, s12, $0xb8;
	[tilespmem:$0x1CF00] =	vst v63  }
0x35: {  	_ = 	snop  }
0x36: {  	[tilespmem:s25], [sflag:$0x1] =	stream.indirect.gather [hbm4b:s5+s12], $0x10, s24, s12, $0xb8;
	[tilespmem:$0x1CF00] =	vst v63  }
0x37: {  	_ =	swait.ge [sflag:s26], $0x800  }
0x38: {  	[sflag:s26] =	ssyncset.done $0x0  }
0x39: {  	[sflag:s26] =	ssyncadd.s32 $0xFFFFF800  }
0x3a: {  	_ =	swait.ge [sflag:s26], $0x800  }
0x3b: {  	[sflag:s26] =	ssyncset.done $0x0  }
0x3c: {  	[sflag:s26] =	ssyncadd.s32 $0xFFFFF800  }
0x3d: {  	_ =	swait.ge [sflag:s26], $0x800  }
0x3e: {  	[sflag:s26] =	ssyncset.done $0x0  }
0x3f: {  	[sflag:s26] =	ssyncadd.s32 $0xFFFFF800  }
0x40: {  	_ =	swait.ge [sflag:s26], $0x800  }
0x41: {  	[sflag:s26] =	ssyncset.done $0x0  }
0x42: {  	[sflag:s26] =	ssyncadd.s32 $0xFFFFF800  }
0x43: {  	_ =	swait.ge [sflag:s26], $0x800  }
0x44: {  	[sflag:s26] =	ssyncset.done $0x0  }
0x45: {  	[sflag:s26] =	ssyncadd.s32 $0xFFFFF800  }
0x46: {  	_ =	swait.ge [sflag:s26], $0x800  }
0x47: {  	[sflag:s26] =	ssyncset.done $0x0  }
0x48: {  	[sflag:s26] =	ssyncadd.s32 $0xFFFFF800  }
0x49: {  	_ =	swait.ge [sflag:s26], $0x800  }
0x4a: {  	[sflag:s26] =	ssyncset.done $0x0  }
0x4b: {  	[sflag:s26] =	ssyncadd.s32 $0xFFFFF800  }
0x4c: {  	_ =	swait.ge [sflag:s26], $0x800  }
0x4d: {  	[sflag:s26] =	ssyncset.done $0x0  }
0x4e: {  	[sflag:s26] =	ssyncadd.s32 $0xFFFFF800  }
0x4f: {  	[spmem:s3] =	stream.indirect.scatter.add.f32 [tilespmem:s13], [sflag:$0x2], $0x10, s11, s12, $0xb8;
	[tilespmem:$0x1CF00] =	vst v63  }
0x50: {  	_ =	swait.ge [sflag:s10], $0x800  }
0x51: {  	[sflag:s10] =	ssyncset.done $0x0  }
0x52: {  	[sflag:s10] =	ssyncadd.s32 $0xFFFFF800  }
0x53: {  	[spmem:s3] =	stream.indirect.scatter.add.f32 [tilespmem:s14], [sflag:$0x2], $0x10, s28, s12, $0xb8;
	[tilespmem:$0x1CF00] =	vst v63  }
0x54: {  	_ =	swait.ge [sflag:s10], $0x800  }
0x55: {  	[sflag:s10] =	ssyncset.done $0x0  }
0x56: {  	[sflag:s10] =	ssyncadd.s32 $0xFFFFF800  }
0x57: {  	[spmem:s3] =	stream.indirect.scatter.add.f32 [tilespmem:s15], [sflag:$0x2], $0x10, s29, s12, $0xb8;
	[tilespmem:$0x1CF00] =	vst v63  }
0x58: {  	_ =	swait.ge [sflag:s10], $0x800  }
0x59: {  	[sflag:s10] =	ssyncset.done $0x0  }
0x5a: {  	[sflag:s10] =	ssyncadd.s32 $0xFFFFF800  }
0x5b: {  	[spmem:s3] =	stream.indirect.scatter.add.f32 [tilespmem:s17], [sflag:$0x2], $0x10, s30, s12, $0xb8;
	[tilespmem:$0x1CF00] =	vst v63  }
0x5c: {  	_ =	swait.ge [sflag:s10], $0x800  }
0x5d: {  	[sflag:s10] =	ssyncset.done $0x0  }
0x5e: {  	[sflag:s10] =	ssyncadd.s32 $0xFFFFF800  }
0x5f: {  	[spmem:s3] =	stream.indirect.scatter.add.f32 [tilespmem:s19], [sflag:$0x2], $0x10, s31, s12, $0xb8;
	[tilespmem:$0x1CF00] =	vst v63  }
0x60: {  	_ =	swait.ge [sflag:s10], $0x800  }
0x61: {  	[sflag:s10] =	ssyncset.done $0x0  }
0x62: {  	[sflag:s10] =	ssyncadd.s32 $0xFFFFF800  }
0x63: {  	[spmem:s3] =	stream.indirect.scatter.add.f32 [tilespmem:s21], [sflag:$0x2], $0x10, s1, s12, $0xb8;
	[tilespmem:$0x1CF00] =	vst v63  }
0x64: {  	_ =	swait.ge [sflag:s10], $0x800  }
0x65: {  	[sflag:s10] =	ssyncset.done $0x0  }
0x66: {  	[sflag:s10] =	ssyncadd.s32 $0xFFFFF800  }
0x67: {  	[spmem:s3] =	stream.indirect.scatter.add.f32 [tilespmem:s23], [sflag:$0x2], $0x10, s0, s12, $0xb8;
	[tilespmem:$0x1CF00] =	vst v63  }
0x68: {  	_ =	swait.ge [sflag:s10], $0x800  }
0x69: {  	[sflag:s10] =	ssyncset.done $0x0  }
0x6a: {  	[sflag:s10] =	ssyncadd.s32 $0xFFFFF800  }
0x6b: {  	[spmem:s3] =	stream.indirect.scatter.add.f32 [tilespmem:s25], [sflag:$0x2], $0x10, s2, s12, $0xb8;
	[tilespmem:$0x1CF00] =	vst v63  }
0x6c: {  	s8 =	simm.s32 $0x80;
	_ =	swait.ge [sflag:s10], $0x800  }
0x6d: {  	s6 =	simm.s32 $0x100;
	s9 =	rddreg [dreg:$0x4];
	[sflag:s10] =	ssyncset.done $0x0  }
.LBB2_2:
0x6e: {  	[sflag:s10] =	ssyncadd.s32 $0xFFFFF800;
	s9 =	sadd.s32 s8, s9  }
0x6f: {  	[tilespmem:s4], [sflag:$0x2] =	stream.linear.gather [hbm4b:s9+s4], $0x400, $0x38;
	[tilespmem:$0x1CF00] =	vst v63  }
0x70: {  	_ =	swait.ge [sflag:s10], $0x400  }
0x71: {  	s9 =	rddreg [dreg:$0x5];
	[sflag:s10] =	ssyncset.done $0x0  }
0x72: {  	[sflag:s10] =	ssyncadd.s32 $0xFFFFFC00;
	s9 =	sadd.s32 s8, s9  }
0x73: {  	[tilespmem:s11], [sflag:$0x2] =	stream.linear.gather [hbm4b:s9+s4], $0x400, $0x38;
	[tilespmem:$0x1CF00] =	vst v63  }
0x74: {  	_ =	swait.ge [sflag:s10], $0x400  }
0x75: {  	[sflag:s10] =	ssyncset.done $0x0  }
0x76: {  	[sflag:s10] =	ssyncadd.s32 $0xFFFFFC00  }
0x77: {  	[tilespmem:s13], [sflag:$0x1] =	stream.indirect.gather [hbm4b:s5+s12], $0x10, s4, s12, $0xb8;
	[tilespmem:$0x1CF00] =	vst v63  }
0x78: {  	_ = 	snop  }
0x79: {  	[tilespmem:s14], [sflag:$0x1] =	stream.indirect.gather [hbm4b:s5+s12], $0x10, s12, s12, $0xb8;
	[tilespmem:$0x1CF00] =	vst v63  }
0x7a: {  	s9 =	rddreg [dreg:$0x6]  }
0x7b: {  	[tilespmem:s15], [sflag:$0x1] =	stream.indirect.gather [hbm4b:s5+s12], $0x10, s9, s12, $0xb8;
	[tilespmem:$0x1CF00] =	vst v63  }
0x7c: {  	_ = 	snop  }
0x7d: {  	[tilespmem:s17], [sflag:$0x1] =	stream.indirect.gather [hbm4b:s5+s12], $0x10, s16, s12, $0xb8;
	[tilespmem:$0x1CF00] =	vst v63  }
0x7e: {  	_ = 	snop  }
0x7f: {  	[tilespmem:s19], [sflag:$0x1] =	stream.indirect.gather [hbm4b:s5+s12], $0x10, s18, s12, $0xb8;
	[tilespmem:$0x1CF00] =	vst v63  }
0x80: {  	_ = 	snop  }
0x81: {  	[tilespmem:s21], [sflag:$0x1] =	stream.indirect.gather [hbm4b:s5+s12], $0x10, s20, s12, $0xb8;
	[tilespmem:$0x1CF00] =	vst v63  }
0x82: {  	_ = 	snop  }
0x83: {  	[tilespmem:s23], [sflag:$0x1] =	stream.indirect.gather [hbm4b:s5+s12], $0x10, s22, s12, $0xb8;
	[tilespmem:$0x1CF00] =	vst v63  }
0x84: {  	_ = 	snop  }
0x85: {  	[tilespmem:s25], [sflag:$0x1] =	stream.indirect.gather [hbm4b:s5+s12], $0x10, s24, s12, $0xb8;
	[tilespmem:$0x1CF00] =	vst v63  }
0x86: {  	_ =	swait.ge [sflag:s26], $0x800  }
0x87: {  	[sflag:s26] =	ssyncset.done $0x0  }
0x88: {  	[sflag:s26] =	ssyncadd.s32 $0xFFFFF800  }
0x89: {  	_ =	swait.ge [sflag:s26], $0x800  }
0x8a: {  	[sflag:s26] =	ssyncset.done $0x0  }
0x8b: {  	[sflag:s26] =	ssyncadd.s32 $0xFFFFF800  }
0x8c: {  	_ =	swait.ge [sflag:s26], $0x800  }
0x8d: {  	[sflag:s26] =	ssyncset.done $0x0  }
0x8e: {  	[sflag:s26] =	ssyncadd.s32 $0xFFFFF800  }
0x8f: {  	_ =	swait.ge [sflag:s26], $0x800  }
0x90: {  	[sflag:s26] =	ssyncset.done $0x0  }
0x91: {  	[sflag:s26] =	ssyncadd.s32 $0xFFFFF800  }
0x92: {  	_ =	swait.ge [sflag:s26], $0x800  }
0x93: {  	[sflag:s26] =	ssyncset.done $0x0  }
0x94: {  	[sflag:s26] =	ssyncadd.s32 $0xFFFFF800  }
0x95: {  	_ =	swait.ge [sflag:s26], $0x800  }
0x96: {  	[sflag:s26] =	ssyncset.done $0x0  }
0x97: {  	[sflag:s26] =	ssyncadd.s32 $0xFFFFF800  }
0x98: {  	_ =	swait.ge [sflag:s26], $0x800  }
0x99: {  	[sflag:s26] =	ssyncset.done $0x0  }
0x9a: {  	[sflag:s26] =	ssyncadd.s32 $0xFFFFF800  }
0x9b: {  	_ =	swait.ge [sflag:s26], $0x800  }
0x9c: {  	[sflag:s26] =	ssyncset.done $0x0  }
0x9d: {  	[sflag:s26] =	ssyncadd.s32 $0xFFFFF800  }
0x9e: {  	[spmem:s3] =	stream.indirect.scatter.add.f32 [tilespmem:s13], [sflag:$0x2], $0x10, s11, s12, $0xb8;
	[tilespmem:$0x1CF00] =	vst v63  }
0x9f: {  	_ =	swait.ge [sflag:s10], $0x800  }
0xa0: {  	[sflag:s10] =	ssyncset.done $0x0  }
0xa1: {  	[sflag:s10] =	ssyncadd.s32 $0xFFFFF800  }
0xa2: {  	[spmem:s3] =	stream.indirect.scatter.add.f32 [tilespmem:s14], [sflag:$0x2], $0x10, s28, s12, $0xb8;
	[tilespmem:$0x1CF00] =	vst v63  }
0xa3: {  	_ =	swait.ge [sflag:s10], $0x800  }
0xa4: {  	[sflag:s10] =	ssyncset.done $0x0  }
0xa5: {  	[sflag:s10] =	ssyncadd.s32 $0xFFFFF800  }
0xa6: {  	[spmem:s3] =	stream.indirect.scatter.add.f32 [tilespmem:s15], [sflag:$0x2], $0x10, s29, s12, $0xb8;
	[tilespmem:$0x1CF00] =	vst v63  }
0xa7: {  	_ =	swait.ge [sflag:s10], $0x800  }
0xa8: {  	[sflag:s10] =	ssyncset.done $0x0  }
0xa9: {  	[sflag:s10] =	ssyncadd.s32 $0xFFFFF800  }
0xaa: {  	[spmem:s3] =	stream.indirect.scatter.add.f32 [tilespmem:s17], [sflag:$0x2], $0x10, s30, s12, $0xb8;
	[tilespmem:$0x1CF00] =	vst v63  }
0xab: {  	_ =	swait.ge [sflag:s10], $0x800  }
0xac: {  	[sflag:s10] =	ssyncset.done $0x0  }
0xad: {  	[sflag:s10] =	ssyncadd.s32 $0xFFFFF800  }
0xae: {  	[spmem:s3] =	stream.indirect.scatter.add.f32 [tilespmem:s19], [sflag:$0x2], $0x10, s31, s12, $0xb8;
	[tilespmem:$0x1CF00] =	vst v63  }
0xaf: {  	_ =	swait.ge [sflag:s10], $0x800  }
0xb0: {  	[sflag:s10] =	ssyncset.done $0x0  }
0xb1: {  	[sflag:s10] =	ssyncadd.s32 $0xFFFFF800  }
0xb2: {  	[spmem:s3] =	stream.indirect.scatter.add.f32 [tilespmem:s21], [sflag:$0x2], $0x10, s1, s12, $0xb8;
	[tilespmem:$0x1CF00] =	vst v63  }
0xb3: {  	_ =	swait.ge [sflag:s10], $0x800  }
0xb4: {  	[sflag:s10] =	ssyncset.done $0x0  }
0xb5: {  	[sflag:s10] =	ssyncadd.s32 $0xFFFFF800  }
0xb6: {  	[spmem:s3] =	stream.indirect.scatter.add.f32 [tilespmem:s23], [sflag:$0x2], $0x10, s0, s12, $0xb8;
	[tilespmem:$0x1CF00] =	vst v63  }
0xb7: {  	p0 =	sne.s32 s6, $0x3080;
	_ =	swait.ge [sflag:s10], $0x800  }
.Ltmp0:
0xb8: {  	[sflag:s10] =	ssyncset.done $0x0;
	(pc) =	sbr.rel @p0 .LBB2_2-.Ltmp0, $4  }
0xb9: {  	[sflag:s10] =	ssyncadd.s32 $0xFFFFF800  }
0xba: {  	[spmem:s3] =	stream.indirect.scatter.add.f32 [tilespmem:s25], [sflag:$0x2], $0x10, s2, s12, $0xb8;
	[tilespmem:$0x1CF00] =	vst v63  }
0xbb: {  	s7 =	smov.u32 s6;
	s6 =	sadd.s32 $0x80, s6;
	_ =	swait.ge [sflag:s10], $0x800  }
0xbc: {  	s8 =	smov.u32 s7;
	s9 =	rddreg [dreg:$0x4];
	[sflag:s10] =	ssyncset.done $0x0  }
0xbd: {  	[sflag:s10] =	ssyncadd.s32 $0xFFFFF800;
	s6 =	sadd.s32 s8, s9  }
0xbe: {  	[tilespmem:s4], [sflag:$0x2] =	stream.linear.gather [hbm4b:s6+s4], $0x400, $0x38;
	[tilespmem:$0x1CF00] =	vst v63  }
0xbf: {  	_ =	swait.ge [sflag:s10], $0x400  }
0xc0: {  	s7 =	rddreg [dreg:$0x5];
	[sflag:s10] =	ssyncset.done $0x0  }
0xc1: {  	s6 =	sadd.s32 s8, s7;
	[sflag:s10] =	ssyncadd.s32 $0xFFFFFC00  }
0xc2: {  	[tilespmem:s11], [sflag:$0x2] =	stream.linear.gather [hbm4b:s6+s4], $0x400, $0x38;
	[tilespmem:$0x1CF00] =	vst v63  }
0xc3: {  	_ =	swait.ge [sflag:s10], $0x400  }
0xc4: {  	[sflag:s10] =	ssyncset.done $0x0  }
0xc5: {  	[sflag:s10] =	ssyncadd.s32 $0xFFFFFC00  }
0xc6: {  	[tilespmem:s13], [sflag:$0x1] =	stream.indirect.gather [hbm4b:s5+s12], $0x10, s4, s12, $0xb8;
	[tilespmem:$0x1CF00] =	vst v63  }
0xc7: {  	_ = 	snop  }
0xc8: {  	[tilespmem:s14], [sflag:$0x1] =	stream.indirect.gather [hbm4b:s5+s12], $0x10, s12, s12, $0xb8;
	[tilespmem:$0x1CF00] =	vst v63  }
0xc9: {  	s8 =	rddreg [dreg:$0x6]  }
0xca: {  	[tilespmem:s15], [sflag:$0x1] =	stream.indirect.gather [hbm4b:s5+s12], $0x10, s8, s12, $0xb8;
	[tilespmem:$0x1CF00] =	vst v63  }
0xcb: {  	_ = 	snop  }
0xcc: {  	[tilespmem:s17], [sflag:$0x1] =	stream.indirect.gather [hbm4b:s5+s12], $0x10, s16, s12, $0xb8;
	[tilespmem:$0x1CF00] =	vst v63  }
0xcd: {  	_ = 	snop  }
0xce: {  	[tilespmem:s19], [sflag:$0x1] =	stream.indirect.gather [hbm4b:s5+s12], $0x10, s18, s12, $0xb8;
	[tilespmem:$0x1CF00] =	vst v63  }
0xcf: {  	_ = 	snop  }
0xd0: {  	[tilespmem:s21], [sflag:$0x1] =	stream.indirect.gather [hbm4b:s5+s12], $0x10, s20, s12, $0xb8;
	[tilespmem:$0x1CF00] =	vst v63  }
0xd1: {  	_ = 	snop  }
0xd2: {  	[tilespmem:s23], [sflag:$0x1] =	stream.indirect.gather [hbm4b:s5+s12], $0x10, s22, s12, $0xb8;
	[tilespmem:$0x1CF00] =	vst v63  }
0xd3: {  	_ = 	snop  }
0xd4: {  	[tilespmem:s25], [sflag:$0x1] =	stream.indirect.gather [hbm4b:s5+s12], $0x10, s24, s12, $0xb8;
	[tilespmem:$0x1CF00] =	vst v63  }
0xd5: {  	_ =	swait.ge [sflag:s26], $0x800  }
0xd6: {  	[sflag:s26] =	ssyncset.done $0x0  }
0xd7: {  	[sflag:s26] =	ssyncadd.s32 $0xFFFFF800  }
0xd8: {  	_ =	swait.ge [sflag:s26], $0x800  }
0xd9: {  	[sflag:s26] =	ssyncset.done $0x0  }
0xda: {  	[sflag:s26] =	ssyncadd.s32 $0xFFFFF800  }
0xdb: {  	_ =	swait.ge [sflag:s26], $0x800  }
0xdc: {  	[sflag:s26] =	ssyncset.done $0x0  }
0xdd: {  	[sflag:s26] =	ssyncadd.s32 $0xFFFFF800  }
0xde: {  	_ =	swait.ge [sflag:s26], $0x800  }
0xdf: {  	[sflag:s26] =	ssyncset.done $0x0  }
0xe0: {  	[sflag:s26] =	ssyncadd.s32 $0xFFFFF800  }
0xe1: {  	_ =	swait.ge [sflag:s26], $0x800  }
0xe2: {  	[sflag:s26] =	ssyncset.done $0x0  }
0xe3: {  	[sflag:s26] =	ssyncadd.s32 $0xFFFFF800  }
0xe4: {  	_ =	swait.ge [sflag:s26], $0x800  }
0xe5: {  	[sflag:s26] =	ssyncset.done $0x0  }
0xe6: {  	[sflag:s26] =	ssyncadd.s32 $0xFFFFF800  }
0xe7: {  	_ =	swait.ge [sflag:s26], $0x800  }
0xe8: {  	[sflag:s26] =	ssyncset.done $0x0  }
0xe9: {  	[sflag:s26] =	ssyncadd.s32 $0xFFFFF800  }
0xea: {  	_ =	swait.ge [sflag:s26], $0x800  }
0xeb: {  	[sflag:s26] =	ssyncset.done $0x0  }
0xec: {  	[sflag:s26] =	ssyncadd.s32 $0xFFFFF800  }
0xed: {  	[spmem:s3] =	stream.indirect.scatter.add.f32 [tilespmem:s13], [sflag:$0x2], $0x10, s11, s12, $0xb8;
	[tilespmem:$0x1CF00] =	vst v63  }
0xee: {  	_ =	swait.ge [sflag:s10], $0x800  }
0xef: {  	[sflag:s10] =	ssyncset.done $0x0  }
0xf0: {  	[sflag:s10] =	ssyncadd.s32 $0xFFFFF800  }
0xf1: {  	[spmem:s3] =	stream.indirect.scatter.add.f32 [tilespmem:s14], [sflag:$0x2], $0x10, s28, s12, $0xb8;
	[tilespmem:$0x1CF00] =	vst v63  }
0xf2: {  	_ =	swait.ge [sflag:s10], $0x800  }
0xf3: {  	[sflag:s10] =	ssyncset.done $0x0  }
0xf4: {  	[sflag:s10] =	ssyncadd.s32 $0xFFFFF800  }
0xf5: {  	[spmem:s3] =	stream.indirect.scatter.add.f32 [tilespmem:s15], [sflag:$0x2], $0x10, s29, s12, $0xb8;
	[tilespmem:$0x1CF00] =	vst v63  }
0xf6: {  	_ =	swait.ge [sflag:s10], $0x800  }
0xf7: {  	[sflag:s10] =	ssyncset.done $0x0  }
0xf8: {  	[sflag:s10] =	ssyncadd.s32 $0xFFFFF800  }
0xf9: {  	[spmem:s3] =	stream.indirect.scatter.add.f32 [tilespmem:s17], [sflag:$0x2], $0x10, s30, s12, $0xb8;
	[tilespmem:$0x1CF00] =	vst v63  }
0xfa: {  	_ =	swait.ge [sflag:s10], $0x800  }
0xfb: {  	[sflag:s10] =	ssyncset.done $0x0  }
0xfc: {  	[sflag:s10] =	ssyncadd.s32 $0xFFFFF800  }
0xfd: {  	[spmem:s3] =	stream.indirect.scatter.add.f32 [tilespmem:s19], [sflag:$0x2], $0x10, s31, s12, $0xb8;
	[tilespmem:$0x1CF00] =	vst v63  }
0xfe: {  	_ =	swait.ge [sflag:s10], $0x800  }
0xff: {  	[sflag:s10] =	ssyncset.done $0x0  }
0x100: {  	[sflag:s10] =	ssyncadd.s32 $0xFFFFF800  }
0x101: {  	[spmem:s3] =	stream.indirect.scatter.add.f32 [tilespmem:s21], [sflag:$0x2], $0x10, s1, s12, $0xb8;
	[tilespmem:$0x1CF00] =	vst v63  }
0x102: {  	_ =	swait.ge [sflag:s10], $0x800  }
0x103: {  	[sflag:s10] =	ssyncset.done $0x0  }
0x104: {  	[sflag:s10] =	ssyncadd.s32 $0xFFFFF800  }
0x105: {  	[spmem:s3] =	stream.indirect.scatter.add.f32 [tilespmem:s23], [sflag:$0x2], $0x10, s0, s12, $0xb8;
	[tilespmem:$0x1CF00] =	vst v63  }
0x106: {  	_ =	swait.ge [sflag:s10], $0x800  }
0x107: {  	[sflag:s10] =	ssyncset.done $0x0  }
0x108: {  	[sflag:s10] =	ssyncadd.s32 $0xFFFFF800  }
0x109: {  	[spmem:s3] =	stream.indirect.scatter.add.f32 [tilespmem:s25], [sflag:$0x2], $0x10, s2, s12, $0xb8;
	[tilespmem:$0x1CF00] =	vst v63  }
0x10a: {  	_ =	swait.ge [sflag:s10], $0x800  }
0x10b: {  	[sflag:s10] =	ssyncset.done $0x0  }
0x10c: {  	[sflag:s10] =	ssyncadd.s32 $0xFFFFF800  }
0x10d: {  	[bflag:$0x0] =	sbarrier.arrive $0xFFFF  }
0x10e: {  	s8 =	rddreg [dreg:$0x7]  }
0x10f: {  	s9 =	rddreg [dreg:$0x8]  }
0x110: {  	s7 =	rddreg [dreg:$0xa]  }
0x111: {  	[hbm:s9], [sflag:s8] =	dma.local [spmem:s7], $0x30E0  }
0x112: {  	_ =	swait.ge [sflag:s10], $0x30E0  }
0x113: {  	s6 =	rddreg [dreg:$0xb]  }
0x114: {  	s9 =	sadd.s32 $0x1, s6;
	s6 =	rddreg [dreg:$0x9]  }
0x115: {  	p0 =	sne.s32 s9, s6  }
.Ltmp1:
0x116: {  	_ = 	snop;
	(pc) =	sbr.rel @p0 .LBB2_1-.Ltmp1, $3  }
0x117: {  	_ =	sdelay $0x1  }
0x118: {  	[sflag:s10] =	ssyncset.done $0x0  }
0x119: {  	[sflag:s10] =	ssyncadd.s32 $0xFFFFCF20  }
0x11a: {  	_ =	sfence.sel $0x180000  }
0x11b: {  	[bflag:$0x0] =	sbarrier.arrive $0xFFFF  }
0x11c: {  	_ =	strace $0x9000004A  }
0x11d: {  	s0 =	stileid.u32;
	[bflag:$0x2] =	sbarrier.arrive $0xFFFF  }
0x11e: {  	p0 =	sne.s32 s0, $0x0;
	s0 =	rddreg [dreg:$0x3]  }
0x11f: {  	s0 =	sadd.s32 @!p0 $0x100000, s0  }
0x120: {  	[sflag:s0] =	ssyncadd.tile.s32 @!p0 $0x1;
	_ =	shalt  }
.Lfunc_end2:
_tile_overlayer_lowered:
.L_overlay_start_2:
0x121: {  	(tag) =	ssettag $0x2  }
0x122: {  	s0 =	rddreg [dreg:$0x0];
	s2 =	stileid.u32  }
0x123: {  	s1 =	rddreg [dreg:$0x1];
	p0 =	sne.s32 s2, $0x0  }
0x124: {  	s3 =	rddreg [dreg:$0x2];
	[bflag:$0x3] =	sbarrier.arrive $0xFFFF;
	s2 =	simm.s32 @!p0 $0x1C02  }
0x125: {  	[timem:s3], [sflag:s2] =	dma.local @!p0 [hbm:s0], s1  }
0x126: {  	s0 =	simm.s32 @!p0 $0x2  }
0x127: {  	_ =	swait.ge @!p0 [sflag:s0], s1  }
0x128: {  	s1 =	ssub.s32 @!p0 $0x0, s1;
	[sflag:s0] =	ssyncset.done @!p0 $0x0  }
0x129: {  	[sflag:s0] =	ssyncadd.s32 @!p0 s1  }
0x12a: {  	[bflag:$0x3] =	sbarrier.arrive $0xFFFF  }
0x12b: {  	_ =	shalt  }

// kernel: kernel.14.cloned.1.call-start
scs
__scs_entry_jumppad:
0x0: {  	(pc) =	sbr.rel $0x88, $3  }
0x1: {  	(tag) =	ssettag $0x0;
	lr =	simm.s32 $0x1  }
0x2: {  	[smem:$0x3F98] =	sst lr;
	_ =	strace $0xD0000000  }
0x3: {  	_ = 	snop  }
0x4: {  	_ = 	snop  }
0x5: {  	_ = 	snop  }
0x6: {  	_ = 	snop  }
0x7: {  	_ = 	snop  }
__scs_overlays_trampoline_lowered:
0x8: {  	[smem:$0x3FA7] =	sst s0  }
0x9: {  	[smem:$0x3FA8] =	sst s1  }
0xa: {  	[smem:$0x3FA9] =	sst s2  }
0xb: {  	[smem:$0x3FAA] =	sst s3  }
0xc: {  	[smem:$0x3FAB] =	sst s4  }
0xd: {  	[smem:$0x3FAC] =	sst s5  }
0xe: {  	[smem:$0x3FAD] =	sst s6  }
0xf: {  	[smem:$0x3FAE] =	sst s7  }
0x10: {  	[smem:$0x3FAF] =	sst s8  }
0x11: {  	[smem:$0x3FB0] =	sst s9;
	s0 =	simm.s32 @!p0 $0x0  }
0x12: {  	s1 =	sld [smem:$0x3F96];
	s0 =	simm.s32 @p0 $0x1  }
0x13: {  	[smem:$0x3FB1] =	sst s0;
	s0 =	simm.s32 @!p1 $0x0  }
0x14: {  	s2 =	sld [smem:$0x3F95];
	s0 =	simm.s32 @p1 $0x1  }
0x15: {  	[smem:$0x3FB2] =	sst s0;
	s0 =	simm.s32 @!p2 $0x0  }
0x16: {  	s3 =	sld [smem:$0x3FDB];
	s0 =	simm.s32 @p2 $0x1  }
0x17: {  	s4 =	simm.s32 $0x1BF5;
	[smem:$0x3FB4] =	sst s0  }
0x18: {  	s0 =	sld [smem:$0x3F97];
	_ =	swait.ge [sflag:s4], $0x0  }
0x19: {  	s7 =	sld [smem:$0x3F98]  }
0x1a: {  	s8 =	sadd.s32 $0xFFFFE003, lr  }
0x1b: {  	s9 =	sadd.s32 $0xFFFFFEF7, lr;
	s5 =	simm.s32 $0xFFFFFFFF;
	p2 =	slt.u32 s8, $0xFFFFF086  }
0x1c: {  	p1 =	slt.u32 s9, $0xF7A;
	s5 =	simm.s32 @!p2 $0x0  }
0x1d: {  	s5 =	simm.s32 @p1 $0x1;
	p0 =	seq.s32 s7, s2  }
0x1e: {  	s7 =	smul.u32 @!p0 $0xF7A, s2;
	p2 =	seq.s32 @!p0 s5, $0x0  }
0x1f: {  	s9 =	smul.u32 $0xF7A, s1;
	s8 =	simm.s32 @!p0 $0x1BF5;
	p2 =	por !p2, p0  }
0x20: {  	[sflag:s8] =	ssyncset.s32 @!p0 $0xFFFFF086;
	s6 =	sadd.s32 @!p0 s3, s7;
	s7 =	simm.s32 @!p0 $0x108  }
0x21: {  	s3 =	sadd.s32 s3, s9;
	s6 =	sadd.s32 @!p0 $0x88, s6;
	s7 =	simm.s32 @p2 $0x1082  }
0x22: {  	[simem:s7], [sflag:s8] =	dma.local @!p0 [hbm:s6], $0xF7A  }
0x23: {  	s9 =	sor.u32 $0xD0000000, s2;
	s6 =	simm.s32 $0x108;
	_ =	swait.ge @!p0 [sflag:s8], $0x0  }
0x24: {  	s3 =	sadd.s32 $0x88, s3;
	s6 =	simm.s32 @!p1 $0x1082;
	[sflag:s4] =	ssyncset.s32 $0xFFFFF086  }
0x25: {  	[simem:s6], [sflag:s4] =	dma.local [hbm:s3], $0xF7A  }
0x26: {  	[smem:$0x3F98] =	sst s1;
	(tag) =	ssettag s2;
	_ =	strace s9  }
0x27: {  	s1 =	sld [smem:$0x3FA8]  }
0x28: {  	s2 =	sld [smem:$0x3FA9]  }
0x29: {  	s4 =	sld [smem:$0x3FAB]  }
0x2a: {  	p0 =	seq.s32 s5, $0x0;
	s5 =	sld [smem:$0x3FAC]  }
0x2b: {  	s6 =	sld [smem:$0x3FAD]  }
0x2c: {  	s7 =	sld [smem:$0x3FAE]  }
0x2d: {  	s3 =	simm.s32 $0x108;
	s8 =	sld [smem:$0x3FAF]  }
0x2e: {  	s3 =	simm.s32 @!p0 $0x1082;
	s9 =	sld [smem:$0x3FB0]  }
0x2f: {  	lr =	sadd.s32 s0, s3;
	s0 =	sld [smem:$0x3FA7]  }
0x30: {  	s3 =	sld [smem:$0x3FAA]  }
0x31: {  	[smem:$0x3FB3] =	sst s10  }
0x32: {  	s10 =	sld [smem:$0x3FB1];
	_ =	sdelay $0x3  }
0x33: {  	p0 =	seq.s32 s10, $0x1;
	s10 =	sld [smem:$0x3FB3];
	_ =	sdelay $0x3  }
0x34: {  	[smem:$0x3FB3] =	sst s10  }
0x35: {  	s10 =	sld [smem:$0x3FB2];
	_ =	sdelay $0x3  }
0x36: {  	p1 =	seq.s32 s10, $0x1;
	s10 =	sld [smem:$0x3FB3];
	_ =	sdelay $0x3  }
0x37: {  	[smem:$0x3FB3] =	sst s10  }
0x38: {  	s10 =	sld [smem:$0x3FB4]  }
0x39: {  	_ = 	snop;
	(pc) =	sbr.ind lr, $3  }
0x3a: {  	_ = 	snop  }
0x3b: {  	_ = 	snop  }
0x3c: {  	p2 =	seq.s32 s10, $0x1;
	s10 =	sld [smem:$0x3FB3]  }
0x3d: {  	_ =	shalt  }
0x3e: {  	_ =	shalt  }
0x3f: {  	_ =	shalt  }
0x40: {  	_ =	shalt  }
0x41: {  	_ =	shalt  }
0x42: {  	_ =	shalt  }
0x43: {  	_ =	shalt  }
0x44: {  	_ =	shalt  }
0x45: {  	_ =	shalt  }
0x46: {  	_ =	shalt  }
0x47: {  	_ =	shalt  }
0x48: {  	_ =	shalt  }
0x49: {  	_ =	shalt  }
0x4a: {  	_ =	shalt  }
0x4b: {  	_ =	shalt  }
0x4c: {  	_ =	shalt  }
0x4d: {  	_ =	shalt  }
0x4e: {  	_ =	shalt  }
0x4f: {  	_ =	shalt  }
0x50: {  	_ =	shalt  }
0x51: {  	_ =	shalt  }
0x52: {  	_ =	shalt  }
0x53: {  	_ =	shalt  }
0x54: {  	_ =	shalt  }
0x55: {  	_ =	shalt  }
0x56: {  	_ =	shalt  }
0x57: {  	_ =	shalt  }
0x58: {  	_ =	shalt  }
0x59: {  	_ =	shalt  }
0x5a: {  	_ =	shalt  }
0x5b: {  	_ =	shalt  }
0x5c: {  	_ =	shalt  }
0x5d: {  	_ =	shalt  }
0x5e: {  	_ =	shalt  }
0x5f: {  	_ =	shalt  }
0x60: {  	_ =	shalt  }
0x61: {  	_ =	shalt  }
0x62: {  	_ =	shalt  }
0x63: {  	_ =	shalt  }
0x64: {  	_ =	shalt  }
0x65: {  	_ =	shalt  }
0x66: {  	_ =	shalt  }
0x67: {  	_ =	shalt  }
0x68: {  	_ =	shalt  }
0x69: {  	_ =	shalt  }
0x6a: {  	_ =	shalt  }
0x6b: {  	_ =	shalt  }
0x6c: {  	_ =	shalt  }
0x6d: {  	_ =	shalt  }
0x6e: {  	_ =	shalt  }
0x6f: {  	_ =	shalt  }
0x70: {  	_ =	shalt  }
0x71: {  	_ =	shalt  }
0x72: {  	_ =	shalt  }
0x73: {  	_ =	shalt  }
0x74: {  	_ =	shalt  }
0x75: {  	_ =	shalt  }
0x76: {  	_ =	shalt  }
0x77: {  	_ =	shalt  }
0x78: {  	_ =	shalt  }
0x79: {  	_ =	shalt  }
0x7a: {  	_ =	shalt  }
0x7b: {  	_ =	shalt  }
0x7c: {  	_ =	shalt  }
0x7d: {  	_ =	shalt  }
0x7e: {  	_ =	shalt  }
0x7f: {  	_ =	shalt  }
0x80: {  	_ =	shalt  }
0x81: {  	_ =	shalt  }
0x82: {  	_ =	shalt  }
0x83: {  	_ =	shalt  }
0x84: {  	_ =	shalt  }
0x85: {  	_ =	shalt  }
0x86: {  	_ =	shalt  }
0x87: {  	_ =	shalt  }
.Lfunc_end0:
.L_simem_size_0:
called_computation.2_lowered:
.L_overlay_start_0:
0x88: {  	s2 =	sld [smem:$0x3FD9]  }
0x89: {  	s3 =	sld [smem:$0x3FFE];
	_ =	sdelay $0x1  }
0x8a: {  	s1 =	srdreg.scid  }
0x8b: {  	s0 =	sand.u32 $0x1, s1  }
0x8c: {  	s17 =	sshll.u32 s0, $0xA;
	s2 =	sadd.s32 s3, s2  }
0x8d: {  	s2 =	sadd.s32 s2, s17  }
0x8e: {  	[smem:$0x3FBF] =	sst s2  }
0x8f: {  	_ = 	snop  }
0x90: {  	s2 =	sld [smem:$0x3FD0];
	(tm) =	ssettm $0x1  }
0x91: {  	s18 =	sld [smem:$0x3FFB];
	_ =	sdelay $0x3  }
0x92: {  	_ =	strace s18  }
0x93: {  	s3 =	sld [smem:$0x3FFC];
	_ =	sdelay $0x3  }
0x94: {  	_ =	strace s3  }
0x95: {  	s3 =	sld [smem:$0x3FFD];
	_ =	sdelay $0x3  }
0x96: {  	_ =	strace s3  }
0x97: {  	_ =	strace $0x8FFFFFFF  }
0x98: {  	s19 =	sld [smem:$0x3FDB];
	_ =	sdelay $0x1  }
0x99: {  	s4 =	simm.s32 $_scs_section_size  }
0x9a: {  	s5 =	simm.s32 $_size__tile_overlayer_lowered;
	s6 =	simm.s32 $_tile_overlayer_lowered  }
0x9b: {  	s22 =	simm.s32 $0x1BFF;
	s21 =	sshll.u32 s6, $0x1;
	s3 =	sadd.s32 s4, s19  }
0x9c: {  	s7 =	simm.s32 $0x0;
	s20 =	sshll.u32 s5, $0x1;
	s5 =	sadd.s32 s21, s3  }
0x9d: {  	[timem:s7], [sflag:s22] =	dma.local [hbm:s5], s20  }
0x9e: {  	_ =	swait.ge [sflag:s22], s20  }
0x9f: {  	s4 =	ssub.s32 $0x0, s20;
	[sflag:s22] =	ssyncset.done $0x0  }
0xa0: {  	[sflag:s22] =	ssyncadd.s32 s4;
	_ =	sdelay $0x1  }
0xa1: {  	s23 =	simm.s32 $0x1B8B  }
0xa2: {  	_ =	swait.ge [sflag:s23], $0x1  }
0xa3: {  	[sflag:s23] =	ssyncset.done $0x0  }
0xa4: {  	s25 =	simm.s32 $0x1B8E;
	s24 =	sld [smem:$0x3FFE];
	[sflag:s23] =	ssyncadd.s32 $0xFFFFFFFF  }
0xa5: {  	s26 =	simm.s32 $execute0_lowered;
	[smem:$0x3FD2] =	sst s25  }
0xa6: {  	s5 =	sshll.u32 s26, $0x1;
	_ =	strace $0x8000004C;
	[dreg:$0x1] =	wrdreg $0xFFFFFFFF  }
0xa7: {  	s28 =	simm.s32 $_size_execute0_lowered;
	s3 =	sadd.s32 s3, s5;
	[dreg:$0x0] =	wrdreg $0x0  }
0xa8: {  	s5 =	sshll.u32 s28, $0x1;
	[dreg:$0x2] =	wrdreg s3  }
0xa9: {  	[dreg:$0x3] =	wrdreg s5  }
0xaa: {  	[dreg:$0x4] =	wrdreg $0xC0  }
0xab: {  	_ =	task [dreg:s7], $0x5FFFF  }
0xac: {  	[dreg:$0x1] =	wrdreg $0xFFFFFFFF  }
0xad: {  	[dreg:$0x0] =	wrdreg $0x60  }
0xae: {  	[dreg:$0x2] =	wrdreg s24  }
0xaf: {  	[dreg:$0x3] =	wrdreg s2  }
0xb0: {  	[dreg:$0x4] =	wrdreg $0x48000  }
0xb1: {  	[dreg:$0x5] =	wrdreg $0x9  }
0xb2: {  	_ =	task.clear_ibuf [dreg:s7], $0x6FFFF;
	_ =	strace $0x9000004C  }
0xb3: {  	s29 =	simm.s32 $0x9;
	_ =	strace $0x8000004E  }
0xb4: {  	_ =	swait.ge [sflag:s29], $0x1  }
0xb5: {  	[sflag:s29] =	ssyncadd.s32 $0xFFFFFFFF  }
0xb6: {  	_ =	strace $0x9000004E  }
0xb7: {  	_ =	sfence  }
0xb8: {  	s30 =	sld [smem:$0x0];
	_ =	sdelay $0x2  }
0xb9: {  	s31 =	sshll.u32 s1, $0xD;
	s1 =	sshrl.u32 s1, $0x2  }
0xba: {  	s3 =	sand.u32 $0x4000, s31;
	s1 =	sadd.s32 s1, s30  }
0xbb: {  	s0 =	sor.u32 s3, s0;
	s1 =	sshll.u32 s1, $0x11  }
0xbc: {  	s0 =	sor.u32 s1, s0  }
0xbd: {  	s0 =	sadd.s32 $0x8F2B, s0  }
0xbe: {  	[sflag:s0] =	ssyncadd.remote.s32 $0x1  }
0xbf: {  	_ =	sfence.sel $0xFFFF  }
0xc0: {  	[dreg:$0x0] =	wrdreg $0xFFFFFFFF;
	(pc) =	sbr.abs _section_cstart, $3  }
0xc1: {  	[dreg:$0x1] =	wrdreg $0xFFFFFFFF  }
0xc2: {  	_ =	task.clear_ibuf [dreg:s7], $0x2FFFF;
	_ =	strace $0x9FFFFFFF  }
0xc3: {  	(tm) =	ssettm $0x7FFFFFFF  }
tec
execute0_lowered:
.L_overlay_start_1:
0x0: {  	(tag) =	ssettag $0x1  }
0x1: {  	s0 =	rddreg [dreg:$0x0];
	s1 =	srdreg.scid  }
0x2: {  	s10 =	stileid.u32;
	s3 =	rddreg [dreg:$0x2];
	s4 =	simm.s32 $0x0  }
0x3: {  	s11 =	simm.s32 $0x400;
	s12 =	simm.s32 $0x80;
	s13 =	simm.s32 $0x800  }
0x4: {  	s14 =	simm.s32 $0x1000;
	s26 =	simm.s32 $0x100;
	s15 =	simm.s32 $0x1800  }
0x5: {  	s16 =	simm.s32 $0x180;
	s17 =	simm.s32 $0x2000;
	s18 =	simm.s32 $0x200  }
0x6: {  	s19 =	simm.s32 $0x2800;
	s20 =	simm.s32 $0x280;
	s21 =	simm.s32 $0x3000  }
0x7: {  	s22 =	simm.s32 $0x300;
	s28 =	simm.s32 $0x480;
	s5 =	smul.u32 $0x18800, s10  }
0x8: {  	s29 =	simm.s32 $0x500;
	s30 =	simm.s32 $0x580;
	s6 =	smul.u32 $0x3100, s10  }
0x9: {  	s31 =	simm.s32 $0x600;
	s1 =	sand.u32 $0x1, s1;
	s7 =	smul.u32 $0x18700, s10  }
0xa: {  	[smem:$0x7FF] =	sst s4;
	s24 =	sshll.u32 s10, $0x6;
	s2 =	smul.u32 $0x188000, s1  }
0xb: {  	s10 =	simm.s32 $0x2;
	s23 =	smul.u32 $0x187000, s1;
	_ =	strace $0x8000004D  }
0xc: {  	s1 =	ssub.s32 $0x2, s1;
	[dreg:$0x6] =	wrdreg s26;
	s26 =	simm.s32 $0x1  }
0xd: {  	s6 =	sadd.s32 s6, s0;
	s9 =	sshrl.u32 s1, $0x1;
	s2 =	sadd.s32 s2, s5  }
0xe: {  	s8 =	sadd.s32 s7, s23;
	s5 =	sadd.s32 $0x21E000, s0;
	s1 =	ssub.s32 s1, s9  }
0xf: {  	s7 =	sadd.s32 s7, s3;
	s25 =	sadd.s32 $0x33C00, s6;
	s23 =	simm.s32 $0x3800  }
0x10: {  	s9 =	simm.s32 $0x0;
	s2 =	sshrl.u32 s2, $0x3;
	s8 =	sshrl.u32 s8, $0x3  }
0x11: {  	s1 =	smax.u32 s1, $0x1;
	[dreg:$0x5] =	wrdreg s25;
	s7 =	sshrl.u32 s7, $0x3  }
0x12: {  	s25 =	simm.s32 $0x4000;
	s2 =	sadd.s32 s2, s0;
	[dreg:$0x9] =	wrdreg s1  }
0x13: {  	s0 =	sadd.s32 s8, s0;
	s8 =	sor.u32 $0x1C02, s24;
	[dreg:$0xa] =	wrdreg s7  }
0x14: {  	s24 =	simm.s32 $0x380;
	s0 =	sadd.s32 $0x468600, s0;
	[dreg:$0x7] =	wrdreg s8  }
0x15: {  	s1 =	simm.s32 $0x680;
	s2 =	sadd.s32 $0x27FC00, s2;
	[dreg:$0x8] =	wrdreg s0  }
0x16: {  	[dreg:$0x4] =	wrdreg s2;
	s0 =	simm.s32 $0x700;
	s2 =	simm.s32 $0x780  }
.LBB2_1:
0x17: {  	[dreg:$0xb] =	wrdreg s9  }
0x18: {  	s6 =	rddreg [dreg:$0x1]  }
0x19: {  	[spmem:s7], [sflag:s8] =	dma.local [hbm:s6], $0x30E0  }
0x1a: {  	_ =	swait.ge [sflag:s10], $0x30E0  }
0x1b: {  	[sflag:s10] =	ssyncset.done $0x0  }
0x1c: {  	[sflag:s10] =	ssyncadd.s32 $0xFFFFCF20  }
0x1d: {  	[bflag:$0x0] =	sbarrier.arrive $0xFFFF  }
0x1e: {  	s7 =	rddreg [dreg:$0x4]  }
0x1f: {  	s6 =	sadd.s32 $0x0, s7  }
0x20: {  	[tilespmem:s4], [sflag:$0x2] =	stream.linear.gather [hbm4b:s6+s4], $0x400, $0x38;
	[tilespmem:$0x1CF00] =	vst v63  }
0x21: {  	_ =	swait.ge [sflag:s10], $0x400  }
0x22: {  	s8 =	rddreg [dreg:$0x5];
	[sflag:s10] =	ssyncset.done $0x0  }
0x23: {  	[sflag:s10] =	ssyncadd.s32 $0xFFFFFC00;
	s6 =	sadd.s32 $0x0, s8  }
0x24: {  	[tilespmem:s11], [sflag:$0x2] =	stream.linear.gather [hbm4b:s6+s4], $0x400, $0x38;
	[tilespmem:$0x1CF00] =	vst v63  }
0x25: {  	_ =	swait.ge [sflag:s10], $0x400  }
0x26: {  	[sflag:s10] =	ssyncset.done $0x0  }
0x27: {  	[sflag:s10] =	ssyncadd.s32 $0xFFFFFC00  }
0x28: {  	[tilespmem:s13], [sflag:$0x1] =	stream.indirect.gather [hbm4b:s5+s12], $0x10, s4, s12, $0xb8;
	[tilespmem:$0x1CF00] =	vst v63  }
0x29: {  	_ = 	snop  }
0x2a: {  	[tilespmem:s14], [sflag:$0x1] =	stream.indirect.gather [hbm4b:s5+s12], $0x10, s12, s12, $0xb8;
	[tilespmem:$0x1CF00] =	vst v63  }
0x2b: {  	s9 =	rddreg [dreg:$0x6]  }
0x2c: {  	[tilespmem:s15], [sflag:$0x1] =	stream.indirect.gather [hbm4b:s5+s12], $0x10, s9, s12, $0xb8;
	[tilespmem:$0x1CF00] =	vst v63  }
0x2d: {  	_ = 	snop  }
0x2e: {  	[tilespmem:s17], [sflag:$0x1] =	stream.indirect.gather [hbm4b:s5+s12], $0x10, s16, s12, $0xb8;
	[tilespmem:$0x1CF00] =	vst v63  }
0x2f: {  	_ = 	snop  }
0x30: {  	[tilespmem:s19], [sflag:$0x1] =	stream.indirect.gather [hbm4b:s5+s12], $0x10, s18, s12, $0xb8;
	[tilespmem:$0x1CF00] =	vst v63  }
0x31: {  	_ = 	snop  }
0x32: {  	[tilespmem:s21], [sflag:$0x1] =	stream.indirect.gather [hbm4b:s5+s12], $0x10, s20, s12, $0xb8;
	[tilespmem:$0x1CF00] =	vst v63  }
0x33: {  	_ = 	snop  }
0x34: {  	[tilespmem:s23], [sflag:$0x1] =	stream.indirect.gather [hbm4b:s5+s12], $0x10, s22, s12, $0xb8;
	[tilespmem:$0x1CF00] =	vst v63  }
0x35: {  	_ = 	snop  }
0x36: {  	[tilespmem:s25], [sflag:$0x1] =	stream.indirect.gather [hbm4b:s5+s12], $0x10, s24, s12, $0xb8;
	[tilespmem:$0x1CF00] =	vst v63  }
0x37: {  	_ =	swait.ge [sflag:s26], $0x800  }
0x38: {  	[sflag:s26] =	ssyncset.done $0x0  }
0x39: {  	[sflag:s26] =	ssyncadd.s32 $0xFFFFF800  }
0x3a: {  	_ =	swait.ge [sflag:s26], $0x800  }
0x3b: {  	[sflag:s26] =	ssyncset.done $0x0  }
0x3c: {  	[sflag:s26] =	ssyncadd.s32 $0xFFFFF800  }
0x3d: {  	_ =	swait.ge [sflag:s26], $0x800  }
0x3e: {  	[sflag:s26] =	ssyncset.done $0x0  }
0x3f: {  	[sflag:s26] =	ssyncadd.s32 $0xFFFFF800  }
0x40: {  	_ =	swait.ge [sflag:s26], $0x800  }
0x41: {  	[sflag:s26] =	ssyncset.done $0x0  }
0x42: {  	[sflag:s26] =	ssyncadd.s32 $0xFFFFF800  }
0x43: {  	_ =	swait.ge [sflag:s26], $0x800  }
0x44: {  	[sflag:s26] =	ssyncset.done $0x0  }
0x45: {  	[sflag:s26] =	ssyncadd.s32 $0xFFFFF800  }
0x46: {  	_ =	swait.ge [sflag:s26], $0x800  }
0x47: {  	[sflag:s26] =	ssyncset.done $0x0  }
0x48: {  	[sflag:s26] =	ssyncadd.s32 $0xFFFFF800  }
0x49: {  	_ =	swait.ge [sflag:s26], $0x800  }
0x4a: {  	[sflag:s26] =	ssyncset.done $0x0  }
0x4b: {  	[sflag:s26] =	ssyncadd.s32 $0xFFFFF800  }
0x4c: {  	_ =	swait.ge [sflag:s26], $0x800  }
0x4d: {  	[sflag:s26] =	ssyncset.done $0x0  }
0x4e: {  	[sflag:s26] =	ssyncadd.s32 $0xFFFFF800  }
0x4f: {  	[spmem:s3] =	stream.indirect.scatter.add.f32 [tilespmem:s13], [sflag:$0x2], $0x10, s11, s12, $0xb8;
	[tilespmem:$0x1CF00] =	vst v63  }
0x50: {  	_ =	swait.ge [sflag:s10], $0x800  }
0x51: {  	[sflag:s10] =	ssyncset.done $0x0  }
0x52: {  	[sflag:s10] =	ssyncadd.s32 $0xFFFFF800  }
0x53: {  	[spmem:s3] =	stream.indirect.scatter.add.f32 [tilespmem:s14], [sflag:$0x2], $0x10, s28, s12, $0xb8;
	[tilespmem:$0x1CF00] =	vst v63  }
0x54: {  	_ =	swait.ge [sflag:s10], $0x800  }
0x55: {  	[sflag:s10] =	ssyncset.done $0x0  }
0x56: {  	[sflag:s10] =	ssyncadd.s32 $0xFFFFF800  }
0x57: {  	[spmem:s3] =	stream.indirect.scatter.add.f32 [tilespmem:s15], [sflag:$0x2], $0x10, s29, s12, $0xb8;
	[tilespmem:$0x1CF00] =	vst v63  }
0x58: {  	_ =	swait.ge [sflag:s10], $0x800  }
0x59: {  	[sflag:s10] =	ssyncset.done $0x0  }
0x5a: {  	[sflag:s10] =	ssyncadd.s32 $0xFFFFF800  }
0x5b: {  	[spmem:s3] =	stream.indirect.scatter.add.f32 [tilespmem:s17], [sflag:$0x2], $0x10, s30, s12, $0xb8;
	[tilespmem:$0x1CF00] =	vst v63  }
0x5c: {  	_ =	swait.ge [sflag:s10], $0x800  }
0x5d: {  	[sflag:s10] =	ssyncset.done $0x0  }
0x5e: {  	[sflag:s10] =	ssyncadd.s32 $0xFFFFF800  }
0x5f: {  	[spmem:s3] =	stream.indirect.scatter.add.f32 [tilespmem:s19], [sflag:$0x2], $0x10, s31, s12, $0xb8;
	[tilespmem:$0x1CF00] =	vst v63  }
0x60: {  	_ =	swait.ge [sflag:s10], $0x800  }
0x61: {  	[sflag:s10] =	ssyncset.done $0x0  }
0x62: {  	[sflag:s10] =	ssyncadd.s32 $0xFFFFF800  }
0x63: {  	[spmem:s3] =	stream.indirect.scatter.add.f32 [tilespmem:s21], [sflag:$0x2], $0x10, s1, s12, $0xb8;
	[tilespmem:$0x1CF00] =	vst v63  }
0x64: {  	_ =	swait.ge [sflag:s10], $0x800  }
0x65: {  	[sflag:s10] =	ssyncset.done $0x0  }
0x66: {  	[sflag:s10] =	ssyncadd.s32 $0xFFFFF800  }
0x67: {  	[spmem:s3] =	stream.indirect.scatter.add.f32 [tilespmem:s23], [sflag:$0x2], $0x10, s0, s12, $0xb8;
	[tilespmem:$0x1CF00] =	vst v63  }
0x68: {  	_ =	swait.ge [sflag:s10], $0x800  }
0x69: {  	[sflag:s10] =	ssyncset.done $0x0  }
0x6a: {  	[sflag:s10] =	ssyncadd.s32 $0xFFFFF800  }
0x6b: {  	[spmem:s3] =	stream.indirect.scatter.add.f32 [tilespmem:s25], [sflag:$0x2], $0x10, s2, s12, $0xb8;
	[tilespmem:$0x1CF00] =	vst v63  }
0x6c: {  	s8 =	simm.s32 $0x80;
	_ =	swait.ge [sflag:s10], $0x800  }
0x6d: {  	s6 =	simm.s32 $0x100;
	s9 =	rddreg [dreg:$0x4];
	[sflag:s10] =	ssyncset.done $0x0  }
.LBB2_2:
0x6e: {  	[sflag:s10] =	ssyncadd.s32 $0xFFFFF800;
	s9 =	sadd.s32 s8, s9  }
0x6f: {  	[tilespmem:s4], [sflag:$0x2] =	stream.linear.gather [hbm4b:s9+s4], $0x400, $0x38;
	[tilespmem:$0x1CF00] =	vst v63  }
0x70: {  	_ =	swait.ge [sflag:s10], $0x400  }
0x71: {  	s9 =	rddreg [dreg:$0x5];
	[sflag:s10] =	ssyncset.done $0x0  }
0x72: {  	[sflag:s10] =	ssyncadd.s32 $0xFFFFFC00;
	s9 =	sadd.s32 s8, s9  }
0x73: {  	[tilespmem:s11], [sflag:$0x2] =	stream.linear.gather [hbm4b:s9+s4], $0x400, $0x38;
	[tilespmem:$0x1CF00] =	vst v63  }
0x74: {  	_ =	swait.ge [sflag:s10], $0x400  }
0x75: {  	[sflag:s10] =	ssyncset.done $0x0  }
0x76: {  	[sflag:s10] =	ssyncadd.s32 $0xFFFFFC00  }
0x77: {  	[tilespmem:s13], [sflag:$0x1] =	stream.indirect.gather [hbm4b:s5+s12], $0x10, s4, s12, $0xb8;
	[tilespmem:$0x1CF00] =	vst v63  }
0x78: {  	_ = 	snop  }
0x79: {  	[tilespmem:s14], [sflag:$0x1] =	stream.indirect.gather [hbm4b:s5+s12], $0x10, s12, s12, $0xb8;
	[tilespmem:$0x1CF00] =	vst v63  }
0x7a: {  	s9 =	rddreg [dreg:$0x6]  }
0x7b: {  	[tilespmem:s15], [sflag:$0x1] =	stream.indirect.gather [hbm4b:s5+s12], $0x10, s9, s12, $0xb8;
	[tilespmem:$0x1CF00] =	vst v63  }
0x7c: {  	_ = 	snop  }
0x7d: {  	[tilespmem:s17], [sflag:$0x1] =	stream.indirect.gather [hbm4b:s5+s12], $0x10, s16, s12, $0xb8;
	[tilespmem:$0x1CF00] =	vst v63  }
0x7e: {  	_ = 	snop  }
0x7f: {  	[tilespmem:s19], [sflag:$0x1] =	stream.indirect.gather [hbm4b:s5+s12], $0x10, s18, s12, $0xb8;
	[tilespmem:$0x1CF00] =	vst v63  }
0x80: {  	_ = 	snop  }
0x81: {  	[tilespmem:s21], [sflag:$0x1] =	stream.indirect.gather [hbm4b:s5+s12], $0x10, s20, s12, $0xb8;
	[tilespmem:$0x1CF00] =	vst v63  }
0x82: {  	_ = 	snop  }
0x83: {  	[tilespmem:s23], [sflag:$0x1] =	stream.indirect.gather [hbm4b:s5+s12], $0x10, s22, s12, $0xb8;
	[tilespmem:$0x1CF00] =	vst v63  }
0x84: {  	_ = 	snop  }
0x85: {  	[tilespmem:s25], [sflag:$0x1] =	stream.indirect.gather [hbm4b:s5+s12], $0x10, s24, s12, $0xb8;
	[tilespmem:$0x1CF00] =	vst v63  }
0x86: {  	_ =	swait.ge [sflag:s26], $0x800  }
0x87: {  	[sflag:s26] =	ssyncset.done $0x0  }
0x88: {  	[sflag:s26] =	ssyncadd.s32 $0xFFFFF800  }
0x89: {  	_ =	swait.ge [sflag:s26], $0x800  }
0x8a: {  	[sflag:s26] =	ssyncset.done $0x0  }
0x8b: {  	[sflag:s26] =	ssyncadd.s32 $0xFFFFF800  }
0x8c: {  	_ =	swait.ge [sflag:s26], $0x800  }
0x8d: {  	[sflag:s26] =	ssyncset.done $0x0  }
0x8e: {  	[sflag:s26] =	ssyncadd.s32 $0xFFFFF800  }
0x8f: {  	_ =	swait.ge [sflag:s26], $0x800  }
0x90: {  	[sflag:s26] =	ssyncset.done $0x0  }
0x91: {  	[sflag:s26] =	ssyncadd.s32 $0xFFFFF800  }
0x92: {  	_ =	swait.ge [sflag:s26], $0x800  }
0x93: {  	[sflag:s26] =	ssyncset.done $0x0  }
0x94: {  	[sflag:s26] =	ssyncadd.s32 $0xFFFFF800  }
0x95: {  	_ =	swait.ge [sflag:s26], $0x800  }
0x96: {  	[sflag:s26] =	ssyncset.done $0x0  }
0x97: {  	[sflag:s26] =	ssyncadd.s32 $0xFFFFF800  }
0x98: {  	_ =	swait.ge [sflag:s26], $0x800  }
0x99: {  	[sflag:s26] =	ssyncset.done $0x0  }
0x9a: {  	[sflag:s26] =	ssyncadd.s32 $0xFFFFF800  }
0x9b: {  	_ =	swait.ge [sflag:s26], $0x800  }
0x9c: {  	[sflag:s26] =	ssyncset.done $0x0  }
0x9d: {  	[sflag:s26] =	ssyncadd.s32 $0xFFFFF800  }
0x9e: {  	[spmem:s3] =	stream.indirect.scatter.add.f32 [tilespmem:s13], [sflag:$0x2], $0x10, s11, s12, $0xb8;
	[tilespmem:$0x1CF00] =	vst v63  }
0x9f: {  	_ =	swait.ge [sflag:s10], $0x800  }
0xa0: {  	[sflag:s10] =	ssyncset.done $0x0  }
0xa1: {  	[sflag:s10] =	ssyncadd.s32 $0xFFFFF800  }
0xa2: {  	[spmem:s3] =	stream.indirect.scatter.add.f32 [tilespmem:s14], [sflag:$0x2], $0x10, s28, s12, $0xb8;
	[tilespmem:$0x1CF00] =	vst v63  }
0xa3: {  	_ =	swait.ge [sflag:s10], $0x800  }
0xa4: {  	[sflag:s10] =	ssyncset.done $0x0  }
0xa5: {  	[sflag:s10] =	ssyncadd.s32 $0xFFFFF800  }
0xa6: {  	[spmem:s3] =	stream.indirect.scatter.add.f32 [tilespmem:s15], [sflag:$0x2], $0x10, s29, s12, $0xb8;
	[tilespmem:$0x1CF00] =	vst v63  }
0xa7: {  	_ =	swait.ge [sflag:s10], $0x800  }
0xa8: {  	[sflag:s10] =	ssyncset.done $0x0  }
0xa9: {  	[sflag:s10] =	ssyncadd.s32 $0xFFFFF800  }
0xaa: {  	[spmem:s3] =	stream.indirect.scatter.add.f32 [tilespmem:s17], [sflag:$0x2], $0x10, s30, s12, $0xb8;
	[tilespmem:$0x1CF00] =	vst v63  }
0xab: {  	_ =	swait.ge [sflag:s10], $0x800  }
0xac: {  	[sflag:s10] =	ssyncset.done $0x0  }
0xad: {  	[sflag:s10] =	ssyncadd.s32 $0xFFFFF800  }
0xae: {  	[spmem:s3] =	stream.indirect.scatter.add.f32 [tilespmem:s19], [sflag:$0x2], $0x10, s31, s12, $0xb8;
	[tilespmem:$0x1CF00] =	vst v63  }
0xaf: {  	_ =	swait.ge [sflag:s10], $0x800  }
0xb0: {  	[sflag:s10] =	ssyncset.done $0x0  }
0xb1: {  	[sflag:s10] =	ssyncadd.s32 $0xFFFFF800  }
0xb2: {  	[spmem:s3] =	stream.indirect.scatter.add.f32 [tilespmem:s21], [sflag:$0x2], $0x10, s1, s12, $0xb8;
	[tilespmem:$0x1CF00] =	vst v63  }
0xb3: {  	_ =	swait.ge [sflag:s10], $0x800  }
0xb4: {  	[sflag:s10] =	ssyncset.done $0x0  }
0xb5: {  	[sflag:s10] =	ssyncadd.s32 $0xFFFFF800  }
0xb6: {  	[spmem:s3] =	stream.indirect.scatter.add.f32 [tilespmem:s23], [sflag:$0x2], $0x10, s0, s12, $0xb8;
	[tilespmem:$0x1CF00] =	vst v63  }
0xb7: {  	p0 =	sne.s32 s6, $0x3080;
	_ =	swait.ge [sflag:s10], $0x800  }
.Ltmp0:
0xb8: {  	[sflag:s10] =	ssyncset.done $0x0;
	(pc) =	sbr.rel @p0 .LBB2_2-.Ltmp0, $4  }
0xb9: {  	[sflag:s10] =	ssyncadd.s32 $0xFFFFF800  }
0xba: {  	[spmem:s3] =	stream.indirect.scatter.add.f32 [tilespmem:s25], [sflag:$0x2], $0x10, s2, s12, $0xb8;
	[tilespmem:$0x1CF00] =	vst v63  }
0xbb: {  	s7 =	smov.u32 s6;
	s6 =	sadd.s32 $0x80, s6;
	_ =	swait.ge [sflag:s10], $0x800  }
0xbc: {  	s8 =	smov.u32 s7;
	s9 =	rddreg [dreg:$0x4];
	[sflag:s10] =	ssyncset.done $0x0  }
0xbd: {  	[sflag:s10] =	ssyncadd.s32 $0xFFFFF800;
	s6 =	sadd.s32 s8, s9  }
0xbe: {  	[tilespmem:s4], [sflag:$0x2] =	stream.linear.gather [hbm4b:s6+s4], $0x400, $0x38;
	[tilespmem:$0x1CF00] =	vst v63  }
0xbf: {  	_ =	swait.ge [sflag:s10], $0x400  }
0xc0: {  	s7 =	rddreg [dreg:$0x5];
	[sflag:s10] =	ssyncset.done $0x0  }
0xc1: {  	s6 =	sadd.s32 s8, s7;
	[sflag:s10] =	ssyncadd.s32 $0xFFFFFC00  }
0xc2: {  	[tilespmem:s11], [sflag:$0x2] =	stream.linear.gather [hbm4b:s6+s4], $0x400, $0x38;
	[tilespmem:$0x1CF00] =	vst v63  }
0xc3: {  	_ =	swait.ge [sflag:s10], $0x400  }
0xc4: {  	[sflag:s10] =	ssyncset.done $0x0  }
0xc5: {  	[sflag:s10] =	ssyncadd.s32 $0xFFFFFC00  }
0xc6: {  	[tilespmem:s13], [sflag:$0x1] =	stream.indirect.gather [hbm4b:s5+s12], $0x10, s4, s12, $0xb8;
	[tilespmem:$0x1CF00] =	vst v63  }
0xc7: {  	_ = 	snop  }
0xc8: {  	[tilespmem:s14], [sflag:$0x1] =	stream.indirect.gather [hbm4b:s5+s12], $0x10, s12, s12, $0xb8;
	[tilespmem:$0x1CF00] =	vst v63  }
0xc9: {  	s8 =	rddreg [dreg:$0x6]  }
0xca: {  	[tilespmem:s15], [sflag:$0x1] =	stream.indirect.gather [hbm4b:s5+s12], $0x10, s8, s12, $0xb8;
	[tilespmem:$0x1CF00] =	vst v63  }
0xcb: {  	_ = 	snop  }
0xcc: {  	[tilespmem:s17], [sflag:$0x1] =	stream.indirect.gather [hbm4b:s5+s12], $0x10, s16, s12, $0xb8;
	[tilespmem:$0x1CF00] =	vst v63  }
0xcd: {  	_ = 	snop  }
0xce: {  	[tilespmem:s19], [sflag:$0x1] =	stream.indirect.gather [hbm4b:s5+s12], $0x10, s18, s12, $0xb8;
	[tilespmem:$0x1CF00] =	vst v63  }
0xcf: {  	_ = 	snop  }
0xd0: {  	[tilespmem:s21], [sflag:$0x1] =	stream.indirect.gather [hbm4b:s5+s12], $0x10, s20, s12, $0xb8;
	[tilespmem:$0x1CF00] =	vst v63  }
0xd1: {  	_ = 	snop  }
0xd2: {  	[tilespmem:s23], [sflag:$0x1] =	stream.indirect.gather [hbm4b:s5+s12], $0x10, s22, s12, $0xb8;
	[tilespmem:$0x1CF00] =	vst v63  }
0xd3: {  	_ = 	snop  }
0xd4: {  	[tilespmem:s25], [sflag:$0x1] =	stream.indirect.gather [hbm4b:s5+s12], $0x10, s24, s12, $0xb8;
	[tilespmem:$0x1CF00] =	vst v63  }
0xd5: {  	_ =	swait.ge [sflag:s26], $0x800  }
0xd6: {  	[sflag:s26] =	ssyncset.done $0x0  }
0xd7: {  	[sflag:s26] =	ssyncadd.s32 $0xFFFFF800  }
0xd8: {  	_ =	swait.ge [sflag:s26], $0x800  }
0xd9: {  	[sflag:s26] =	ssyncset.done $0x0  }
0xda: {  	[sflag:s26] =	ssyncadd.s32 $0xFFFFF800  }
0xdb: {  	_ =	swait.ge [sflag:s26], $0x800  }
0xdc: {  	[sflag:s26] =	ssyncset.done $0x0  }
0xdd: {  	[sflag:s26] =	ssyncadd.s32 $0xFFFFF800  }
0xde: {  	_ =	swait.ge [sflag:s26], $0x800  }
0xdf: {  	[sflag:s26] =	ssyncset.done $0x0  }
0xe0: {  	[sflag:s26] =	ssyncadd.s32 $0xFFFFF800  }
0xe1: {  	_ =	swait.ge [sflag:s26], $0x800  }
0xe2: {  	[sflag:s26] =	ssyncset.done $0x0  }
0xe3: {  	[sflag:s26] =	ssyncadd.s32 $0xFFFFF800  }
0xe4: {  	_ =	swait.ge [sflag:s26], $0x800  }
0xe5: {  	[sflag:s26] =	ssyncset.done $0x0  }
0xe6: {  	[sflag:s26] =	ssyncadd.s32 $0xFFFFF800  }
0xe7: {  	_ =	swait.ge [sflag:s26], $0x800  }
0xe8: {  	[sflag:s26] =	ssyncset.done $0x0  }
0xe9: {  	[sflag:s26] =	ssyncadd.s32 $0xFFFFF800  }
0xea: {  	_ =	swait.ge [sflag:s26], $0x800  }
0xeb: {  	[sflag:s26] =	ssyncset.done $0x0  }
0xec: {  	[sflag:s26] =	ssyncadd.s32 $0xFFFFF800  }
0xed: {  	[spmem:s3] =	stream.indirect.scatter.add.f32 [tilespmem:s13], [sflag:$0x2], $0x10, s11, s12, $0xb8;
	[tilespmem:$0x1CF00] =	vst v63  }
0xee: {  	_ =	swait.ge [sflag:s10], $0x800  }
0xef: {  	[sflag:s10] =	ssyncset.done $0x0  }
0xf0: {  	[sflag:s10] =	ssyncadd.s32 $0xFFFFF800  }
0xf1: {  	[spmem:s3] =	stream.indirect.scatter.add.f32 [tilespmem:s14], [sflag:$0x2], $0x10, s28, s12, $0xb8;
	[tilespmem:$0x1CF00] =	vst v63  }
0xf2: {  	_ =	swait.ge [sflag:s10], $0x800  }
0xf3: {  	[sflag:s10] =	ssyncset.done $0x0  }
0xf4: {  	[sflag:s10] =	ssyncadd.s32 $0xFFFFF800  }
0xf5: {  	[spmem:s3] =	stream.indirect.scatter.add.f32 [tilespmem:s15], [sflag:$0x2], $0x10, s29, s12, $0xb8;
	[tilespmem:$0x1CF00] =	vst v63  }
0xf6: {  	_ =	swait.ge [sflag:s10], $0x800  }
0xf7: {  	[sflag:s10] =	ssyncset.done $0x0  }
0xf8: {  	[sflag:s10] =	ssyncadd.s32 $0xFFFFF800  }
0xf9: {  	[spmem:s3] =	stream.indirect.scatter.add.f32 [tilespmem:s17], [sflag:$0x2], $0x10, s30, s12, $0xb8;
	[tilespmem:$0x1CF00] =	vst v63  }
0xfa: {  	_ =	swait.ge [sflag:s10], $0x800  }
0xfb: {  	[sflag:s10] =	ssyncset.done $0x0  }
0xfc: {  	[sflag:s10] =	ssyncadd.s32 $0xFFFFF800  }
0xfd: {  	[spmem:s3] =	stream.indirect.scatter.add.f32 [tilespmem:s19], [sflag:$0x2], $0x10, s31, s12, $0xb8;
	[tilespmem:$0x1CF00] =	vst v63  }
0xfe: {  	_ =	swait.ge [sflag:s10], $0x800  }
0xff: {  	[sflag:s10] =	ssyncset.done $0x0  }
0x100: {  	[sflag:s10] =	ssyncadd.s32 $0xFFFFF800  }
0x101: {  	[spmem:s3] =	stream.indirect.scatter.add.f32 [tilespmem:s21], [sflag:$0x2], $0x10, s1, s12, $0xb8;
	[tilespmem:$0x1CF00] =	vst v63  }
0x102: {  	_ =	swait.ge [sflag:s10], $0x800  }
0x103: {  	[sflag:s10] =	ssyncset.done $0x0  }
0x104: {  	[sflag:s10] =	ssyncadd.s32 $0xFFFFF800  }
0x105: {  	[spmem:s3] =	stream.indirect.scatter.add.f32 [tilespmem:s23], [sflag:$0x2], $0x10, s0, s12, $0xb8;
	[tilespmem:$0x1CF00] =	vst v63  }
0x106: {  	_ =	swait.ge [sflag:s10], $0x800  }
0x107: {  	[sflag:s10] =	ssyncset.done $0x0  }
0x108: {  	[sflag:s10] =	ssyncadd.s32 $0xFFFFF800  }
0x109: {  	[spmem:s3] =	stream.indirect.scatter.add.f32 [tilespmem:s25], [sflag:$0x2], $0x10, s2, s12, $0xb8;
	[tilespmem:$0x1CF00] =	vst v63  }
0x10a: {  	_ =	swait.ge [sflag:s10], $0x800  }
0x10b: {  	[sflag:s10] =	ssyncset.done $0x0  }
0x10c: {  	[sflag:s10] =	ssyncadd.s32 $0xFFFFF800  }
0x10d: {  	[bflag:$0x0] =	sbarrier.arrive $0xFFFF  }
0x10e: {  	s8 =	rddreg [dreg:$0x7]  }
0x10f: {  	s9 =	rddreg [dreg:$0x8]  }
0x110: {  	s7 =	rddreg [dreg:$0xa]  }
0x111: {  	[hbm:s9], [sflag:s8] =	dma.local [spmem:s7], $0x30E0  }
0x112: {  	_ =	swait.ge [sflag:s10], $0x30E0  }
0x113: {  	s6 =	rddreg [dreg:$0xb]  }
0x114: {  	s9 =	sadd.s32 $0x1, s6;
	s6 =	rddreg [dreg:$0x9]  }
0x115: {  	p0 =	sne.s32 s9, s6  }
.Ltmp1:
0x116: {  	_ = 	snop;
	(pc) =	sbr.rel @p0 .LBB2_1-.Ltmp1, $3  }
0x117: {  	_ =	sdelay $0x1  }
0x118: {  	[sflag:s10] =	ssyncset.done $0x0  }
0x119: {  	[sflag:s10] =	ssyncadd.s32 $0xFFFFCF20  }
0x11a: {  	_ =	sfence.sel $0x180000  }
0x11b: {  	[bflag:$0x0] =	sbarrier.arrive $0xFFFF  }
0x11c: {  	_ =	strace $0x9000004D  }
0x11d: {  	s0 =	stileid.u32;
	[bflag:$0x2] =	sbarrier.arrive $0xFFFF  }
0x11e: {  	p0 =	sne.s32 s0, $0x0;
	s0 =	rddreg [dreg:$0x3]  }
0x11f: {  	s0 =	sadd.s32 @!p0 $0x100000, s0  }
0x120: {  	[sflag:s0] =	ssyncadd.tile.s32 @!p0 $0x1;
	_ =	shalt  }
.Lfunc_end2:
_tile_overlayer_lowered:
.L_overlay_start_2:
0x121: {  	(tag) =	ssettag $0x2  }
0x122: {  	s0 =	rddreg [dreg:$0x0];
	s2 =	stileid.u32  }
0x123: {  	s1 =	rddreg [dreg:$0x1];
	p0 =	sne.s32 s2, $0x0  }
0x124: {  	s3 =	rddreg [dreg:$0x2];
	[bflag:$0x3] =	sbarrier.arrive $0xFFFF;
	s2 =	simm.s32 @!p0 $0x1C02  }
0x125: {  	[timem:s3], [sflag:s2] =	dma.local @!p0 [hbm:s0], s1  }
0x126: {  	s0 =	simm.s32 @!p0 $0x2  }
0x127: {  	_ =	swait.ge @!p0 [sflag:s0], s1  }
0x128: {  	s1 =	ssub.s32 @!p0 $0x0, s1;
	[sflag:s0] =	ssyncset.done @!p0 $0x0  }
0x129: {  	[sflag:s0] =	ssyncadd.s32 @!p0 s1  }
0x12a: {  	[bflag:$0x3] =	sbarrier.arrive $0xFFFF  }
0x12b: {  	_ =	shalt  }

// kernel: kernel.8.cloned.1.call-start
scs
__scs_entry_jumppad:
0x0: {  	(pc) =	sbr.rel $0x88, $3  }
0x1: {  	(tag) =	ssettag $0x0;
	lr =	simm.s32 $0x1  }
0x2: {  	[smem:$0x3F98] =	sst lr;
	_ =	strace $0xD0000000  }
0x3: {  	_ = 	snop  }
0x4: {  	_ = 	snop  }
0x5: {  	_ = 	snop  }
0x6: {  	_ = 	snop  }
0x7: {  	_ = 	snop  }
__scs_overlays_trampoline_lowered:
0x8: {  	[smem:$0x3FA7] =	sst s0  }
0x9: {  	[smem:$0x3FA8] =	sst s1  }
0xa: {  	[smem:$0x3FA9] =	sst s2  }
0xb: {  	[smem:$0x3FAA] =	sst s3  }
0xc: {  	[smem:$0x3FAB] =	sst s4  }
0xd: {  	[smem:$0x3FAC] =	sst s5  }
0xe: {  	[smem:$0x3FAD] =	sst s6  }
0xf: {  	[smem:$0x3FAE] =	sst s7  }
0x10: {  	[smem:$0x3FAF] =	sst s8  }
0x11: {  	[smem:$0x3FB0] =	sst s9;
	s0 =	simm.s32 @!p0 $0x0  }
0x12: {  	s1 =	sld [smem:$0x3F96];
	s0 =	simm.s32 @p0 $0x1  }
0x13: {  	[smem:$0x3FB1] =	sst s0;
	s0 =	simm.s32 @!p1 $0x0  }
0x14: {  	s2 =	sld [smem:$0x3F95];
	s0 =	simm.s32 @p1 $0x1  }
0x15: {  	[smem:$0x3FB2] =	sst s0;
	s0 =	simm.s32 @!p2 $0x0  }
0x16: {  	s3 =	sld [smem:$0x3FDB];
	s0 =	simm.s32 @p2 $0x1  }
0x17: {  	s4 =	simm.s32 $0x1BF5;
	[smem:$0x3FB4] =	sst s0  }
0x18: {  	s0 =	sld [smem:$0x3F97];
	_ =	swait.ge [sflag:s4], $0x0  }
0x19: {  	s7 =	sld [smem:$0x3F98]  }
0x1a: {  	s8 =	sadd.s32 $0xFFFFE003, lr  }
0x1b: {  	s9 =	sadd.s32 $0xFFFFFEF7, lr;
	s5 =	simm.s32 $0xFFFFFFFF;
	p2 =	slt.u32 s8, $0xFFFFF086  }
0x1c: {  	p1 =	slt.u32 s9, $0xF7A;
	s5 =	simm.s32 @!p2 $0x0  }
0x1d: {  	s5 =	simm.s32 @p1 $0x1;
	p0 =	seq.s32 s7, s2  }
0x1e: {  	s7 =	smul.u32 @!p0 $0xF7A, s2;
	p2 =	seq.s32 @!p0 s5, $0x0  }
0x1f: {  	s9 =	smul.u32 $0xF7A, s1;
	s8 =	simm.s32 @!p0 $0x1BF5;
	p2 =	por !p2, p0  }
0x20: {  	[sflag:s8] =	ssyncset.s32 @!p0 $0xFFFFF086;
	s6 =	sadd.s32 @!p0 s3, s7;
	s7 =	simm.s32 @!p0 $0x108  }
0x21: {  	s3 =	sadd.s32 s3, s9;
	s6 =	sadd.s32 @!p0 $0x88, s6;
	s7 =	simm.s32 @p2 $0x1082  }
0x22: {  	[simem:s7], [sflag:s8] =	dma.local @!p0 [hbm:s6], $0xF7A  }
0x23: {  	s9 =	sor.u32 $0xD0000000, s2;
	s6 =	simm.s32 $0x108;
	_ =	swait.ge @!p0 [sflag:s8], $0x0  }
0x24: {  	s3 =	sadd.s32 $0x88, s3;
	s6 =	simm.s32 @!p1 $0x1082;
	[sflag:s4] =	ssyncset.s32 $0xFFFFF086  }
0x25: {  	[simem:s6], [sflag:s4] =	dma.local [hbm:s3], $0xF7A  }
0x26: {  	[smem:$0x3F98] =	sst s1;
	(tag) =	ssettag s2;
	_ =	strace s9  }
0x27: {  	s1 =	sld [smem:$0x3FA8]  }
0x28: {  	s2 =	sld [smem:$0x3FA9]  }
0x29: {  	s4 =	sld [smem:$0x3FAB]  }
0x2a: {  	p0 =	seq.s32 s5, $0x0;
	s5 =	sld [smem:$0x3FAC]  }
0x2b: {  	s6 =	sld [smem:$0x3FAD]  }
0x2c: {  	s7 =	sld [smem:$0x3FAE]  }
0x2d: {  	s3 =	simm.s32 $0x108;
	s8 =	sld [smem:$0x3FAF]  }
0x2e: {  	s3 =	simm.s32 @!p0 $0x1082;
	s9 =	sld [smem:$0x3FB0]  }
0x2f: {  	lr =	sadd.s32 s0, s3;
	s0 =	sld [smem:$0x3FA7]  }
0x30: {  	s3 =	sld [smem:$0x3FAA]  }
0x31: {  	[smem:$0x3FB3] =	sst s10  }
0x32: {  	s10 =	sld [smem:$0x3FB1];
	_ =	sdelay $0x3  }
0x33: {  	p0 =	seq.s32 s10, $0x1;
	s10 =	sld [smem:$0x3FB3];
	_ =	sdelay $0x3  }
0x34: {  	[smem:$0x3FB3] =	sst s10  }
0x35: {  	s10 =	sld [smem:$0x3FB2];
	_ =	sdelay $0x3  }
0x36: {  	p1 =	seq.s32 s10, $0x1;
	s10 =	sld [smem:$0x3FB3];
	_ =	sdelay $0x3  }
0x37: {  	[smem:$0x3FB3] =	sst s10  }
0x38: {  	s10 =	sld [smem:$0x3FB4]  }
0x39: {  	_ = 	snop;
	(pc) =	sbr.ind lr, $3  }
0x3a: {  	_ = 	snop  }
0x3b: {  	_ = 	snop  }
0x3c: {  	p2 =	seq.s32 s10, $0x1;
	s10 =	sld [smem:$0x3FB3]  }
0x3d: {  	_ =	shalt  }
0x3e: {  	_ =	shalt  }
0x3f: {  	_ =	shalt  }
0x40: {  	_ =	shalt  }
0x41: {  	_ =	shalt  }
0x42: {  	_ =	shalt  }
0x43: {  	_ =	shalt  }
0x44: {  	_ =	shalt  }
0x45: {  	_ =	shalt  }
0x46: {  	_ =	shalt  }
0x47: {  	_ =	shalt  }
0x48: {  	_ =	shalt  }
0x49: {  	_ =	shalt  }
0x4a: {  	_ =	shalt  }
0x4b: {  	_ =	shalt  }
0x4c: {  	_ =	shalt  }
0x4d: {  	_ =	shalt  }
0x4e: {  	_ =	shalt  }
0x4f: {  	_ =	shalt  }
0x50: {  	_ =	shalt  }
0x51: {  	_ =	shalt  }
0x52: {  	_ =	shalt  }
0x53: {  	_ =	shalt  }
0x54: {  	_ =	shalt  }
0x55: {  	_ =	shalt  }
0x56: {  	_ =	shalt  }
0x57: {  	_ =	shalt  }
0x58: {  	_ =	shalt  }
0x59: {  	_ =	shalt  }
0x5a: {  	_ =	shalt  }
0x5b: {  	_ =	shalt  }
0x5c: {  	_ =	shalt  }
0x5d: {  	_ =	shalt  }
0x5e: {  	_ =	shalt  }
0x5f: {  	_ =	shalt  }
0x60: {  	_ =	shalt  }
0x61: {  	_ =	shalt  }
0x62: {  	_ =	shalt  }
0x63: {  	_ =	shalt  }
0x64: {  	_ =	shalt  }
0x65: {  	_ =	shalt  }
0x66: {  	_ =	shalt  }
0x67: {  	_ =	shalt  }
0x68: {  	_ =	shalt  }
0x69: {  	_ =	shalt  }
0x6a: {  	_ =	shalt  }
0x6b: {  	_ =	shalt  }
0x6c: {  	_ =	shalt  }
0x6d: {  	_ =	shalt  }
0x6e: {  	_ =	shalt  }
0x6f: {  	_ =	shalt  }
0x70: {  	_ =	shalt  }
0x71: {  	_ =	shalt  }
0x72: {  	_ =	shalt  }
0x73: {  	_ =	shalt  }
0x74: {  	_ =	shalt  }
0x75: {  	_ =	shalt  }
0x76: {  	_ =	shalt  }
0x77: {  	_ =	shalt  }
0x78: {  	_ =	shalt  }
0x79: {  	_ =	shalt  }
0x7a: {  	_ =	shalt  }
0x7b: {  	_ =	shalt  }
0x7c: {  	_ =	shalt  }
0x7d: {  	_ =	shalt  }
0x7e: {  	_ =	shalt  }
0x7f: {  	_ =	shalt  }
0x80: {  	_ =	shalt  }
0x81: {  	_ =	shalt  }
0x82: {  	_ =	shalt  }
0x83: {  	_ =	shalt  }
0x84: {  	_ =	shalt  }
0x85: {  	_ =	shalt  }
0x86: {  	_ =	shalt  }
0x87: {  	_ =	shalt  }
.Lfunc_end0:
.L_simem_size_0:
called_computation_lowered:
.L_overlay_start_0:
0x88: {  	s2 =	sld [smem:$0x3FD9]  }
0x89: {  	s3 =	sld [smem:$0x3FFE];
	_ =	sdelay $0x1  }
0x8a: {  	s1 =	srdreg.scid  }
0x8b: {  	s0 =	sand.u32 $0x1, s1  }
0x8c: {  	s16 =	sshll.u32 s0, $0xA;
	s2 =	sadd.s32 s3, s2  }
0x8d: {  	s2 =	sadd.s32 s2, s16  }
0x8e: {  	[smem:$0x3FBF] =	sst s2  }
0x8f: {  	_ = 	snop  }
0x90: {  	(tm) =	ssettm $0x1  }
0x91: {  	s17 =	sld [smem:$0x3FFB];
	_ =	sdelay $0x3  }
0x92: {  	_ =	strace s17  }
0x93: {  	s2 =	sld [smem:$0x3FFC];
	_ =	sdelay $0x3  }
0x94: {  	_ =	strace s2  }
0x95: {  	s2 =	sld [smem:$0x3FFD];
	_ =	sdelay $0x3  }
0x96: {  	_ =	strace s2  }
0x97: {  	_ =	strace $0x8FFFFFFF  }
0x98: {  	s18 =	sld [smem:$0x3FDB];
	_ =	sdelay $0x1  }
0x99: {  	s19 =	simm.s32 $_scs_section_size  }
0x9a: {  	s4 =	simm.s32 $_size__tile_overlayer_lowered;
	s5 =	simm.s32 $_tile_overlayer_lowered  }
0x9b: {  	s22 =	simm.s32 $0x1BFF;
	s21 =	sshll.u32 s5, $0x1;
	s2 =	sadd.s32 s19, s18  }
0x9c: {  	s6 =	simm.s32 $0x0;
	s20 =	sshll.u32 s4, $0x1;
	s4 =	sadd.s32 s21, s2  }
0x9d: {  	[timem:s6], [sflag:s22] =	dma.local [hbm:s4], s20  }
0x9e: {  	_ =	swait.ge [sflag:s22], s20  }
0x9f: {  	s3 =	ssub.s32 $0x0, s20;
	[sflag:s22] =	ssyncset.done $0x0  }
0xa0: {  	[sflag:s22] =	ssyncadd.s32 s3;
	_ =	sdelay $0x1  }
0xa1: {  	s23 =	simm.s32 $0x1B8B  }
0xa2: {  	_ =	swait.ge [sflag:s23], $0x1  }
0xa3: {  	[sflag:s23] =	ssyncset.done $0x0  }
0xa4: {  	s25 =	simm.s32 $0x1B8E;
	s24 =	sld [smem:$0x3FFE];
	[sflag:s23] =	ssyncadd.s32 $0xFFFFFFFF  }
0xa5: {  	s26 =	simm.s32 $execute0_lowered;
	[smem:$0x3FD2] =	sst s25  }
0xa6: {  	s4 =	sshll.u32 s26, $0x1;
	_ =	strace $0x80000046;
	[dreg:$0x1] =	wrdreg $0xFFFFFFFF  }
0xa7: {  	s28 =	simm.s32 $_size_execute0_lowered;
	s2 =	sadd.s32 s2, s4;
	[dreg:$0x0] =	wrdreg $0x0  }
0xa8: {  	s4 =	sshll.u32 s28, $0x1;
	[dreg:$0x2] =	wrdreg s2  }
0xa9: {  	[dreg:$0x3] =	wrdreg s4  }
0xaa: {  	[dreg:$0x4] =	wrdreg $0xC0  }
0xab: {  	_ =	task [dreg:s6], $0x5FFFF  }
0xac: {  	[dreg:$0x1] =	wrdreg $0xFFFFFFFF  }
0xad: {  	[dreg:$0x0] =	wrdreg $0x60  }
0xae: {  	[dreg:$0x2] =	wrdreg s24  }
0xaf: {  	[dreg:$0x3] =	wrdreg $0x8000  }
0xb0: {  	[dreg:$0x4] =	wrdreg $0x9  }
0xb1: {  	_ =	task.clear_ibuf [dreg:s6], $0x5FFFF;
	_ =	strace $0x90000046  }
0xb2: {  	s29 =	simm.s32 $0x9;
	_ =	strace $0x80000048  }
0xb3: {  	_ =	swait.ge [sflag:s29], $0x1  }
0xb4: {  	[sflag:s29] =	ssyncadd.s32 $0xFFFFFFFF  }
0xb5: {  	_ =	strace $0x90000048  }
0xb6: {  	_ =	sfence  }
0xb7: {  	s30 =	sld [smem:$0x0];
	_ =	sdelay $0x2  }
0xb8: {  	s31 =	sshll.u32 s1, $0xD;
	s1 =	sshrl.u32 s1, $0x2  }
0xb9: {  	s3 =	sand.u32 $0x4000, s31;
	s1 =	sadd.s32 s1, s30  }
0xba: {  	s0 =	sor.u32 s3, s0;
	s1 =	sshll.u32 s1, $0x11  }
0xbb: {  	s0 =	sor.u32 s1, s0  }
0xbc: {  	s0 =	sadd.s32 $0x8F2B, s0  }
0xbd: {  	[sflag:s0] =	ssyncadd.remote.s32 $0x1  }
0xbe: {  	_ =	sfence.sel $0xFFFF  }
0xbf: {  	[dreg:$0x0] =	wrdreg $0xFFFFFFFF;
	(pc) =	sbr.abs _section_cstart, $3  }
0xc0: {  	[dreg:$0x1] =	wrdreg $0xFFFFFFFF  }
0xc1: {  	_ =	task.clear_ibuf [dreg:s6], $0x2FFFF;
	_ =	strace $0x9FFFFFFF  }
0xc2: {  	(tm) =	ssettm $0x7FFFFFFF  }
0xc3: {  	_ =	shalt  }
tec
execute0_lowered:
.L_overlay_start_1:
0x0: {  	(tag) =	ssettag $0x1  }
0x1: {  	s1 =	srdreg.scid;
	s6 =	rddreg [dreg:$0x0]  }
0x2: {  	s0 =	stileid.u32;
	s2 =	rddreg [dreg:$0x1];
	s3 =	simm.s32 $0x0  }
0x3: {  	s12 =	simm.s32 $0x400;
	s13 =	simm.s32 $0x80;
	s14 =	simm.s32 $0x100  }
0x4: {  	s15 =	simm.s32 $0x180;
	s16 =	simm.s32 $0x200;
	s17 =	simm.s32 $0x280  }
0x5: {  	s18 =	simm.s32 $0x300;
	s19 =	simm.s32 $0x380;
	s4 =	smul.u32 $0x18800, s0  }
0x6: {  	s5 =	sand.u32 $0x1, s1;
	s1 =	rddreg [dreg:$0x2];
	s8 =	smul.u32 $0xC380, s0  }
0x7: {  	s20 =	simm.s32 $0x0;
	[smem:$0x7FF] =	sst s3;
	s7 =	smul.u32 $0xC400, s5  }
0x8: {  	s31 =	sshll.u32 s0, $0x6;
	s29 =	smul.u32 $0xC3800, s5;
	s10 =	ssub.s32 $0x2, s5  }
0x9: {  	_ =	strace $0x80000047;
	s5 =	sadd.s32 $0x64C00, s6;
	s30 =	sshrl.u32 s10, $0x1  }
0xa: {  	s11 =	sadd.s32 s8, s2;
	s4 =	sadd.s32 s7, s4;
	s7 =	sadd.s32 s8, s29  }
0xb: {  	s10 =	ssub.s32 s10, s30;
	s4 =	sshrl.u32 s4, $0x3;
	s7 =	sshrl.u32 s7, $0x3  }
0xc: {  	s8 =	smax.u32 s10, $0x1;
	s10 =	sshrl.u32 s11, $0x3;
	s11 =	simm.s32 $0x1  }
0xd: {  	s9 =	sadd.s32 s4, s6;
	s4 =	sadd.s32 $0x64E00, s6;
	s7 =	sadd.s32 s7, s6  }
0xe: {  	s6 =	sor.u32 $0x1C01, s31;
	s7 =	sadd.s32 $0x66800, s7;
	s9 =	sadd.s32 $0x33C00, s9  }
.LBB2_1:
0xf: {  	[spmem:s10], [sflag:s6] =	dma.local [hbm:s4], $0x1870  }
0x10: {  	_ =	swait.ge [sflag:s11], $0x1870  }
0x11: {  	[sflag:s11] =	ssyncset.done $0x0  }
0x12: {  	[sflag:s11] =	ssyncadd.s32 $0xFFFFE790  }
0x13: {  	[tilespmem:s12], [sflag:$0x1] =	stream.linear.gather [hbm4b:s5+s3], $0x400, $0x38;
	[tilespmem:$0xCB80] =	vst v63  }
0x14: {  	_ =	swait.ge [sflag:s11], $0x400  }
0x15: {  	[sflag:s11] =	ssyncset.done $0x0  }
0x16: {  	[sflag:s11] =	ssyncadd.s32 $0xFFFFFC00  }
0x17: {  	s21 =	sadd.s32 $0x0, s9;
	[bflag:$0x0] =	sbarrier.arrive $0xFFFF  }
0x18: {  	[tilespmem:s3], [sflag:$0x1] =	stream.linear.gather [hbm4b:s21+s3], $0x400, $0x38;
	[tilespmem:$0xCB80] =	vst v63  }
0x19: {  	_ =	swait.ge [sflag:s11], $0x400  }
0x1a: {  	[sflag:s11] =	ssyncset.done $0x0  }
0x1b: {  	[sflag:s11] =	ssyncadd.s32 $0xFFFFFC00  }
0x1c: {  	[spmem:s2] =	stream.indirect.scatter.add.s32 [tilespmem:s12], [sflag:$0x1], $0x8, s3, s13, $0xb8;
	[tilespmem:$0xCB80] =	vst v63  }
0x1d: {  	_ =	swait.ge [sflag:s11], $0x400  }
0x1e: {  	[sflag:s11] =	ssyncset.done $0x0  }
0x1f: {  	[sflag:s11] =	ssyncadd.s32 $0xFFFFFC00  }
0x20: {  	[spmem:s2] =	stream.indirect.scatter.add.s32 [tilespmem:s12], [sflag:$0x1], $0x8, s13, s13, $0xb8;
	[tilespmem:$0xCB80] =	vst v63  }
0x21: {  	_ =	swait.ge [sflag:s11], $0x400  }
0x22: {  	[sflag:s11] =	ssyncset.done $0x0  }
0x23: {  	[sflag:s11] =	ssyncadd.s32 $0xFFFFFC00  }
0x24: {  	[spmem:s2] =	stream.indirect.scatter.add.s32 [tilespmem:s12], [sflag:$0x1], $0x8, s14, s13, $0xb8;
	[tilespmem:$0xCB80] =	vst v63  }
0x25: {  	_ =	swait.ge [sflag:s11], $0x400  }
0x26: {  	[sflag:s11] =	ssyncset.done $0x0  }
0x27: {  	[sflag:s11] =	ssyncadd.s32 $0xFFFFFC00  }
0x28: {  	[spmem:s2] =	stream.indirect.scatter.add.s32 [tilespmem:s12], [sflag:$0x1], $0x8, s15, s13, $0xb8;
	[tilespmem:$0xCB80] =	vst v63  }
0x29: {  	_ =	swait.ge [sflag:s11], $0x400  }
0x2a: {  	[sflag:s11] =	ssyncset.done $0x0  }
0x2b: {  	[sflag:s11] =	ssyncadd.s32 $0xFFFFFC00  }
0x2c: {  	[spmem:s2] =	stream.indirect.scatter.add.s32 [tilespmem:s12], [sflag:$0x1], $0x8, s16, s13, $0xb8;
	[tilespmem:$0xCB80] =	vst v63  }
0x2d: {  	_ =	swait.ge [sflag:s11], $0x400  }
0x2e: {  	[sflag:s11] =	ssyncset.done $0x0  }
0x2f: {  	[sflag:s11] =	ssyncadd.s32 $0xFFFFFC00  }
0x30: {  	[spmem:s2] =	stream.indirect.scatter.add.s32 [tilespmem:s12], [sflag:$0x1], $0x8, s17, s13, $0xb8;
	[tilespmem:$0xCB80] =	vst v63  }
0x31: {  	_ =	swait.ge [sflag:s11], $0x400  }
0x32: {  	[sflag:s11] =	ssyncset.done $0x0  }
0x33: {  	[sflag:s11] =	ssyncadd.s32 $0xFFFFFC00  }
0x34: {  	[spmem:s2] =	stream.indirect.scatter.add.s32 [tilespmem:s12], [sflag:$0x1], $0x8, s18, s13, $0xb8;
	[tilespmem:$0xCB80] =	vst v63  }
0x35: {  	_ =	swait.ge [sflag:s11], $0x400  }
0x36: {  	[sflag:s11] =	ssyncset.done $0x0  }
0x37: {  	[sflag:s11] =	ssyncadd.s32 $0xFFFFFC00  }
0x38: {  	[spmem:s2] =	stream.indirect.scatter.add.s32 [tilespmem:s12], [sflag:$0x1], $0x8, s19, s13, $0xb8;
	[tilespmem:$0xCB80] =	vst v63  }
0x39: {  	_ =	swait.ge [sflag:s11], $0x400  }
0x3a: {  	s23 =	simm.s32 $0x100;
	s21 =	simm.s32 $0x80;
	[sflag:s11] =	ssyncset.done $0x0  }
.LBB2_2:
0x3b: {  	s24 =	sadd.s32 s21, s9  }
0x3c: {  	[sflag:s11] =	ssyncadd.s32 $0xFFFFFC00;
	s21 =	smov.u32 s23;
	s22 =	sadd.s32 $0x80, s23  }
0x3d: {  	[tilespmem:s3], [sflag:$0x1] =	stream.linear.gather [hbm4b:s24+s3], $0x400, $0x38;
	[tilespmem:$0xCB80] =	vst v63  }
0x3e: {  	p0 =	sne.s32 s23, $0x1800;
	_ =	swait.ge [sflag:s11], $0x400  }
0x3f: {  	[sflag:s11] =	ssyncset.done $0x0  }
0x40: {  	[sflag:s11] =	ssyncadd.s32 $0xFFFFFC00  }
0x41: {  	[spmem:s2] =	stream.indirect.scatter.add.s32 [tilespmem:s12], [sflag:$0x1], $0x8, s3, s13, $0xb8;
	[tilespmem:$0xCB80] =	vst v63  }
0x42: {  	_ =	swait.ge [sflag:s11], $0x400  }
0x43: {  	[sflag:s11] =	ssyncset.done $0x0  }
0x44: {  	[sflag:s11] =	ssyncadd.s32 $0xFFFFFC00  }
0x45: {  	[spmem:s2] =	stream.indirect.scatter.add.s32 [tilespmem:s12], [sflag:$0x1], $0x8, s13, s13, $0xb8;
	[tilespmem:$0xCB80] =	vst v63  }
0x46: {  	_ =	swait.ge [sflag:s11], $0x400  }
0x47: {  	[sflag:s11] =	ssyncset.done $0x0  }
0x48: {  	[sflag:s11] =	ssyncadd.s32 $0xFFFFFC00  }
0x49: {  	[spmem:s2] =	stream.indirect.scatter.add.s32 [tilespmem:s12], [sflag:$0x1], $0x8, s14, s13, $0xb8;
	[tilespmem:$0xCB80] =	vst v63  }
0x4a: {  	_ =	swait.ge [sflag:s11], $0x400  }
0x4b: {  	[sflag:s11] =	ssyncset.done $0x0  }
0x4c: {  	[sflag:s11] =	ssyncadd.s32 $0xFFFFFC00  }
0x4d: {  	[spmem:s2] =	stream.indirect.scatter.add.s32 [tilespmem:s12], [sflag:$0x1], $0x8, s15, s13, $0xb8;
	[tilespmem:$0xCB80] =	vst v63  }
0x4e: {  	_ =	swait.ge [sflag:s11], $0x400  }
0x4f: {  	[sflag:s11] =	ssyncset.done $0x0  }
0x50: {  	[sflag:s11] =	ssyncadd.s32 $0xFFFFFC00  }
0x51: {  	[spmem:s2] =	stream.indirect.scatter.add.s32 [tilespmem:s12], [sflag:$0x1], $0x8, s16, s13, $0xb8;
	[tilespmem:$0xCB80] =	vst v63  }
0x52: {  	_ =	swait.ge [sflag:s11], $0x400  }
0x53: {  	[sflag:s11] =	ssyncset.done $0x0  }
0x54: {  	[sflag:s11] =	ssyncadd.s32 $0xFFFFFC00  }
0x55: {  	[spmem:s2] =	stream.indirect.scatter.add.s32 [tilespmem:s12], [sflag:$0x1], $0x8, s17, s13, $0xb8;
	[tilespmem:$0xCB80] =	vst v63  }
0x56: {  	_ =	swait.ge [sflag:s11], $0x400  }
0x57: {  	[sflag:s11] =	ssyncset.done $0x0  }
0x58: {  	[sflag:s11] =	ssyncadd.s32 $0xFFFFFC00  }
0x59: {  	[spmem:s2] =	stream.indirect.scatter.add.s32 [tilespmem:s12], [sflag:$0x1], $0x8, s18, s13, $0xb8;
	[tilespmem:$0xCB80] =	vst v63  }
0x5a: {  	_ =	swait.ge [sflag:s11], $0x400  }
.Ltmp0:
0x5b: {  	[sflag:s11] =	ssyncset.done $0x0;
	(pc) =	sbr.rel @p0 .LBB2_2-.Ltmp0, $4  }
0x5c: {  	[sflag:s11] =	ssyncadd.s32 $0xFFFFFC00  }
0x5d: {  	[spmem:s2] =	stream.indirect.scatter.add.s32 [tilespmem:s12], [sflag:$0x1], $0x8, s19, s13, $0xb8;
	[tilespmem:$0xCB80] =	vst v63  }
0x5e: {  	_ =	swait.ge [sflag:s11], $0x400  }
0x5f: {  	s23 =	smov.u32 s22;
	[sflag:s11] =	ssyncset.done $0x0  }
0x60: {  	s21 =	sadd.s32 s21, s9;
	[sflag:s11] =	ssyncadd.s32 $0xFFFFFC00  }
0x61: {  	[tilespmem:s3], [sflag:$0x1] =	stream.linear.gather [hbm4b:s21+s3], $0x400, $0x38;
	[tilespmem:$0xCB80] =	vst v63  }
0x62: {  	_ =	swait.ge [sflag:s11], $0x400  }
0x63: {  	[sflag:s11] =	ssyncset.done $0x0  }
0x64: {  	[sflag:s11] =	ssyncadd.s32 $0xFFFFFC00  }
0x65: {  	[spmem:s2] =	stream.indirect.scatter.add.s32 [tilespmem:s12], [sflag:$0x1], $0x8, s3, s13, $0xb8;
	[tilespmem:$0xCB80] =	vst v63  }
0x66: {  	_ =	swait.ge [sflag:s11], $0x400  }
0x67: {  	[sflag:s11] =	ssyncset.done $0x0  }
0x68: {  	[sflag:s11] =	ssyncadd.s32 $0xFFFFFC00  }
0x69: {  	[spmem:s2] =	stream.indirect.scatter.add.s32 [tilespmem:s12], [sflag:$0x1], $0x8, s13, s13, $0xb8;
	[tilespmem:$0xCB80] =	vst v63  }
0x6a: {  	_ =	swait.ge [sflag:s11], $0x400  }
0x6b: {  	[sflag:s11] =	ssyncset.done $0x0  }
0x6c: {  	[sflag:s11] =	ssyncadd.s32 $0xFFFFFC00  }
0x6d: {  	[spmem:s2] =	stream.indirect.scatter.add.s32 [tilespmem:s12], [sflag:$0x1], $0x8, s14, s13, $0xb8;
	[tilespmem:$0xCB80] =	vst v63  }
0x6e: {  	_ =	swait.ge [sflag:s11], $0x400  }
0x6f: {  	[sflag:s11] =	ssyncset.done $0x0  }
0x70: {  	[sflag:s11] =	ssyncadd.s32 $0xFFFFFC00  }
0x71: {  	[spmem:s2] =	stream.indirect.scatter.add.s32 [tilespmem:s12], [sflag:$0x1], $0x8, s15, s13, $0xb8;
	[tilespmem:$0xCB80] =	vst v63  }
0x72: {  	_ =	swait.ge [sflag:s11], $0x400  }
0x73: {  	[sflag:s11] =	ssyncset.done $0x0  }
0x74: {  	[sflag:s11] =	ssyncadd.s32 $0xFFFFFC00  }
0x75: {  	[spmem:s2] =	stream.indirect.scatter.add.s32 [tilespmem:s12], [sflag:$0x1], $0x8, s16, s13, $0xb8;
	[tilespmem:$0xCB80] =	vst v63  }
0x76: {  	_ =	swait.ge [sflag:s11], $0x400  }
0x77: {  	[sflag:s11] =	ssyncset.done $0x0  }
0x78: {  	[sflag:s11] =	ssyncadd.s32 $0xFFFFFC00  }
0x79: {  	[spmem:s2] =	stream.indirect.scatter.add.s32 [tilespmem:s12], [sflag:$0x1], $0x8, s17, s13, $0xb8;
	[tilespmem:$0xCB80] =	vst v63  }
0x7a: {  	_ =	swait.ge [sflag:s11], $0x400  }
0x7b: {  	[sflag:s11] =	ssyncset.done $0x0  }
0x7c: {  	[sflag:s11] =	ssyncadd.s32 $0xFFFFFC00  }
0x7d: {  	[spmem:s2] =	stream.indirect.scatter.add.s32 [tilespmem:s12], [sflag:$0x1], $0x8, s18, s13, $0xb8;
	[tilespmem:$0xCB80] =	vst v63  }
0x7e: {  	_ =	swait.ge [sflag:s11], $0x400  }
0x7f: {  	[sflag:s11] =	ssyncset.done $0x0  }
0x80: {  	[sflag:s11] =	ssyncadd.s32 $0xFFFFFC00  }
0x81: {  	[spmem:s2] =	stream.indirect.scatter.add.s32 [tilespmem:s12], [sflag:$0x1], $0x8, s19, s13, $0xb8;
	[tilespmem:$0xCB80] =	vst v63  }
0x82: {  	_ =	swait.ge [sflag:s11], $0x400  }
0x83: {  	s20 =	sadd.s32 $0x1, s20;
	[sflag:s11] =	ssyncset.done $0x0  }
0x84: {  	p0 =	sne.s32 s20, s8;
	[sflag:s11] =	ssyncadd.s32 $0xFFFFFC00  }
.Ltmp1:
0x85: {  	[bflag:$0x0] =	sbarrier.arrive $0xFFFF;
	(pc) =	sbr.rel @p0 .LBB2_1-.Ltmp1, $4  }
0x86: {  	[hbm:s7], [sflag:s6] =	dma.local [spmem:s10], $0x1870  }
0x87: {  	_ =	swait.ge [sflag:s11], $0x1870  }
0x88: {  	[sflag:s11] =	ssyncset.done $0x0  }
0x89: {  	[sflag:s11] =	ssyncadd.s32 $0xFFFFE790  }
0x8a: {  	_ =	sfence.sel $0x180000  }
0x8b: {  	[bflag:$0x0] =	sbarrier.arrive $0xFFFF  }
0x8c: {  	p0 =	sne.s32 s0, $0x0;
	_ =	strace $0x90000047  }
0x8d: {  	s0 =	sadd.s32 @!p0 $0x100000, s1;
	[bflag:$0x2] =	sbarrier.arrive $0xFFFF  }
0x8e: {  	[sflag:s0] =	ssyncadd.tile.s32 @!p0 $0x1;
	_ =	shalt  }
.Lfunc_end2:
_tile_overlayer_lowered:
.L_overlay_start_2:
0x8f: {  	(tag) =	ssettag $0x2  }
0x90: {  	s0 =	rddreg [dreg:$0x0];
	s2 =	stileid.u32  }
0x91: {  	s1 =	rddreg [dreg:$0x1];
	p0 =	sne.s32 s2, $0x0  }
0x92: {  	s3 =	rddreg [dreg:$0x2];
	[bflag:$0x3] =	sbarrier.arrive $0xFFFF;
	s2 =	simm.s32 @!p0 $0x1C01  }
0x93: {  	[timem:s3], [sflag:s2] =	dma.local @!p0 [hbm:s0], s1  }
0x94: {  	s0 =	simm.s32 @!p0 $0x1  }
0x95: {  	_ =	swait.ge @!p0 [sflag:s0], s1  }
0x96: {  	s1 =	ssub.s32 @!p0 $0x0, s1;
	[sflag:s0] =	ssyncset.done @!p0 $0x0  }
0x97: {  	[sflag:s0] =	ssyncadd.s32 @!p0 s1  }
0x98: {  	[bflag:$0x3] =	sbarrier.arrive $0xFFFF  }
0x99: {  	_ =	shalt  }

</sc_bundles>
